<compile_context>
chip_gen: v7x
topology: tpu7x:2x2x1
jax: 0.10.2.dev20260603
libtpu: 0.0.44.dev20260713+nightly
codegen_flags: <defaults>
</compile_context>

<pallas_src>
import functools

import jax
import jax.numpy as jnp
from jax import lax
from jax.experimental import pallas as pl
from jax.experimental.pallas import tpu as pltpu
from jax.experimental.pallas import tpu_sc as plsc

NC = 2
NS = 16
NW = NC * NS
DEG_CHUNK = 128
SEG_CHUNK = 128
IDXB = 40
STAGES_FAST = 2
STAGES_SLOW = 2
FAST_CORE = 0


def _make_sc_deg(n_pad, n_chunks):
    rows_per_tile = n_pad // NS
    mesh = plsc.VectorSubcoreMesh(core_axis_name="c", subcore_axis_name="s")
    nfull, nrem = divmod(rows_per_tile, DEG_CHUNK)

    @functools.partial(
        pl.kernel,
        out_type=jax.ShapeDtypeStruct((NC, n_pad, 128), jnp.float32),
        mesh=mesh,
        scratch_types=[
            pltpu.VMEM((n_chunks, 1, DEG_CHUNK), jnp.int32),
            pltpu.VMEM((DEG_CHUNK, 128), jnp.float32),
            pltpu.VMEM((DEG_CHUNK, 128), jnp.float32),
            pltpu.VMEM_SHARED((n_pad, 128), jnp.float32),
        ],
    )
    def sc_deg(dst_hbm, ones_hbm, zeros_hbm, deg_out, dst_v, ones_v, zb_v, acc):
        c = lax.axis_index("c")
        s = lax.axis_index("s")
        w = c * NS + s
        pltpu.sync_copy(dst_hbm.at[w], dst_v)
        pltpu.sync_copy(ones_hbm, ones_v)
        pltpu.sync_copy(zeros_hbm, zb_v)
        base = s * rows_per_tile
        for k in range(nfull):
            pltpu.sync_copy(zb_v, acc.at[pl.ds(base + k * DEG_CHUNK, DEG_CHUNK)])
        if nrem:
            pltpu.sync_copy(zb_v.at[pl.ds(0, nrem)],
                            acc.at[pl.ds(base + nfull * DEG_CHUNK, nrem)])
        plsc.subcore_barrier()

        @pl.loop(0, n_chunks)
        def _(j):
            pltpu.sync_copy(ones_v, acc.at[dst_v.at[j, 0]], add=True)

        plsc.subcore_barrier()
        pltpu.sync_copy(acc.at[pl.ds(base, rows_per_tile)],
                        deg_out.at[c, pl.ds(base, rows_per_tile)])

    return sc_deg


def _make_sc_seg(n_pad, stages_fast, stages_slow, fast_core, d):
    rows_per_tile = n_pad // NS
    mesh = plsc.VectorSubcoreMesh(core_axis_name="c", subcore_axis_name="s")
    nfull, nrem = divmod(rows_per_tile, SEG_CHUNK)
    max_stages = max(stages_fast, stages_slow)

    @functools.partial(
        pl.kernel,
        out_type=jax.ShapeDtypeStruct((NC, n_pad, d), jnp.float32),
        mesh=mesh,
        scratch_types=[
            pltpu.VMEM((IDXB, 2, SEG_CHUNK), jnp.int32),
            pltpu.VMEM((SEG_CHUNK, d), jnp.float32),
            pltpu.VMEM((SEG_CHUNK, d), jnp.float32),
            pltpu.VMEM_SHARED((n_pad, d), jnp.float32),
            pltpu.SemaphoreType.DMA,
            pltpu.SemaphoreType.DMA,
            pltpu.SemaphoreType.DMA,
            pltpu.SemaphoreType.DMA,
        ],
    )
    def sc_seg(h_hbm, comb_hbm, zeros_hbm, s_out,
               idx_v, buf0, buf1, acc, sem0, sem1, sems0, sems1):
        c = lax.axis_index("c")
        s = lax.axis_index("s")
        w = c * NS + s
        pltpu.sync_copy(zeros_hbm, buf0)
        base = s * rows_per_tile
        for k in range(nfull):
            pltpu.sync_copy(buf0, acc.at[pl.ds(base + k * SEG_CHUNK, SEG_CHUNK)])
        if nrem:
            pltpu.sync_copy(buf0.at[pl.ds(0, nrem)],
                            acc.at[pl.ds(base + nfull * SEG_CHUNK, nrem)])
        plsc.subcore_barrier()

        my_stages = lax.select(c == fast_core,
                               jnp.int32(stages_fast), jnp.int32(stages_slow))

        @pl.loop(0, my_stages)
        def _(t):
            pltpu.sync_copy(comb_hbm.at[w, t], idx_v)
            pltpu.async_copy(h_hbm.at[idx_v.at[0, 0]], buf0, sem0)

            @pl.loop(0, IDXB // 2)
            def _(g):
                c0 = 2 * g
                c1 = c0 + 1
                pltpu.async_copy(h_hbm.at[idx_v.at[c1, 0]], buf1, sem1)
                pltpu.make_async_copy(h_hbm.at[idx_v.at[c0, 0]], buf0, sem0).wait()
                pltpu.async_copy(buf0, acc.at[idx_v.at[c0, 1]], sems0, add=True)
                pltpu.make_async_copy(h_hbm.at[idx_v.at[c1, 0]], buf1, sem1).wait()
                pltpu.async_copy(buf1, acc.at[idx_v.at[c1, 1]], sems1, add=True)
                pltpu.make_async_copy(buf0, acc.at[idx_v.at[c0, 1]], sems0).wait()

                @pl.when(g < IDXB // 2 - 1)
                def _():
                    pltpu.async_copy(h_hbm.at[idx_v.at[c0 + 2, 0]], buf0, sem0)

                pltpu.make_async_copy(buf1, acc.at[idx_v.at[c1, 1]], sems1).wait()

        plsc.subcore_barrier()
        pltpu.sync_copy(acc.at[pl.ds(base, rows_per_tile)],
                        s_out.at[c, pl.ds(base, rows_per_tile)])

    return sc_seg


def _dinv_of(deg_blk):
    return lax.rsqrt(1.0 + deg_blk[0, :, 0:1] + deg_blk[1, :, 0:1])


def _tc_pre(deg, emb, W):
    n, d = emb.shape
    BR = 1000
    grid = (n // BR,)

    def body(deg_ref, emb_ref, w_ref, out_ref):
        dinv = _dinv_of(deg_ref[...])
        h = jnp.dot(emb_ref[...], w_ref[...],
                    preferred_element_type=jnp.float32,
                    precision=lax.Precision.HIGHEST)
        out_ref[...] = h * dinv

    return pl.pallas_call(
        body,
        grid=grid,
        in_specs=[
            pl.BlockSpec((2, BR, 128), lambda i: (0, i, 0)),
            pl.BlockSpec((BR, d), lambda i: (i, 0)),
            pl.BlockSpec((d, d), lambda i: (0, 0)),
        ],
        out_specs=pl.BlockSpec((BR, d), lambda i: (i, 0)),
        out_shape=jax.ShapeDtypeStruct((n, d), jnp.float32),
    )(deg, emb, W)


def _tc_mid(S, h, deg, b, W):
    n, d = h.shape
    BR = 1000
    grid = (n // BR,)

    def body(s_ref, h_ref, deg_ref, b_ref, w_ref, out_ref):
        dinv = _dinv_of(deg_ref[...])
        ssum = s_ref[0] + s_ref[1] + h_ref[...]
        x = jnp.maximum(ssum * dinv + b_ref[...], 0.0)
        out_ref[...] = jnp.dot(x, w_ref[...],
                               preferred_element_type=jnp.float32,
                               precision=lax.Precision.HIGHEST) * dinv

    return pl.pallas_call(
        body,
        grid=grid,
        in_specs=[
            pl.BlockSpec((2, BR, d), lambda i: (0, i, 0)),
            pl.BlockSpec((BR, d), lambda i: (i, 0)),
            pl.BlockSpec((2, BR, 128), lambda i: (0, i, 0)),
            pl.BlockSpec((1, d), lambda i: (0, 0)),
            pl.BlockSpec((d, d), lambda i: (0, 0)),
        ],
        out_specs=pl.BlockSpec((BR, d), lambda i: (i, 0)),
        out_shape=jax.ShapeDtypeStruct((n, d), jnp.float32),
    )(S, h, deg, b, W)


def _tc_final(S, h, deg, b):
    n, d = h.shape
    BR = 1000
    grid = (n // BR,)

    def body(s_ref, h_ref, deg_ref, b_ref, out_ref):
        dinv = _dinv_of(deg_ref[...])
        ssum = s_ref[0] + s_ref[1] + h_ref[...]
        out_ref[...] = ssum * dinv + b_ref[...]

    return pl.pallas_call(
        body,
        grid=grid,
        in_specs=[
            pl.BlockSpec((2, BR, d), lambda i: (0, i, 0)),
            pl.BlockSpec((BR, d), lambda i: (i, 0)),
            pl.BlockSpec((2, BR, 128), lambda i: (0, i, 0)),
            pl.BlockSpec((1, d), lambda i: (0, 0)),
        ],
        out_specs=pl.BlockSpec((BR, d), lambda i: (i, 0)),
        out_shape=jax.ShapeDtypeStruct((n, d), jnp.float32),
    )(S, h, deg, b)


def kernel(edge_index, emb, W1, b1, W2, b2, W3, b3):
    n, d = emb.shape
    e = edge_index.shape[1]

    n_pad = -(-(n + 1) // (NS * 8)) * (NS * 8)

    def pad_fill(padlen, lo, span):
        return lo + jnp.arange(padlen, dtype=jnp.int32) % span

    def chunked(arr, fill_lo, fill_span, chunk, granule):
        nck = -(-e // (NW * chunk))
        nck += (-nck) % granule
        padlen = NW * nck * chunk - e
        out = jnp.concatenate([arr, pad_fill(padlen, fill_lo, fill_span)])
        return out.reshape(NW, nck, chunk), nck

    src = edge_index[0]
    dst = edge_index[1]
    dst_d, deg_nc = chunked(dst, n, n_pad - n, DEG_CHUNK, 2)
    dst_d = dst_d.reshape(NW, deg_nc, 1, DEG_CHUNK)

    total_stages = STAGES_FAST + STAGES_SLOW
    stage_edges = IDXB * SEG_CHUNK
    e_pad = NS * total_stages * stage_edges
    assert e_pad >= e

    def seg_idx(arr, fill_lo, fill_span):
        flat = jnp.concatenate([arr, pad_fill(e_pad - e, fill_lo, fill_span)])
        fast = flat[:NS * STAGES_FAST * stage_edges].reshape(
            NS, STAGES_FAST, IDXB, SEG_CHUNK)
        slow = flat[NS * STAGES_FAST * stage_edges:].reshape(
            NS, STAGES_SLOW, IDXB, SEG_CHUNK)
        max_stages = max(STAGES_FAST, STAGES_SLOW)

        def stage_pad(part, missing):
            extra = pad_fill(NS * missing * stage_edges, fill_lo, fill_span)
            extra = extra.reshape(NS, missing, IDXB, SEG_CHUNK)
            return jnp.concatenate([part, extra], axis=1)

        fast = stage_pad(fast, max_stages - STAGES_FAST)
        slow = stage_pad(slow, max_stages - STAGES_SLOW)
        parts = [fast, slow] if FAST_CORE == 0 else [slow, fast]
        return jnp.concatenate(parts, axis=0)

    comb = jnp.stack([seg_idx(src, 0, n), seg_idx(dst, n, n_pad - n)], axis=3)

    ones16 = jnp.ones((DEG_CHUNK, 128), jnp.float32)
    zeros16 = jnp.zeros((DEG_CHUNK, 128), jnp.float32)
    zeros_d = jnp.zeros((SEG_CHUNK, d), jnp.float32)
    b1r = b1.reshape(1, d)
    b2r = b2.reshape(1, d)
    b3r = b3.reshape(1, d)

    sc_deg = _make_sc_deg(n_pad, deg_nc)
    sc_seg = _make_sc_seg(n_pad, STAGES_FAST, STAGES_SLOW, FAST_CORE, d)

    deg = sc_deg(dst_d, ones16, zeros16)
    h1 = _tc_pre(deg, emb, W1)
    s1 = sc_seg(h1, comb, zeros_d)
    h2 = _tc_mid(s1, h1, deg, b1r, W2)
    s2 = sc_seg(h2, comb, zeros_d)
    h3 = _tc_mid(s2, h2, deg, b2r, W3)
    s3 = sc_seg(h3, comb, zeros_d)
    return _tc_final(s3, h3, deg, b3r)

# --- scband reference (transcript-rebuilt; emitter-appended) ---
"""Pipeline reference for scband-gnnencoder-85392539779175 (READ-ONLY COPY).

The authoritative reference and input builder live on the scoring server;
editing this copy changes nothing except your own understanding.
"""

import jax, jax.numpy as jnp
import numpy as np

N = 10000
E = 320000
D_IN = 128
D_H = 128
D_OUT = 128


def setup_inputs(seed: int = 0) -> dict:
    key = jax.random.key(seed)
    ks = jax.random.split(key, 8)
    edge_index = jax.random.randint(ks[0], (2, E), 0, N, dtype=jnp.int32)
    emb = jax.random.normal(ks[1], (N, D_IN), dtype=jnp.float32)
    W1 = jax.random.normal(ks[2], (D_IN, D_H), dtype=jnp.float32) * (1.0 / np.sqrt(D_IN))
    b1 = jnp.zeros((D_H,), dtype=jnp.float32)
    W2 = jax.random.normal(ks[3], (D_H, D_H), dtype=jnp.float32) * (1.0 / np.sqrt(D_H))
    b2 = jnp.zeros((D_H,), dtype=jnp.float32)
    W3 = jax.random.normal(ks[4], (D_H, D_OUT), dtype=jnp.float32) * (1.0 / np.sqrt(D_H))
    b3 = jnp.zeros((D_OUT,), dtype=jnp.float32)
    return {"edge_index": edge_index, "emb": emb, "W1": W1, "b1": b1, "W2": W2, "b2": b2, "W3": W3, "b3": b3}


def _gcn_layer(x, src, dst, norm, W, b):
    h = x @ W
    msg = h[src] * norm[:, None]
    out = jax.ops.segment_sum(msg, dst, num_segments=N)
    return out + b


def reference(edge_index, emb, W1, b1, W2, b2, W3, b3):
    # GCNConv with added self-loops and symmetric normalization (PyG semantics).
    loops = jnp.arange(N, dtype=edge_index.dtype)
    src = jnp.concatenate([edge_index[0], loops])
    dst = jnp.concatenate([edge_index[1], loops])
    deg = jnp.zeros((N,), dtype=jnp.float32).at[dst].add(1.0)
    dinv = 1.0 / jnp.sqrt(deg)  # deg >= 1 due to self-loops
    norm = dinv[src] * dinv[dst]

    x = emb  # learnable node embedding table is the input features
    x = _gcn_layer(x, src, dst, norm, W1, b1)
    x = jax.nn.relu(x)
    # dropout is identity in eval mode
    x = _gcn_layer(x, src, dst, norm, W2, b2)
    x = jax.nn.relu(x)
    x = _gcn_layer(x, src, dst, norm, W3, b3)
    return x

if __name__ == "__main__":
    import jax
    _d = setup_inputs()
    print(jax.jit(kernel)(*tuple(_d.values())))

</pallas_src>

<mosaic_0001>
#map = affine_map<(d0, d1) -> (0, 0)>
#map1 = affine_map<(d0, d1) -> (0, 0, 0, 0, 0)>
#map2 = affine_map<(d0, d1) -> (0, 0, 0)>
module attributes {stable_mosaic.version = 14 : i64} {
  func.func @sc_seg(%arg0: i32, %arg1: i32, %arg2: memref<10000x128xf32, #tpu.memory_space<hbm>>, %arg3: memref<32x2x40x2x128xi32, #tpu.memory_space<hbm>>, %arg4: memref<128x128xf32, #tpu.memory_space<hbm>>, %arg5: memref<2x10112x128xf32, #tpu.memory_space<hbm>>, %arg6: memref<40x2x128xi32, #tpu.memory_space<vmem>>, %arg7: memref<128x128xf32, #tpu.memory_space<vmem>>, %arg8: memref<128x128xf32, #tpu.memory_space<vmem>>, %arg9: memref<10112x128xf32, #tpu.memory_space<vmem_shared>>, %arg10: memref<!tpu.dma_semaphore, #tpu.memory_space<semaphore_mem>>, %arg11: memref<!tpu.dma_semaphore, #tpu.memory_space<semaphore_mem>>, %arg12: memref<!tpu.dma_semaphore, #tpu.memory_space<semaphore_mem>>, %arg13: memref<!tpu.dma_semaphore, #tpu.memory_space<semaphore_mem>>) attributes {dimension_semantics = [#tpu.dimension_semantics<core_parallel>, #tpu.dimension_semantics<subcore_parallel>], iteration_bounds = array<i64: 2, 16>, scalar_prefetch = 0 : i64, scratch_operands = 8 : i64, tpu.core_type = #tpu.core_type<sc_vector_subcore>, window_params = [{transform_indices = #map}, {transform_indices = #map1}, {transform_indices = #map}, {transform_indices = #map2}]} {
    %mul3A = arith.constant 16 : i32
    %mul3A_0 = arith.muli %arg0, %mul3A : i32
    %add3A = arith.addi %mul3A_0, %arg1 : i32
    "tpu.region"() ({
      %run_scoped3A = tpu.sem_alloc : memref<!tpu.dma_semaphore, #tpu.memory_space<semaphore_mem>>
      tpu.enqueue_dma source(%arg4 : memref<128x128xf32, #tpu.memory_space<hbm>>) target(%arg7 : memref<128x128xf32, #tpu.memory_space<vmem>>) target_semaphore(%run_scoped3A : memref<!tpu.dma_semaphore, #tpu.memory_space<semaphore_mem>>)
      tpu.wait_dma2 semaphore(%run_scoped3A : memref<!tpu.dma_semaphore, #tpu.memory_space<semaphore_mem>>) src(%arg4 : memref<128x128xf32, #tpu.memory_space<hbm>>) dst(%arg7 : memref<128x128xf32, #tpu.memory_space<vmem>>)
      tpu.yield
    }) : () -> ()
    %mul3A_1 = arith.constant 632 : i32
    %mul3A_2 = arith.muli %arg1, %mul3A_1 : i32
    %add3A_3 = arith.constant 0 : i32
    %add3A_4 = arith.addi %mul3A_2, %add3A_3 : i32
    "tpu.region"() ({
      %run_scoped3A = tpu.sem_alloc : memref<!tpu.dma_semaphore, #tpu.memory_space<semaphore_mem>>
      %dma_start3A = arith.constant 0 : i32
      %dma_start3A_33 = tpu.memref_slice %arg9[%add3A_4, %dma_start3A] : memref<10112x128xf32, #tpu.memory_space<vmem_shared>> -> memref<128x128xf32, #tpu.memory_space<vmem_shared>>
      %dma_start3A_34 = arith.constant 0 : i32
      %dma_start3A_35 = tpu.memref_slice %arg9[%add3A_4, %dma_start3A_34] : memref<10112x128xf32, #tpu.memory_space<vmem_shared>> -> memref<128x128xf32, #tpu.memory_space<vmem_shared>>
      tpu.enqueue_dma source(%arg7 : memref<128x128xf32, #tpu.memory_space<vmem>>) target(%dma_start3A_35 : memref<128x128xf32, #tpu.memory_space<vmem_shared>>) target_semaphore(%run_scoped3A : memref<!tpu.dma_semaphore, #tpu.memory_space<semaphore_mem>>)
      %dma_wait3A = arith.constant 0 : i32
      %dma_wait3A_36 = tpu.memref_slice %arg9[%add3A_4, %dma_wait3A] : memref<10112x128xf32, #tpu.memory_space<vmem_shared>> -> memref<128x128xf32, #tpu.memory_space<vmem_shared>>
      %dma_wait3A_37 = arith.constant 0 : i32
      %dma_wait3A_38 = tpu.memref_slice %arg9[%add3A_4, %dma_wait3A_37] : memref<10112x128xf32, #tpu.memory_space<vmem_shared>> -> memref<128x128xf32, #tpu.memory_space<vmem_shared>>
      tpu.wait_dma2 semaphore(%run_scoped3A : memref<!tpu.dma_semaphore, #tpu.memory_space<semaphore_mem>>) src(%arg7 : memref<128x128xf32, #tpu.memory_space<vmem>>) dst(%dma_wait3A_38 : memref<128x128xf32, #tpu.memory_space<vmem_shared>>)
      tpu.yield
    }) : () -> ()
    %add3A_5 = arith.constant 128 : i32
    %add3A_6 = arith.addi %mul3A_2, %add3A_5 : i32
    "tpu.region"() ({
      %run_scoped3A = tpu.sem_alloc : memref<!tpu.dma_semaphore, #tpu.memory_space<semaphore_mem>>
      %dma_start3A = arith.constant 0 : i32
      %dma_start3A_33 = tpu.memref_slice %arg9[%add3A_6, %dma_start3A] : memref<10112x128xf32, #tpu.memory_space<vmem_shared>> -> memref<128x128xf32, #tpu.memory_space<vmem_shared>>
      %dma_start3A_34 = arith.constant 0 : i32
      %dma_start3A_35 = tpu.memref_slice %arg9[%add3A_6, %dma_start3A_34] : memref<10112x128xf32, #tpu.memory_space<vmem_shared>> -> memref<128x128xf32, #tpu.memory_space<vmem_shared>>
      tpu.enqueue_dma source(%arg7 : memref<128x128xf32, #tpu.memory_space<vmem>>) target(%dma_start3A_35 : memref<128x128xf32, #tpu.memory_space<vmem_shared>>) target_semaphore(%run_scoped3A : memref<!tpu.dma_semaphore, #tpu.memory_space<semaphore_mem>>)
      %dma_wait3A = arith.constant 0 : i32
      %dma_wait3A_36 = tpu.memref_slice %arg9[%add3A_6, %dma_wait3A] : memref<10112x128xf32, #tpu.memory_space<vmem_shared>> -> memref<128x128xf32, #tpu.memory_space<vmem_shared>>
      %dma_wait3A_37 = arith.constant 0 : i32
      %dma_wait3A_38 = tpu.memref_slice %arg9[%add3A_6, %dma_wait3A_37] : memref<10112x128xf32, #tpu.memory_space<vmem_shared>> -> memref<128x128xf32, #tpu.memory_space<vmem_shared>>
      tpu.wait_dma2 semaphore(%run_scoped3A : memref<!tpu.dma_semaphore, #tpu.memory_space<semaphore_mem>>) src(%arg7 : memref<128x128xf32, #tpu.memory_space<vmem>>) dst(%dma_wait3A_38 : memref<128x128xf32, #tpu.memory_space<vmem_shared>>)
      tpu.yield
    }) : () -> ()
    %add3A_7 = arith.constant 256 : i32
    %add3A_8 = arith.addi %mul3A_2, %add3A_7 : i32
    "tpu.region"() ({
      %run_scoped3A = tpu.sem_alloc : memref<!tpu.dma_semaphore, #tpu.memory_space<semaphore_mem>>
      %dma_start3A = arith.constant 0 : i32
      %dma_start3A_33 = tpu.memref_slice %arg9[%add3A_8, %dma_start3A] : memref<10112x128xf32, #tpu.memory_space<vmem_shared>> -> memref<128x128xf32, #tpu.memory_space<vmem_shared>>
      %dma_start3A_34 = arith.constant 0 : i32
      %dma_start3A_35 = tpu.memref_slice %arg9[%add3A_8, %dma_start3A_34] : memref<10112x128xf32, #tpu.memory_space<vmem_shared>> -> memref<128x128xf32, #tpu.memory_space<vmem_shared>>
      tpu.enqueue_dma source(%arg7 : memref<128x128xf32, #tpu.memory_space<vmem>>) target(%dma_start3A_35 : memref<128x128xf32, #tpu.memory_space<vmem_shared>>) target_semaphore(%run_scoped3A : memref<!tpu.dma_semaphore, #tpu.memory_space<semaphore_mem>>)
      %dma_wait3A = arith.constant 0 : i32
      %dma_wait3A_36 = tpu.memref_slice %arg9[%add3A_8, %dma_wait3A] : memref<10112x128xf32, #tpu.memory_space<vmem_shared>> -> memref<128x128xf32, #tpu.memory_space<vmem_shared>>
      %dma_wait3A_37 = arith.constant 0 : i32
      %dma_wait3A_38 = tpu.memref_slice %arg9[%add3A_8, %dma_wait3A_37] : memref<10112x128xf32, #tpu.memory_space<vmem_shared>> -> memref<128x128xf32, #tpu.memory_space<vmem_shared>>
      tpu.wait_dma2 semaphore(%run_scoped3A : memref<!tpu.dma_semaphore, #tpu.memory_space<semaphore_mem>>) src(%arg7 : memref<128x128xf32, #tpu.memory_space<vmem>>) dst(%dma_wait3A_38 : memref<128x128xf32, #tpu.memory_space<vmem_shared>>)
      tpu.yield
    }) : () -> ()
    %add3A_9 = arith.constant 384 : i32
    %add3A_10 = arith.addi %mul3A_2, %add3A_9 : i32
    "tpu.region"() ({
      %run_scoped3A = tpu.sem_alloc : memref<!tpu.dma_semaphore, #tpu.memory_space<semaphore_mem>>
      %dma_start3A = arith.constant 0 : i32
      %dma_start3A_33 = tpu.memref_slice %arg9[%add3A_10, %dma_start3A] : memref<10112x128xf32, #tpu.memory_space<vmem_shared>> -> memref<128x128xf32, #tpu.memory_space<vmem_shared>>
      %dma_start3A_34 = arith.constant 0 : i32
      %dma_start3A_35 = tpu.memref_slice %arg9[%add3A_10, %dma_start3A_34] : memref<10112x128xf32, #tpu.memory_space<vmem_shared>> -> memref<128x128xf32, #tpu.memory_space<vmem_shared>>
      tpu.enqueue_dma source(%arg7 : memref<128x128xf32, #tpu.memory_space<vmem>>) target(%dma_start3A_35 : memref<128x128xf32, #tpu.memory_space<vmem_shared>>) target_semaphore(%run_scoped3A : memref<!tpu.dma_semaphore, #tpu.memory_space<semaphore_mem>>)
      %dma_wait3A = arith.constant 0 : i32
      %dma_wait3A_36 = tpu.memref_slice %arg9[%add3A_10, %dma_wait3A] : memref<10112x128xf32, #tpu.memory_space<vmem_shared>> -> memref<128x128xf32, #tpu.memory_space<vmem_shared>>
      %dma_wait3A_37 = arith.constant 0 : i32
      %dma_wait3A_38 = tpu.memref_slice %arg9[%add3A_10, %dma_wait3A_37] : memref<10112x128xf32, #tpu.memory_space<vmem_shared>> -> memref<128x128xf32, #tpu.memory_space<vmem_shared>>
      tpu.wait_dma2 semaphore(%run_scoped3A : memref<!tpu.dma_semaphore, #tpu.memory_space<semaphore_mem>>) src(%arg7 : memref<128x128xf32, #tpu.memory_space<vmem>>) dst(%dma_wait3A_38 : memref<128x128xf32, #tpu.memory_space<vmem_shared>>)
      tpu.yield
    }) : () -> ()
    %add3A_11 = arith.constant 512 : i32
    %add3A_12 = arith.addi %mul3A_2, %add3A_11 : i32
    "tpu.region"() ({
      %run_scoped3A = tpu.sem_alloc : memref<!tpu.dma_semaphore, #tpu.memory_space<semaphore_mem>>
      %dma_start3A = arith.constant 0 : i32
      %dma_start3A_33 = arith.constant 0 : i32
      %dma_start3A_34 = tpu.memref_slice %arg7[%dma_start3A, %dma_start3A_33] : memref<128x128xf32, #tpu.memory_space<vmem>> -> memref<120x128xf32, #tpu.memory_space<vmem>>
      %dma_start3A_35 = arith.constant 0 : i32
      %dma_start3A_36 = tpu.memref_slice %arg9[%add3A_12, %dma_start3A_35] : memref<10112x128xf32, #tpu.memory_space<vmem_shared>> -> memref<120x128xf32, #tpu.memory_space<vmem_shared>>
      %dma_start3A_37 = arith.constant 0 : i32
      %dma_start3A_38 = tpu.memref_slice %arg9[%add3A_12, %dma_start3A_37] : memref<10112x128xf32, #tpu.memory_space<vmem_shared>> -> memref<120x128xf32, #tpu.memory_space<vmem_shared>>
      %dma_start3A_39 = arith.constant 0 : i32
      %dma_start3A_40 = arith.constant 0 : i32
      %dma_start3A_41 = tpu.memref_slice %arg7[%dma_start3A_39, %dma_start3A_40] : memref<128x128xf32, #tpu.memory_space<vmem>> -> memref<120x128xf32, #tpu.memory_space<vmem>>
      tpu.enqueue_dma source(%dma_start3A_41 : memref<120x128xf32, #tpu.memory_space<vmem>>) target(%dma_start3A_38 : memref<120x128xf32, #tpu.memory_space<vmem_shared>>) target_semaphore(%run_scoped3A : memref<!tpu.dma_semaphore, #tpu.memory_space<semaphore_mem>>)
      %dma_wait3A = arith.constant 0 : i32
      %dma_wait3A_42 = arith.constant 0 : i32
      %dma_wait3A_43 = tpu.memref_slice %arg7[%dma_wait3A, %dma_wait3A_42] : memref<128x128xf32, #tpu.memory_space<vmem>> -> memref<120x128xf32, #tpu.memory_space<vmem>>
      %dma_wait3A_44 = arith.constant 0 : i32
      %dma_wait3A_45 = tpu.memref_slice %arg9[%add3A_12, %dma_wait3A_44] : memref<10112x128xf32, #tpu.memory_space<vmem_shared>> -> memref<120x128xf32, #tpu.memory_space<vmem_shared>>
      %dma_wait3A_46 = arith.constant 0 : i32
      %dma_wait3A_47 = tpu.memref_slice %arg9[%add3A_12, %dma_wait3A_46] : memref<10112x128xf32, #tpu.memory_space<vmem_shared>> -> memref<120x128xf32, #tpu.memory_space<vmem_shared>>
      %dma_wait3A_48 = arith.constant 0 : i32
      %dma_wait3A_49 = arith.constant 0 : i32
      %dma_wait3A_50 = tpu.memref_slice %arg7[%dma_wait3A_48, %dma_wait3A_49] : memref<128x128xf32, #tpu.memory_space<vmem>> -> memref<120x128xf32, #tpu.memory_space<vmem>>
      tpu.wait_dma2 semaphore(%run_scoped3A : memref<!tpu.dma_semaphore, #tpu.memory_space<semaphore_mem>>) src(%dma_wait3A_50 : memref<120x128xf32, #tpu.memory_space<vmem>>) dst(%dma_wait3A_47 : memref<120x128xf32, #tpu.memory_space<vmem_shared>>)
      tpu.yield
    }) : () -> ()
    %barrier3A = arith.constant 0 : index
    tpu.barrier barrier_id(%barrier3A)
    %eq3A = arith.constant 0 : i32
    %eq3A_13 = arith.cmpi eq, %arg0, %eq3A : i32
    %select_n3A = arith.constant 2 : i32
    %select_n3A_14 = arith.constant 2 : i32
    %select_n3A_15 = arith.select %eq3A_13, %select_n3A_14, %select_n3A : i32
    %sub3A = arith.constant 0 : i32
    %sub3A_16 = arith.subi %select_n3A_15, %sub3A : i32
    %sub3A_17 = arith.constant 1 : i32
    %sub3A_18 = arith.constant 1 : i32
    %sub3A_19 = arith.subi %sub3A_17, %sub3A_18 : i32
    %add3A_20 = arith.addi %sub3A_16, %sub3A_19 : i32
    %div3A = arith.constant 1 : i32
    %div3A_21 = arith.divsi %add3A_20, %div3A : i32
    %while3A = arith.constant 1 : i32
    %while3A_22 = arith.constant 0 : i32
    %while3A_23 = arith.constant 0 : i32
    %while3A_24 = arith.subi %div3A_21, %while3A_23 : i32
    %while3A_25 = arith.addi %while3A_23, %while3A_24 : i32
    %while3A_26 = arith.constant 1 : i32
    %while3A_27 = arith.divsi %while3A_24, %while3A_26 : i32
    %while3A_28 = arith.muli %while3A_27, %while3A_26 : i32
    %while3A_29 = arith.addi %while3A_23, %while3A_28 : i32
    %while3A_30 = arith.constant 1 : i32
    scf.for %while3A_33 = %while3A_23 to %while3A_29 step %while3A_30  : i32 {
      %mul3A_34 = arith.muli %while3A_33, %while3A : i32
      %add3A_35 = arith.addi %while3A_22, %mul3A_34 : i32
      "tpu.region"() ({
        %run_scoped3A = tpu.sem_alloc : memref<!tpu.dma_semaphore, #tpu.memory_space<semaphore_mem>>
        %dma_start3A_47 = arith.constant 0 : i32
        %dma_start3A_48 = arith.constant 0 : i32
        %dma_start3A_49 = arith.constant 0 : i32
        %dma_start3A_50 = tpu.memref_slice %arg3[%add3A, %add3A_35, %dma_start3A_47, %dma_start3A_48, %dma_start3A_49] : memref<32x2x40x2x128xi32, #tpu.memory_space<hbm>> -> memref<1x1x40x2x128xi32, #tpu.memory_space<hbm>>
        %dma_start3A_51 = tpu.memref_squeeze %dma_start3A_50 : memref<1x1x40x2x128xi32, #tpu.memory_space<hbm>> -> memref<40x2x128xi32, #tpu.memory_space<hbm>>
        %dma_start3A_52 = arith.constant 0 : i32
        %dma_start3A_53 = arith.constant 0 : i32
        %dma_start3A_54 = arith.constant 0 : i32
        %dma_start3A_55 = tpu.memref_slice %arg3[%add3A, %add3A_35, %dma_start3A_52, %dma_start3A_53, %dma_start3A_54] : memref<32x2x40x2x128xi32, #tpu.memory_space<hbm>> -> memref<1x1x40x2x128xi32, #tpu.memory_space<hbm>>
        %dma_start3A_56 = tpu.memref_squeeze %dma_start3A_55 : memref<1x1x40x2x128xi32, #tpu.memory_space<hbm>> -> memref<40x2x128xi32, #tpu.memory_space<hbm>>
        tpu.enqueue_dma source(%dma_start3A_56 : memref<40x2x128xi32, #tpu.memory_space<hbm>>) target(%arg6 : memref<40x2x128xi32, #tpu.memory_space<vmem>>) target_semaphore(%run_scoped3A : memref<!tpu.dma_semaphore, #tpu.memory_space<semaphore_mem>>)
        %dma_wait3A = arith.constant 0 : i32
        %dma_wait3A_57 = arith.constant 0 : i32
        %dma_wait3A_58 = arith.constant 0 : i32
        %dma_wait3A_59 = tpu.memref_slice %arg3[%add3A, %add3A_35, %dma_wait3A, %dma_wait3A_57, %dma_wait3A_58] : memref<32x2x40x2x128xi32, #tpu.memory_space<hbm>> -> memref<1x1x40x2x128xi32, #tpu.memory_space<hbm>>
        %dma_wait3A_60 = tpu.memref_squeeze %dma_wait3A_59 : memref<1x1x40x2x128xi32, #tpu.memory_space<hbm>> -> memref<40x2x128xi32, #tpu.memory_space<hbm>>
        %dma_wait3A_61 = arith.constant 0 : i32
        %dma_wait3A_62 = arith.constant 0 : i32
        %dma_wait3A_63 = arith.constant 0 : i32
        %dma_wait3A_64 = tpu.memref_slice %arg3[%add3A, %add3A_35, %dma_wait3A_61, %dma_wait3A_62, %dma_wait3A_63] : memref<32x2x40x2x128xi32, #tpu.memory_space<hbm>> -> memref<1x1x40x2x128xi32, #tpu.memory_space<hbm>>
        %dma_wait3A_65 = tpu.memref_squeeze %dma_wait3A_64 : memref<1x1x40x2x128xi32, #tpu.memory_space<hbm>> -> memref<40x2x128xi32, #tpu.memory_space<hbm>>
        tpu.wait_dma2 semaphore(%run_scoped3A : memref<!tpu.dma_semaphore, #tpu.memory_space<semaphore_mem>>) src(%dma_wait3A_65 : memref<40x2x128xi32, #tpu.memory_space<hbm>>) dst(%arg6 : memref<40x2x128xi32, #tpu.memory_space<vmem>>)
        tpu.yield
      }) : () -> ()
      %dma_start3A = arith.constant 0 : i32
      %dma_start3A_36 = arith.constant 0 : i32
      %dma_start3A_37 = arith.constant 0 : i32
      %dma_start3A_38 = tpu.memref_slice %arg6[%dma_start3A, %dma_start3A_36, %dma_start3A_37] : memref<40x2x128xi32, #tpu.memory_space<vmem>> -> memref<1x1x128xi32, #tpu.memory_space<vmem>>
      %dma_start3A_39 = tpu.memref_squeeze %dma_start3A_38 : memref<1x1x128xi32, #tpu.memory_space<vmem>> -> memref<128xi32, #tpu.memory_space<vmem>>
      %dma_start3A_40 = arith.constant 0 : i32
      %dma_start3A_41 = arith.constant 0 : i32
      %dma_start3A_42 = tpu.memref_slice %arg2[%dma_start3A_40, %dma_start3A_41] : memref<10000x128xf32, #tpu.memory_space<hbm>> -> memref<10000x128xf32, #tpu.memory_space<hbm>>
      tpu.enqueue_indirect_dma source(%dma_start3A_42 : memref<10000x128xf32, #tpu.memory_space<hbm>>) target(%arg7 : memref<128x128xf32, #tpu.memory_space<vmem>>) offsets(%dma_start3A_39 : memref<128xi32, #tpu.memory_space<vmem>>) semaphore(%arg10 : memref<!tpu.dma_semaphore, #tpu.memory_space<semaphore_mem>>)
      %scan3A = arith.constant 0 : i32
      %scan3A_43 = arith.constant 20 : i32
      %scan3A_44 = arith.addi %scan3A, %scan3A_43 : i32
      %scan3A_45 = arith.constant 1 : i32
      scf.for %scan3A_47 = %scan3A to %scan3A_44 step %scan3A_45  : i32 {
        %mul3A_48 = arith.constant 1 : i32
        %mul3A_49 = arith.muli %scan3A_47, %mul3A_48 : i32
        %add3A_50 = arith.constant 0 : i32
        %add3A_51 = arith.addi %add3A_50, %mul3A_49 : i32
        %mul3A_52 = arith.constant 2 : i32
        %mul3A_53 = arith.muli %mul3A_52, %add3A_51 : i32
        %add3A_54 = arith.constant 1 : i32
        %add3A_55 = arith.addi %mul3A_53, %add3A_54 : i32
        %dma_start3A_56 = arith.constant 0 : i32
        %dma_start3A_57 = arith.constant 0 : i32
        %dma_start3A_58 = tpu.memref_slice %arg6[%add3A_55, %dma_start3A_56, %dma_start3A_57] : memref<40x2x128xi32, #tpu.memory_space<vmem>> -> memref<1x1x128xi32, #tpu.memory_space<vmem>>
        %dma_start3A_59 = tpu.memref_squeeze %dma_start3A_58 : memref<1x1x128xi32, #tpu.memory_space<vmem>> -> memref<128xi32, #tpu.memory_space<vmem>>
        %dma_start3A_60 = arith.constant 0 : i32
        %dma_start3A_61 = arith.constant 0 : i32
        %dma_start3A_62 = tpu.memref_slice %arg2[%dma_start3A_60, %dma_start3A_61] : memref<10000x128xf32, #tpu.memory_space<hbm>> -> memref<10000x128xf32, #tpu.memory_space<hbm>>
        tpu.enqueue_indirect_dma source(%dma_start3A_62 : memref<10000x128xf32, #tpu.memory_space<hbm>>) target(%arg8 : memref<128x128xf32, #tpu.memory_space<vmem>>) offsets(%dma_start3A_59 : memref<128xi32, #tpu.memory_space<vmem>>) semaphore(%arg11 : memref<!tpu.dma_semaphore, #tpu.memory_space<semaphore_mem>>)
        %dma_wait3A = arith.constant 0 : i32
        %dma_wait3A_63 = arith.constant 0 : i32
        %dma_wait3A_64 = tpu.memref_slice %arg6[%mul3A_53, %dma_wait3A, %dma_wait3A_63] : memref<40x2x128xi32, #tpu.memory_space<vmem>> -> memref<1x1x128xi32, #tpu.memory_space<vmem>>
        %dma_wait3A_65 = tpu.memref_squeeze %dma_wait3A_64 : memref<1x1x128xi32, #tpu.memory_space<vmem>> -> memref<128xi32, #tpu.memory_space<vmem>>
        %dma_wait3A_66 = arith.constant 0 : i32
        %dma_wait3A_67 = arith.constant 0 : i32
        %dma_wait3A_68 = tpu.memref_slice %arg2[%dma_wait3A_66, %dma_wait3A_67] : memref<10000x128xf32, #tpu.memory_space<hbm>> -> memref<10000x128xf32, #tpu.memory_space<hbm>>
        tpu.wait_indirect_dma semaphore(%arg10 : memref<!tpu.dma_semaphore, #tpu.memory_space<semaphore_mem>>) src(%dma_wait3A_68 : memref<10000x128xf32, #tpu.memory_space<hbm>>) dst(%arg7 : memref<128x128xf32, #tpu.memory_space<vmem>>)
        %dma_start3A_69 = arith.constant 1 : i32
        %dma_start3A_70 = arith.constant 0 : i32
        %dma_start3A_71 = tpu.memref_slice %arg6[%mul3A_53, %dma_start3A_69, %dma_start3A_70] : memref<40x2x128xi32, #tpu.memory_space<vmem>> -> memref<1x1x128xi32, #tpu.memory_space<vmem>>
        %dma_start3A_72 = tpu.memref_squeeze %dma_start3A_71 : memref<1x1x128xi32, #tpu.memory_space<vmem>> -> memref<128xi32, #tpu.memory_space<vmem>>
        %dma_start3A_73 = arith.constant 0 : i32
        %dma_start3A_74 = arith.constant 0 : i32
        %dma_start3A_75 = tpu.memref_slice %arg9[%dma_start3A_73, %dma_start3A_74] : memref<10112x128xf32, #tpu.memory_space<vmem_shared>> -> memref<10112x128xf32, #tpu.memory_space<vmem_shared>>
        tpu.enqueue_indirect_dma source(%arg7 : memref<128x128xf32, #tpu.memory_space<vmem>>) target(%dma_start3A_75 : memref<10112x128xf32, #tpu.memory_space<vmem_shared>>) offsets(%dma_start3A_72 : memref<128xi32, #tpu.memory_space<vmem>>) semaphore(%arg12 : memref<!tpu.dma_semaphore, #tpu.memory_space<semaphore_mem>>) {add = true}
        %dma_wait3A_76 = arith.constant 0 : i32
        %dma_wait3A_77 = arith.constant 0 : i32
        %dma_wait3A_78 = tpu.memref_slice %arg6[%add3A_55, %dma_wait3A_76, %dma_wait3A_77] : memref<40x2x128xi32, #tpu.memory_space<vmem>> -> memref<1x1x128xi32, #tpu.memory_space<vmem>>
        %dma_wait3A_79 = tpu.memref_squeeze %dma_wait3A_78 : memref<1x1x128xi32, #tpu.memory_space<vmem>> -> memref<128xi32, #tpu.memory_space<vmem>>
        %dma_wait3A_80 = arith.constant 0 : i32
        %dma_wait3A_81 = arith.constant 0 : i32
        %dma_wait3A_82 = tpu.memref_slice %arg2[%dma_wait3A_80, %dma_wait3A_81] : memref<10000x128xf32, #tpu.memory_space<hbm>> -> memref<10000x128xf32, #tpu.memory_space<hbm>>
        tpu.wait_indirect_dma semaphore(%arg11 : memref<!tpu.dma_semaphore, #tpu.memory_space<semaphore_mem>>) src(%dma_wait3A_82 : memref<10000x128xf32, #tpu.memory_space<hbm>>) dst(%arg8 : memref<128x128xf32, #tpu.memory_space<vmem>>)
        %dma_start3A_83 = arith.constant 1 : i32
        %dma_start3A_84 = arith.constant 0 : i32
        %dma_start3A_85 = tpu.memref_slice %arg6[%add3A_55, %dma_start3A_83, %dma_start3A_84] : memref<40x2x128xi32, #tpu.memory_space<vmem>> -> memref<1x1x128xi32, #tpu.memory_space<vmem>>
        %dma_start3A_86 = tpu.memref_squeeze %dma_start3A_85 : memref<1x1x128xi32, #tpu.memory_space<vmem>> -> memref<128xi32, #tpu.memory_space<vmem>>
        %dma_start3A_87 = arith.constant 0 : i32
        %dma_start3A_88 = arith.constant 0 : i32
        %dma_start3A_89 = tpu.memref_slice %arg9[%dma_start3A_87, %dma_start3A_88] : memref<10112x128xf32, #tpu.memory_space<vmem_shared>> -> memref<10112x128xf32, #tpu.memory_space<vmem_shared>>
        tpu.enqueue_indirect_dma source(%arg8 : memref<128x128xf32, #tpu.memory_space<vmem>>) target(%dma_start3A_89 : memref<10112x128xf32, #tpu.memory_space<vmem_shared>>) offsets(%dma_start3A_86 : memref<128xi32, #tpu.memory_space<vmem>>) semaphore(%arg13 : memref<!tpu.dma_semaphore, #tpu.memory_space<semaphore_mem>>) {add = true}
        %dma_wait3A_90 = arith.constant 1 : i32
        %dma_wait3A_91 = arith.constant 0 : i32
        %dma_wait3A_92 = tpu.memref_slice %arg6[%mul3A_53, %dma_wait3A_90, %dma_wait3A_91] : memref<40x2x128xi32, #tpu.memory_space<vmem>> -> memref<1x1x128xi32, #tpu.memory_space<vmem>>
        %dma_wait3A_93 = tpu.memref_squeeze %dma_wait3A_92 : memref<1x1x128xi32, #tpu.memory_space<vmem>> -> memref<128xi32, #tpu.memory_space<vmem>>
        %dma_wait3A_94 = arith.constant 0 : i32
        %dma_wait3A_95 = arith.constant 0 : i32
        %dma_wait3A_96 = tpu.memref_slice %arg9[%dma_wait3A_94, %dma_wait3A_95] : memref<10112x128xf32, #tpu.memory_space<vmem_shared>> -> memref<10112x128xf32, #tpu.memory_space<vmem_shared>>
        tpu.wait_indirect_dma semaphore(%arg12 : memref<!tpu.dma_semaphore, #tpu.memory_space<semaphore_mem>>) src(%arg7 : memref<128x128xf32, #tpu.memory_space<vmem>>) dst(%dma_wait3A_96 : memref<10112x128xf32, #tpu.memory_space<vmem_shared>>)
        %lt3A = arith.constant 19 : i32
        %lt3A_97 = arith.cmpi slt, %add3A_51, %lt3A : i32
        %convert_element_type3A = arith.extui %lt3A_97 : i1 to i32
        %cond3A = arith.constant 0 : i32
        %cond3A_98 = arith.cmpi ne, %convert_element_type3A, %cond3A : i32
        scf.if %cond3A_98 {
          %add3A_106 = arith.constant 2 : i32
          %add3A_107 = arith.addi %mul3A_53, %add3A_106 : i32
          %dma_start3A_108 = arith.constant 0 : i32
          %dma_start3A_109 = arith.constant 0 : i32
          %dma_start3A_110 = tpu.memref_slice %arg6[%add3A_107, %dma_start3A_108, %dma_start3A_109] : memref<40x2x128xi32, #tpu.memory_space<vmem>> -> memref<1x1x128xi32, #tpu.memory_space<vmem>>
          %dma_start3A_111 = tpu.memref_squeeze %dma_start3A_110 : memref<1x1x128xi32, #tpu.memory_space<vmem>> -> memref<128xi32, #tpu.memory_space<vmem>>
          %dma_start3A_112 = arith.constant 0 : i32
          %dma_start3A_113 = arith.constant 0 : i32
          %dma_start3A_114 = tpu.memref_slice %arg2[%dma_start3A_112, %dma_start3A_113] : memref<10000x128xf32, #tpu.memory_space<hbm>> -> memref<10000x128xf32, #tpu.memory_space<hbm>>
          tpu.enqueue_indirect_dma source(%dma_start3A_114 : memref<10000x128xf32, #tpu.memory_space<hbm>>) target(%arg7 : memref<128x128xf32, #tpu.memory_space<vmem>>) offsets(%dma_start3A_111 : memref<128xi32, #tpu.memory_space<vmem>>) semaphore(%arg10 : memref<!tpu.dma_semaphore, #tpu.memory_space<semaphore_mem>>)
        } else {
        }
        %dma_wait3A_99 = arith.constant 1 : i32
        %dma_wait3A_100 = arith.constant 0 : i32
        %dma_wait3A_101 = tpu.memref_slice %arg6[%add3A_55, %dma_wait3A_99, %dma_wait3A_100] : memref<40x2x128xi32, #tpu.memory_space<vmem>> -> memref<1x1x128xi32, #tpu.memory_space<vmem>>
        %dma_wait3A_102 = tpu.memref_squeeze %dma_wait3A_101 : memref<1x1x128xi32, #tpu.memory_space<vmem>> -> memref<128xi32, #tpu.memory_space<vmem>>
        %dma_wait3A_103 = arith.constant 0 : i32
        %dma_wait3A_104 = arith.constant 0 : i32
        %dma_wait3A_105 = tpu.memref_slice %arg9[%dma_wait3A_103, %dma_wait3A_104] : memref<10112x128xf32, #tpu.memory_space<vmem_shared>> -> memref<10112x128xf32, #tpu.memory_space<vmem_shared>>
        tpu.wait_indirect_dma semaphore(%arg13 : memref<!tpu.dma_semaphore, #tpu.memory_space<semaphore_mem>>) src(%arg8 : memref<128x128xf32, #tpu.memory_space<vmem>>) dst(%dma_wait3A_105 : memref<10112x128xf32, #tpu.memory_space<vmem_shared>>)
      }
      %scan3A_46 = arith.constant 20 : i32
    }
    %while3A_31 = arith.constant 1 : i32
    scf.for %while3A_33 = %while3A_29 to %while3A_25 step %while3A_31  : i32 {
      %mul3A_34 = arith.muli %while3A_33, %while3A : i32
      %add3A_35 = arith.addi %while3A_22, %mul3A_34 : i32
      "tpu.region"() ({
        %run_scoped3A = tpu.sem_alloc : memref<!tpu.dma_semaphore, #tpu.memory_space<semaphore_mem>>
        %dma_start3A_47 = arith.constant 0 : i32
        %dma_start3A_48 = arith.constant 0 : i32
        %dma_start3A_49 = arith.constant 0 : i32
        %dma_start3A_50 = tpu.memref_slice %arg3[%add3A, %add3A_35, %dma_start3A_47, %dma_start3A_48, %dma_start3A_49] : memref<32x2x40x2x128xi32, #tpu.memory_space<hbm>> -> memref<1x1x40x2x128xi32, #tpu.memory_space<hbm>>
        %dma_start3A_51 = tpu.memref_squeeze %dma_start3A_50 : memref<1x1x40x2x128xi32, #tpu.memory_space<hbm>> -> memref<40x2x128xi32, #tpu.memory_space<hbm>>
        %dma_start3A_52 = arith.constant 0 : i32
        %dma_start3A_53 = arith.constant 0 : i32
        %dma_start3A_54 = arith.constant 0 : i32
        %dma_start3A_55 = tpu.memref_slice %arg3[%add3A, %add3A_35, %dma_start3A_52, %dma_start3A_53, %dma_start3A_54] : memref<32x2x40x2x128xi32, #tpu.memory_space<hbm>> -> memref<1x1x40x2x128xi32, #tpu.memory_space<hbm>>
        %dma_start3A_56 = tpu.memref_squeeze %dma_start3A_55 : memref<1x1x40x2x128xi32, #tpu.memory_space<hbm>> -> memref<40x2x128xi32, #tpu.memory_space<hbm>>
        tpu.enqueue_dma source(%dma_start3A_56 : memref<40x2x128xi32, #tpu.memory_space<hbm>>) target(%arg6 : memref<40x2x128xi32, #tpu.memory_space<vmem>>) target_semaphore(%run_scoped3A : memref<!tpu.dma_semaphore, #tpu.memory_space<semaphore_mem>>)
        %dma_wait3A = arith.constant 0 : i32
        %dma_wait3A_57 = arith.constant 0 : i32
        %dma_wait3A_58 = arith.constant 0 : i32
        %dma_wait3A_59 = tpu.memref_slice %arg3[%add3A, %add3A_35, %dma_wait3A, %dma_wait3A_57, %dma_wait3A_58] : memref<32x2x40x2x128xi32, #tpu.memory_space<hbm>> -> memref<1x1x40x2x128xi32, #tpu.memory_space<hbm>>
        %dma_wait3A_60 = tpu.memref_squeeze %dma_wait3A_59 : memref<1x1x40x2x128xi32, #tpu.memory_space<hbm>> -> memref<40x2x128xi32, #tpu.memory_space<hbm>>
        %dma_wait3A_61 = arith.constant 0 : i32
        %dma_wait3A_62 = arith.constant 0 : i32
        %dma_wait3A_63 = arith.constant 0 : i32
        %dma_wait3A_64 = tpu.memref_slice %arg3[%add3A, %add3A_35, %dma_wait3A_61, %dma_wait3A_62, %dma_wait3A_63] : memref<32x2x40x2x128xi32, #tpu.memory_space<hbm>> -> memref<1x1x40x2x128xi32, #tpu.memory_space<hbm>>
        %dma_wait3A_65 = tpu.memref_squeeze %dma_wait3A_64 : memref<1x1x40x2x128xi32, #tpu.memory_space<hbm>> -> memref<40x2x128xi32, #tpu.memory_space<hbm>>
        tpu.wait_dma2 semaphore(%run_scoped3A : memref<!tpu.dma_semaphore, #tpu.memory_space<semaphore_mem>>) src(%dma_wait3A_65 : memref<40x2x128xi32, #tpu.memory_space<hbm>>) dst(%arg6 : memref<40x2x128xi32, #tpu.memory_space<vmem>>)
        tpu.yield
      }) : () -> ()
      %dma_start3A = arith.constant 0 : i32
      %dma_start3A_36 = arith.constant 0 : i32
      %dma_start3A_37 = arith.constant 0 : i32
      %dma_start3A_38 = tpu.memref_slice %arg6[%dma_start3A, %dma_start3A_36, %dma_start3A_37] : memref<40x2x128xi32, #tpu.memory_space<vmem>> -> memref<1x1x128xi32, #tpu.memory_space<vmem>>
      %dma_start3A_39 = tpu.memref_squeeze %dma_start3A_38 : memref<1x1x128xi32, #tpu.memory_space<vmem>> -> memref<128xi32, #tpu.memory_space<vmem>>
      %dma_start3A_40 = arith.constant 0 : i32
      %dma_start3A_41 = arith.constant 0 : i32
      %dma_start3A_42 = tpu.memref_slice %arg2[%dma_start3A_40, %dma_start3A_41] : memref<10000x128xf32, #tpu.memory_space<hbm>> -> memref<10000x128xf32, #tpu.memory_space<hbm>>
      tpu.enqueue_indirect_dma source(%dma_start3A_42 : memref<10000x128xf32, #tpu.memory_space<hbm>>) target(%arg7 : memref<128x128xf32, #tpu.memory_space<vmem>>) offsets(%dma_start3A_39 : memref<128xi32, #tpu.memory_space<vmem>>) semaphore(%arg10 : memref<!tpu.dma_semaphore, #tpu.memory_space<semaphore_mem>>)
      %scan3A = arith.constant 0 : i32
      %scan3A_43 = arith.constant 20 : i32
      %scan3A_44 = arith.addi %scan3A, %scan3A_43 : i32
      %scan3A_45 = arith.constant 1 : i32
      scf.for %scan3A_47 = %scan3A to %scan3A_44 step %scan3A_45  : i32 {
        %mul3A_48 = arith.constant 1 : i32
        %mul3A_49 = arith.muli %scan3A_47, %mul3A_48 : i32
        %add3A_50 = arith.constant 0 : i32
        %add3A_51 = arith.addi %add3A_50, %mul3A_49 : i32
        %mul3A_52 = arith.constant 2 : i32
        %mul3A_53 = arith.muli %mul3A_52, %add3A_51 : i32
        %add3A_54 = arith.constant 1 : i32
        %add3A_55 = arith.addi %mul3A_53, %add3A_54 : i32
        %dma_start3A_56 = arith.constant 0 : i32
        %dma_start3A_57 = arith.constant 0 : i32
        %dma_start3A_58 = tpu.memref_slice %arg6[%add3A_55, %dma_start3A_56, %dma_start3A_57] : memref<40x2x128xi32, #tpu.memory_space<vmem>> -> memref<1x1x128xi32, #tpu.memory_space<vmem>>
        %dma_start3A_59 = tpu.memref_squeeze %dma_start3A_58 : memref<1x1x128xi32, #tpu.memory_space<vmem>> -> memref<128xi32, #tpu.memory_space<vmem>>
        %dma_start3A_60 = arith.constant 0 : i32
        %dma_start3A_61 = arith.constant 0 : i32
        %dma_start3A_62 = tpu.memref_slice %arg2[%dma_start3A_60, %dma_start3A_61] : memref<10000x128xf32, #tpu.memory_space<hbm>> -> memref<10000x128xf32, #tpu.memory_space<hbm>>
        tpu.enqueue_indirect_dma source(%dma_start3A_62 : memref<10000x128xf32, #tpu.memory_space<hbm>>) target(%arg8 : memref<128x128xf32, #tpu.memory_space<vmem>>) offsets(%dma_start3A_59 : memref<128xi32, #tpu.memory_space<vmem>>) semaphore(%arg11 : memref<!tpu.dma_semaphore, #tpu.memory_space<semaphore_mem>>)
        %dma_wait3A = arith.constant 0 : i32
        %dma_wait3A_63 = arith.constant 0 : i32
        %dma_wait3A_64 = tpu.memref_slice %arg6[%mul3A_53, %dma_wait3A, %dma_wait3A_63] : memref<40x2x128xi32, #tpu.memory_space<vmem>> -> memref<1x1x128xi32, #tpu.memory_space<vmem>>
        %dma_wait3A_65 = tpu.memref_squeeze %dma_wait3A_64 : memref<1x1x128xi32, #tpu.memory_space<vmem>> -> memref<128xi32, #tpu.memory_space<vmem>>
        %dma_wait3A_66 = arith.constant 0 : i32
        %dma_wait3A_67 = arith.constant 0 : i32
        %dma_wait3A_68 = tpu.memref_slice %arg2[%dma_wait3A_66, %dma_wait3A_67] : memref<10000x128xf32, #tpu.memory_space<hbm>> -> memref<10000x128xf32, #tpu.memory_space<hbm>>
        tpu.wait_indirect_dma semaphore(%arg10 : memref<!tpu.dma_semaphore, #tpu.memory_space<semaphore_mem>>) src(%dma_wait3A_68 : memref<10000x128xf32, #tpu.memory_space<hbm>>) dst(%arg7 : memref<128x128xf32, #tpu.memory_space<vmem>>)
        %dma_start3A_69 = arith.constant 1 : i32
        %dma_start3A_70 = arith.constant 0 : i32
        %dma_start3A_71 = tpu.memref_slice %arg6[%mul3A_53, %dma_start3A_69, %dma_start3A_70] : memref<40x2x128xi32, #tpu.memory_space<vmem>> -> memref<1x1x128xi32, #tpu.memory_space<vmem>>
        %dma_start3A_72 = tpu.memref_squeeze %dma_start3A_71 : memref<1x1x128xi32, #tpu.memory_space<vmem>> -> memref<128xi32, #tpu.memory_space<vmem>>
        %dma_start3A_73 = arith.constant 0 : i32
        %dma_start3A_74 = arith.constant 0 : i32
        %dma_start3A_75 = tpu.memref_slice %arg9[%dma_start3A_73, %dma_start3A_74] : memref<10112x128xf32, #tpu.memory_space<vmem_shared>> -> memref<10112x128xf32, #tpu.memory_space<vmem_shared>>
        tpu.enqueue_indirect_dma source(%arg7 : memref<128x128xf32, #tpu.memory_space<vmem>>) target(%dma_start3A_75 : memref<10112x128xf32, #tpu.memory_space<vmem_shared>>) offsets(%dma_start3A_72 : memref<128xi32, #tpu.memory_space<vmem>>) semaphore(%arg12 : memref<!tpu.dma_semaphore, #tpu.memory_space<semaphore_mem>>) {add = true}
        %dma_wait3A_76 = arith.constant 0 : i32
        %dma_wait3A_77 = arith.constant 0 : i32
        %dma_wait3A_78 = tpu.memref_slice %arg6[%add3A_55, %dma_wait3A_76, %dma_wait3A_77] : memref<40x2x128xi32, #tpu.memory_space<vmem>> -> memref<1x1x128xi32, #tpu.memory_space<vmem>>
        %dma_wait3A_79 = tpu.memref_squeeze %dma_wait3A_78 : memref<1x1x128xi32, #tpu.memory_space<vmem>> -> memref<128xi32, #tpu.memory_space<vmem>>
        %dma_wait3A_80 = arith.constant 0 : i32
        %dma_wait3A_81 = arith.constant 0 : i32
        %dma_wait3A_82 = tpu.memref_slice %arg2[%dma_wait3A_80, %dma_wait3A_81] : memref<10000x128xf32, #tpu.memory_space<hbm>> -> memref<10000x128xf32, #tpu.memory_space<hbm>>
        tpu.wait_indirect_dma semaphore(%arg11 : memref<!tpu.dma_semaphore, #tpu.memory_space<semaphore_mem>>) src(%dma_wait3A_82 : memref<10000x128xf32, #tpu.memory_space<hbm>>) dst(%arg8 : memref<128x128xf32, #tpu.memory_space<vmem>>)
        %dma_start3A_83 = arith.constant 1 : i32
        %dma_start3A_84 = arith.constant 0 : i32
        %dma_start3A_85 = tpu.memref_slice %arg6[%add3A_55, %dma_start3A_83, %dma_start3A_84] : memref<40x2x128xi32, #tpu.memory_space<vmem>> -> memref<1x1x128xi32, #tpu.memory_space<vmem>>
        %dma_start3A_86 = tpu.memref_squeeze %dma_start3A_85 : memref<1x1x128xi32, #tpu.memory_space<vmem>> -> memref<128xi32, #tpu.memory_space<vmem>>
        %dma_start3A_87 = arith.constant 0 : i32
        %dma_start3A_88 = arith.constant 0 : i32
        %dma_start3A_89 = tpu.memref_slice %arg9[%dma_start3A_87, %dma_start3A_88] : memref<10112x128xf32, #tpu.memory_space<vmem_shared>> -> memref<10112x128xf32, #tpu.memory_space<vmem_shared>>
        tpu.enqueue_indirect_dma source(%arg8 : memref<128x128xf32, #tpu.memory_space<vmem>>) target(%dma_start3A_89 : memref<10112x128xf32, #tpu.memory_space<vmem_shared>>) offsets(%dma_start3A_86 : memref<128xi32, #tpu.memory_space<vmem>>) semaphore(%arg13 : memref<!tpu.dma_semaphore, #tpu.memory_space<semaphore_mem>>) {add = true}
        %dma_wait3A_90 = arith.constant 1 : i32
        %dma_wait3A_91 = arith.constant 0 : i32
        %dma_wait3A_92 = tpu.memref_slice %arg6[%mul3A_53, %dma_wait3A_90, %dma_wait3A_91] : memref<40x2x128xi32, #tpu.memory_space<vmem>> -> memref<1x1x128xi32, #tpu.memory_space<vmem>>
        %dma_wait3A_93 = tpu.memref_squeeze %dma_wait3A_92 : memref<1x1x128xi32, #tpu.memory_space<vmem>> -> memref<128xi32, #tpu.memory_space<vmem>>
        %dma_wait3A_94 = arith.constant 0 : i32
        %dma_wait3A_95 = arith.constant 0 : i32
        %dma_wait3A_96 = tpu.memref_slice %arg9[%dma_wait3A_94, %dma_wait3A_95] : memref<10112x128xf32, #tpu.memory_space<vmem_shared>> -> memref<10112x128xf32, #tpu.memory_space<vmem_shared>>
        tpu.wait_indirect_dma semaphore(%arg12 : memref<!tpu.dma_semaphore, #tpu.memory_space<semaphore_mem>>) src(%arg7 : memref<128x128xf32, #tpu.memory_space<vmem>>) dst(%dma_wait3A_96 : memref<10112x128xf32, #tpu.memory_space<vmem_shared>>)
        %lt3A = arith.constant 19 : i32
        %lt3A_97 = arith.cmpi slt, %add3A_51, %lt3A : i32
        %convert_element_type3A = arith.extui %lt3A_97 : i1 to i32
        %cond3A = arith.constant 0 : i32
        %cond3A_98 = arith.cmpi ne, %convert_element_type3A, %cond3A : i32
        scf.if %cond3A_98 {
          %add3A_106 = arith.constant 2 : i32
          %add3A_107 = arith.addi %mul3A_53, %add3A_106 : i32
          %dma_start3A_108 = arith.constant 0 : i32
          %dma_start3A_109 = arith.constant 0 : i32
          %dma_start3A_110 = tpu.memref_slice %arg6[%add3A_107, %dma_start3A_108, %dma_start3A_109] : memref<40x2x128xi32, #tpu.memory_space<vmem>> -> memref<1x1x128xi32, #tpu.memory_space<vmem>>
          %dma_start3A_111 = tpu.memref_squeeze %dma_start3A_110 : memref<1x1x128xi32, #tpu.memory_space<vmem>> -> memref<128xi32, #tpu.memory_space<vmem>>
          %dma_start3A_112 = arith.constant 0 : i32
          %dma_start3A_113 = arith.constant 0 : i32
          %dma_start3A_114 = tpu.memref_slice %arg2[%dma_start3A_112, %dma_start3A_113] : memref<10000x128xf32, #tpu.memory_space<hbm>> -> memref<10000x128xf32, #tpu.memory_space<hbm>>
          tpu.enqueue_indirect_dma source(%dma_start3A_114 : memref<10000x128xf32, #tpu.memory_space<hbm>>) target(%arg7 : memref<128x128xf32, #tpu.memory_space<vmem>>) offsets(%dma_start3A_111 : memref<128xi32, #tpu.memory_space<vmem>>) semaphore(%arg10 : memref<!tpu.dma_semaphore, #tpu.memory_space<semaphore_mem>>)
        } else {
        }
        %dma_wait3A_99 = arith.constant 1 : i32
        %dma_wait3A_100 = arith.constant 0 : i32
        %dma_wait3A_101 = tpu.memref_slice %arg6[%add3A_55, %dma_wait3A_99, %dma_wait3A_100] : memref<40x2x128xi32, #tpu.memory_space<vmem>> -> memref<1x1x128xi32, #tpu.memory_space<vmem>>
        %dma_wait3A_102 = tpu.memref_squeeze %dma_wait3A_101 : memref<1x1x128xi32, #tpu.memory_space<vmem>> -> memref<128xi32, #tpu.memory_space<vmem>>
        %dma_wait3A_103 = arith.constant 0 : i32
        %dma_wait3A_104 = arith.constant 0 : i32
        %dma_wait3A_105 = tpu.memref_slice %arg9[%dma_wait3A_103, %dma_wait3A_104] : memref<10112x128xf32, #tpu.memory_space<vmem_shared>> -> memref<10112x128xf32, #tpu.memory_space<vmem_shared>>
        tpu.wait_indirect_dma semaphore(%arg13 : memref<!tpu.dma_semaphore, #tpu.memory_space<semaphore_mem>>) src(%arg8 : memref<128x128xf32, #tpu.memory_space<vmem>>) dst(%dma_wait3A_105 : memref<10112x128xf32, #tpu.memory_space<vmem_shared>>)
      }
      %scan3A_46 = arith.constant 20 : i32
    }
    %barrier3A_32 = arith.constant 0 : index
    tpu.barrier barrier_id(%barrier3A_32)
    "tpu.region"() ({
      %run_scoped3A = tpu.sem_alloc : memref<!tpu.dma_semaphore, #tpu.memory_space<semaphore_mem>>
      %dma_start3A = arith.constant 0 : i32
      %dma_start3A_33 = tpu.memref_slice %arg5[%arg0, %mul3A_2, %dma_start3A] : memref<2x10112x128xf32, #tpu.memory_space<hbm>> -> memref<1x632x128xf32, #tpu.memory_space<hbm>>
      %dma_start3A_34 = tpu.memref_squeeze %dma_start3A_33 : memref<1x632x128xf32, #tpu.memory_space<hbm>> -> memref<632x128xf32, #tpu.memory_space<hbm>>
      %dma_start3A_35 = arith.constant 0 : i32
      %dma_start3A_36 = tpu.memref_slice %arg9[%mul3A_2, %dma_start3A_35] : memref<10112x128xf32, #tpu.memory_space<vmem_shared>> -> memref<632x128xf32, #tpu.memory_space<vmem_shared>>
      tpu.enqueue_dma source(%dma_start3A_36 : memref<632x128xf32, #tpu.memory_space<vmem_shared>>) target(%dma_start3A_34 : memref<632x128xf32, #tpu.memory_space<hbm>>) target_semaphore(%run_scoped3A : memref<!tpu.dma_semaphore, #tpu.memory_space<semaphore_mem>>)
      %dma_wait3A = arith.constant 0 : i32
      %dma_wait3A_37 = tpu.memref_slice %arg5[%arg0, %mul3A_2, %dma_wait3A] : memref<2x10112x128xf32, #tpu.memory_space<hbm>> -> memref<1x632x128xf32, #tpu.memory_space<hbm>>
      %dma_wait3A_38 = tpu.memref_squeeze %dma_wait3A_37 : memref<1x632x128xf32, #tpu.memory_space<hbm>> -> memref<632x128xf32, #tpu.memory_space<hbm>>
      %dma_wait3A_39 = arith.constant 0 : i32
      %dma_wait3A_40 = tpu.memref_slice %arg9[%mul3A_2, %dma_wait3A_39] : memref<10112x128xf32, #tpu.memory_space<vmem_shared>> -> memref<632x128xf32, #tpu.memory_space<vmem_shared>>
      tpu.wait_dma2 semaphore(%run_scoped3A : memref<!tpu.dma_semaphore, #tpu.memory_space<semaphore_mem>>) src(%dma_wait3A_40 : memref<632x128xf32, #tpu.memory_space<vmem_shared>>) dst(%dma_wait3A_38 : memref<632x128xf32, #tpu.memory_space<hbm>>)
      tpu.yield
    }) : () -> ()
    return
  }
}

#map = affine_map<(d0, d1) -> (0, 0, 0, 0)>
#map1 = affine_map<(d0, d1) -> (0, 0)>
#map2 = affine_map<(d0, d1) -> (0, 0, 0)>
module attributes {stable_mosaic.version = 14 : i64} {
  func.func @sc_deg(%arg0: i32, %arg1: i32, %arg2: memref<32x80x1x128xi32, #tpu.memory_space<hbm>>, %arg3: memref<128x128xf32, #tpu.memory_space<hbm>>, %arg4: memref<128x128xf32, #tpu.memory_space<hbm>>, %arg5: memref<2x10112x128xf32, #tpu.memory_space<hbm>>, %arg6: memref<80x1x128xi32, #tpu.memory_space<vmem>>, %arg7: memref<128x128xf32, #tpu.memory_space<vmem>>, %arg8: memref<128x128xf32, #tpu.memory_space<vmem>>, %arg9: memref<10112x128xf32, #tpu.memory_space<vmem_shared>>) attributes {dimension_semantics = [#tpu.dimension_semantics<core_parallel>, #tpu.dimension_semantics<subcore_parallel>], iteration_bounds = array<i64: 2, 16>, scalar_prefetch = 0 : i64, scratch_operands = 4 : i64, tpu.core_type = #tpu.core_type<sc_vector_subcore>, window_params = [{transform_indices = #map}, {transform_indices = #map1}, {transform_indices = #map1}, {transform_indices = #map2}]} {
    %mul3A = arith.constant 16 : i32
    %mul3A_0 = arith.muli %arg0, %mul3A : i32
    %add3A = arith.addi %mul3A_0, %arg1 : i32
    "tpu.region"() ({
      %run_scoped3A = tpu.sem_alloc : memref<!tpu.dma_semaphore, #tpu.memory_space<semaphore_mem>>
      %dma_start3A = arith.constant 0 : i32
      %dma_start3A_18 = arith.constant 0 : i32
      %dma_start3A_19 = arith.constant 0 : i32
      %dma_start3A_20 = tpu.memref_slice %arg2[%add3A, %dma_start3A, %dma_start3A_18, %dma_start3A_19] : memref<32x80x1x128xi32, #tpu.memory_space<hbm>> -> memref<1x80x1x128xi32, #tpu.memory_space<hbm>>
      %dma_start3A_21 = tpu.memref_squeeze %dma_start3A_20 : memref<1x80x1x128xi32, #tpu.memory_space<hbm>> -> memref<80x1x128xi32, #tpu.memory_space<hbm>>
      %dma_start3A_22 = arith.constant 0 : i32
      %dma_start3A_23 = arith.constant 0 : i32
      %dma_start3A_24 = arith.constant 0 : i32
      %dma_start3A_25 = tpu.memref_slice %arg2[%add3A, %dma_start3A_22, %dma_start3A_23, %dma_start3A_24] : memref<32x80x1x128xi32, #tpu.memory_space<hbm>> -> memref<1x80x1x128xi32, #tpu.memory_space<hbm>>
      %dma_start3A_26 = tpu.memref_squeeze %dma_start3A_25 : memref<1x80x1x128xi32, #tpu.memory_space<hbm>> -> memref<80x1x128xi32, #tpu.memory_space<hbm>>
      tpu.enqueue_dma source(%dma_start3A_26 : memref<80x1x128xi32, #tpu.memory_space<hbm>>) target(%arg6 : memref<80x1x128xi32, #tpu.memory_space<vmem>>) target_semaphore(%run_scoped3A : memref<!tpu.dma_semaphore, #tpu.memory_space<semaphore_mem>>)
      %dma_wait3A = arith.constant 0 : i32
      %dma_wait3A_27 = arith.constant 0 : i32
      %dma_wait3A_28 = arith.constant 0 : i32
      %dma_wait3A_29 = tpu.memref_slice %arg2[%add3A, %dma_wait3A, %dma_wait3A_27, %dma_wait3A_28] : memref<32x80x1x128xi32, #tpu.memory_space<hbm>> -> memref<1x80x1x128xi32, #tpu.memory_space<hbm>>
      %dma_wait3A_30 = tpu.memref_squeeze %dma_wait3A_29 : memref<1x80x1x128xi32, #tpu.memory_space<hbm>> -> memref<80x1x128xi32, #tpu.memory_space<hbm>>
      %dma_wait3A_31 = arith.constant 0 : i32
      %dma_wait3A_32 = arith.constant 0 : i32
      %dma_wait3A_33 = arith.constant 0 : i32
      %dma_wait3A_34 = tpu.memref_slice %arg2[%add3A, %dma_wait3A_31, %dma_wait3A_32, %dma_wait3A_33] : memref<32x80x1x128xi32, #tpu.memory_space<hbm>> -> memref<1x80x1x128xi32, #tpu.memory_space<hbm>>
      %dma_wait3A_35 = tpu.memref_squeeze %dma_wait3A_34 : memref<1x80x1x128xi32, #tpu.memory_space<hbm>> -> memref<80x1x128xi32, #tpu.memory_space<hbm>>
      tpu.wait_dma2 semaphore(%run_scoped3A : memref<!tpu.dma_semaphore, #tpu.memory_space<semaphore_mem>>) src(%dma_wait3A_35 : memref<80x1x128xi32, #tpu.memory_space<hbm>>) dst(%arg6 : memref<80x1x128xi32, #tpu.memory_space<vmem>>)
      tpu.yield
    }) : () -> ()
    "tpu.region"() ({
      %run_scoped3A = tpu.sem_alloc : memref<!tpu.dma_semaphore, #tpu.memory_space<semaphore_mem>>
      tpu.enqueue_dma source(%arg3 : memref<128x128xf32, #tpu.memory_space<hbm>>) target(%arg7 : memref<128x128xf32, #tpu.memory_space<vmem>>) target_semaphore(%run_scoped3A : memref<!tpu.dma_semaphore, #tpu.memory_space<semaphore_mem>>)
      tpu.wait_dma2 semaphore(%run_scoped3A : memref<!tpu.dma_semaphore, #tpu.memory_space<semaphore_mem>>) src(%arg3 : memref<128x128xf32, #tpu.memory_space<hbm>>) dst(%arg7 : memref<128x128xf32, #tpu.memory_space<vmem>>)
      tpu.yield
    }) : () -> ()
    "tpu.region"() ({
      %run_scoped3A = tpu.sem_alloc : memref<!tpu.dma_semaphore, #tpu.memory_space<semaphore_mem>>
      tpu.enqueue_dma source(%arg4 : memref<128x128xf32, #tpu.memory_space<hbm>>) target(%arg8 : memref<128x128xf32, #tpu.memory_space<vmem>>) target_semaphore(%run_scoped3A : memref<!tpu.dma_semaphore, #tpu.memory_space<semaphore_mem>>)
      tpu.wait_dma2 semaphore(%run_scoped3A : memref<!tpu.dma_semaphore, #tpu.memory_space<semaphore_mem>>) src(%arg4 : memref<128x128xf32, #tpu.memory_space<hbm>>) dst(%arg8 : memref<128x128xf32, #tpu.memory_space<vmem>>)
      tpu.yield
    }) : () -> ()
    %mul3A_1 = arith.constant 632 : i32
    %mul3A_2 = arith.muli %arg1, %mul3A_1 : i32
    %add3A_3 = arith.constant 0 : i32
    %add3A_4 = arith.addi %mul3A_2, %add3A_3 : i32
    "tpu.region"() ({
      %run_scoped3A = tpu.sem_alloc : memref<!tpu.dma_semaphore, #tpu.memory_space<semaphore_mem>>
      %dma_start3A = arith.constant 0 : i32
      %dma_start3A_18 = tpu.memref_slice %arg9[%add3A_4, %dma_start3A] : memref<10112x128xf32, #tpu.memory_space<vmem_shared>> -> memref<128x128xf32, #tpu.memory_space<vmem_shared>>
      %dma_start3A_19 = arith.constant 0 : i32
      %dma_start3A_20 = tpu.memref_slice %arg9[%add3A_4, %dma_start3A_19] : memref<10112x128xf32, #tpu.memory_space<vmem_shared>> -> memref<128x128xf32, #tpu.memory_space<vmem_shared>>
      tpu.enqueue_dma source(%arg8 : memref<128x128xf32, #tpu.memory_space<vmem>>) target(%dma_start3A_20 : memref<128x128xf32, #tpu.memory_space<vmem_shared>>) target_semaphore(%run_scoped3A : memref<!tpu.dma_semaphore, #tpu.memory_space<semaphore_mem>>)
      %dma_wait3A = arith.constant 0 : i32
      %dma_wait3A_21 = tpu.memref_slice %arg9[%add3A_4, %dma_wait3A] : memref<10112x128xf32, #tpu.memory_space<vmem_shared>> -> memref<128x128xf32, #tpu.memory_space<vmem_shared>>
      %dma_wait3A_22 = arith.constant 0 : i32
      %dma_wait3A_23 = tpu.memref_slice %arg9[%add3A_4, %dma_wait3A_22] : memref<10112x128xf32, #tpu.memory_space<vmem_shared>> -> memref<128x128xf32, #tpu.memory_space<vmem_shared>>
      tpu.wait_dma2 semaphore(%run_scoped3A : memref<!tpu.dma_semaphore, #tpu.memory_space<semaphore_mem>>) src(%arg8 : memref<128x128xf32, #tpu.memory_space<vmem>>) dst(%dma_wait3A_23 : memref<128x128xf32, #tpu.memory_space<vmem_shared>>)
      tpu.yield
    }) : () -> ()
    %add3A_5 = arith.constant 128 : i32
    %add3A_6 = arith.addi %mul3A_2, %add3A_5 : i32
    "tpu.region"() ({
      %run_scoped3A = tpu.sem_alloc : memref<!tpu.dma_semaphore, #tpu.memory_space<semaphore_mem>>
      %dma_start3A = arith.constant 0 : i32
      %dma_start3A_18 = tpu.memref_slice %arg9[%add3A_6, %dma_start3A] : memref<10112x128xf32, #tpu.memory_space<vmem_shared>> -> memref<128x128xf32, #tpu.memory_space<vmem_shared>>
      %dma_start3A_19 = arith.constant 0 : i32
      %dma_start3A_20 = tpu.memref_slice %arg9[%add3A_6, %dma_start3A_19] : memref<10112x128xf32, #tpu.memory_space<vmem_shared>> -> memref<128x128xf32, #tpu.memory_space<vmem_shared>>
      tpu.enqueue_dma source(%arg8 : memref<128x128xf32, #tpu.memory_space<vmem>>) target(%dma_start3A_20 : memref<128x128xf32, #tpu.memory_space<vmem_shared>>) target_semaphore(%run_scoped3A : memref<!tpu.dma_semaphore, #tpu.memory_space<semaphore_mem>>)
      %dma_wait3A = arith.constant 0 : i32
      %dma_wait3A_21 = tpu.memref_slice %arg9[%add3A_6, %dma_wait3A] : memref<10112x128xf32, #tpu.memory_space<vmem_shared>> -> memref<128x128xf32, #tpu.memory_space<vmem_shared>>
      %dma_wait3A_22 = arith.constant 0 : i32
      %dma_wait3A_23 = tpu.memref_slice %arg9[%add3A_6, %dma_wait3A_22] : memref<10112x128xf32, #tpu.memory_space<vmem_shared>> -> memref<128x128xf32, #tpu.memory_space<vmem_shared>>
      tpu.wait_dma2 semaphore(%run_scoped3A : memref<!tpu.dma_semaphore, #tpu.memory_space<semaphore_mem>>) src(%arg8 : memref<128x128xf32, #tpu.memory_space<vmem>>) dst(%dma_wait3A_23 : memref<128x128xf32, #tpu.memory_space<vmem_shared>>)
      tpu.yield
    }) : () -> ()
    %add3A_7 = arith.constant 256 : i32
    %add3A_8 = arith.addi %mul3A_2, %add3A_7 : i32
    "tpu.region"() ({
      %run_scoped3A = tpu.sem_alloc : memref<!tpu.dma_semaphore, #tpu.memory_space<semaphore_mem>>
      %dma_start3A = arith.constant 0 : i32
      %dma_start3A_18 = tpu.memref_slice %arg9[%add3A_8, %dma_start3A] : memref<10112x128xf32, #tpu.memory_space<vmem_shared>> -> memref<128x128xf32, #tpu.memory_space<vmem_shared>>
      %dma_start3A_19 = arith.constant 0 : i32
      %dma_start3A_20 = tpu.memref_slice %arg9[%add3A_8, %dma_start3A_19] : memref<10112x128xf32, #tpu.memory_space<vmem_shared>> -> memref<128x128xf32, #tpu.memory_space<vmem_shared>>
      tpu.enqueue_dma source(%arg8 : memref<128x128xf32, #tpu.memory_space<vmem>>) target(%dma_start3A_20 : memref<128x128xf32, #tpu.memory_space<vmem_shared>>) target_semaphore(%run_scoped3A : memref<!tpu.dma_semaphore, #tpu.memory_space<semaphore_mem>>)
      %dma_wait3A = arith.constant 0 : i32
      %dma_wait3A_21 = tpu.memref_slice %arg9[%add3A_8, %dma_wait3A] : memref<10112x128xf32, #tpu.memory_space<vmem_shared>> -> memref<128x128xf32, #tpu.memory_space<vmem_shared>>
      %dma_wait3A_22 = arith.constant 0 : i32
      %dma_wait3A_23 = tpu.memref_slice %arg9[%add3A_8, %dma_wait3A_22] : memref<10112x128xf32, #tpu.memory_space<vmem_shared>> -> memref<128x128xf32, #tpu.memory_space<vmem_shared>>
      tpu.wait_dma2 semaphore(%run_scoped3A : memref<!tpu.dma_semaphore, #tpu.memory_space<semaphore_mem>>) src(%arg8 : memref<128x128xf32, #tpu.memory_space<vmem>>) dst(%dma_wait3A_23 : memref<128x128xf32, #tpu.memory_space<vmem_shared>>)
      tpu.yield
    }) : () -> ()
    %add3A_9 = arith.constant 384 : i32
    %add3A_10 = arith.addi %mul3A_2, %add3A_9 : i32
    "tpu.region"() ({
      %run_scoped3A = tpu.sem_alloc : memref<!tpu.dma_semaphore, #tpu.memory_space<semaphore_mem>>
      %dma_start3A = arith.constant 0 : i32
      %dma_start3A_18 = tpu.memref_slice %arg9[%add3A_10, %dma_start3A] : memref<10112x128xf32, #tpu.memory_space<vmem_shared>> -> memref<128x128xf32, #tpu.memory_space<vmem_shared>>
      %dma_start3A_19 = arith.constant 0 : i32
      %dma_start3A_20 = tpu.memref_slice %arg9[%add3A_10, %dma_start3A_19] : memref<10112x128xf32, #tpu.memory_space<vmem_shared>> -> memref<128x128xf32, #tpu.memory_space<vmem_shared>>
      tpu.enqueue_dma source(%arg8 : memref<128x128xf32, #tpu.memory_space<vmem>>) target(%dma_start3A_20 : memref<128x128xf32, #tpu.memory_space<vmem_shared>>) target_semaphore(%run_scoped3A : memref<!tpu.dma_semaphore, #tpu.memory_space<semaphore_mem>>)
      %dma_wait3A = arith.constant 0 : i32
      %dma_wait3A_21 = tpu.memref_slice %arg9[%add3A_10, %dma_wait3A] : memref<10112x128xf32, #tpu.memory_space<vmem_shared>> -> memref<128x128xf32, #tpu.memory_space<vmem_shared>>
      %dma_wait3A_22 = arith.constant 0 : i32
      %dma_wait3A_23 = tpu.memref_slice %arg9[%add3A_10, %dma_wait3A_22] : memref<10112x128xf32, #tpu.memory_space<vmem_shared>> -> memref<128x128xf32, #tpu.memory_space<vmem_shared>>
      tpu.wait_dma2 semaphore(%run_scoped3A : memref<!tpu.dma_semaphore, #tpu.memory_space<semaphore_mem>>) src(%arg8 : memref<128x128xf32, #tpu.memory_space<vmem>>) dst(%dma_wait3A_23 : memref<128x128xf32, #tpu.memory_space<vmem_shared>>)
      tpu.yield
    }) : () -> ()
    %add3A_11 = arith.constant 512 : i32
    %add3A_12 = arith.addi %mul3A_2, %add3A_11 : i32
    "tpu.region"() ({
      %run_scoped3A = tpu.sem_alloc : memref<!tpu.dma_semaphore, #tpu.memory_space<semaphore_mem>>
      %dma_start3A = arith.constant 0 : i32
      %dma_start3A_18 = arith.constant 0 : i32
      %dma_start3A_19 = tpu.memref_slice %arg8[%dma_start3A, %dma_start3A_18] : memref<128x128xf32, #tpu.memory_space<vmem>> -> memref<120x128xf32, #tpu.memory_space<vmem>>
      %dma_start3A_20 = arith.constant 0 : i32
      %dma_start3A_21 = tpu.memref_slice %arg9[%add3A_12, %dma_start3A_20] : memref<10112x128xf32, #tpu.memory_space<vmem_shared>> -> memref<120x128xf32, #tpu.memory_space<vmem_shared>>
      %dma_start3A_22 = arith.constant 0 : i32
      %dma_start3A_23 = tpu.memref_slice %arg9[%add3A_12, %dma_start3A_22] : memref<10112x128xf32, #tpu.memory_space<vmem_shared>> -> memref<120x128xf32, #tpu.memory_space<vmem_shared>>
      %dma_start3A_24 = arith.constant 0 : i32
      %dma_start3A_25 = arith.constant 0 : i32
      %dma_start3A_26 = tpu.memref_slice %arg8[%dma_start3A_24, %dma_start3A_25] : memref<128x128xf32, #tpu.memory_space<vmem>> -> memref<120x128xf32, #tpu.memory_space<vmem>>
      tpu.enqueue_dma source(%dma_start3A_26 : memref<120x128xf32, #tpu.memory_space<vmem>>) target(%dma_start3A_23 : memref<120x128xf32, #tpu.memory_space<vmem_shared>>) target_semaphore(%run_scoped3A : memref<!tpu.dma_semaphore, #tpu.memory_space<semaphore_mem>>)
      %dma_wait3A = arith.constant 0 : i32
      %dma_wait3A_27 = arith.constant 0 : i32
      %dma_wait3A_28 = tpu.memref_slice %arg8[%dma_wait3A, %dma_wait3A_27] : memref<128x128xf32, #tpu.memory_space<vmem>> -> memref<120x128xf32, #tpu.memory_space<vmem>>
      %dma_wait3A_29 = arith.constant 0 : i32
      %dma_wait3A_30 = tpu.memref_slice %arg9[%add3A_12, %dma_wait3A_29] : memref<10112x128xf32, #tpu.memory_space<vmem_shared>> -> memref<120x128xf32, #tpu.memory_space<vmem_shared>>
      %dma_wait3A_31 = arith.constant 0 : i32
      %dma_wait3A_32 = tpu.memref_slice %arg9[%add3A_12, %dma_wait3A_31] : memref<10112x128xf32, #tpu.memory_space<vmem_shared>> -> memref<120x128xf32, #tpu.memory_space<vmem_shared>>
      %dma_wait3A_33 = arith.constant 0 : i32
      %dma_wait3A_34 = arith.constant 0 : i32
      %dma_wait3A_35 = tpu.memref_slice %arg8[%dma_wait3A_33, %dma_wait3A_34] : memref<128x128xf32, #tpu.memory_space<vmem>> -> memref<120x128xf32, #tpu.memory_space<vmem>>
      tpu.wait_dma2 semaphore(%run_scoped3A : memref<!tpu.dma_semaphore, #tpu.memory_space<semaphore_mem>>) src(%dma_wait3A_35 : memref<120x128xf32, #tpu.memory_space<vmem>>) dst(%dma_wait3A_32 : memref<120x128xf32, #tpu.memory_space<vmem_shared>>)
      tpu.yield
    }) : () -> ()
    %barrier3A = arith.constant 0 : index
    tpu.barrier barrier_id(%barrier3A)
    %scan3A = arith.constant 0 : i32
    %scan3A_13 = arith.constant 80 : i32
    %scan3A_14 = arith.addi %scan3A, %scan3A_13 : i32
    %scan3A_15 = arith.constant 1 : i32
    scf.for %scan3A_18 = %scan3A to %scan3A_14 step %scan3A_15  : i32 {
      %mul3A_19 = arith.constant 1 : i32
      %mul3A_20 = arith.muli %scan3A_18, %mul3A_19 : i32
      %add3A_21 = arith.constant 0 : i32
      %add3A_22 = arith.addi %add3A_21, %mul3A_20 : i32
      %run_scoped3A = arith.constant 0 : i32
      "tpu.region"() ({
        %run_scoped3A_23 = tpu.sem_alloc : memref<!tpu.dma_semaphore, #tpu.memory_space<semaphore_mem>>
        %dma_start3A = arith.constant 0 : i32
        %dma_start3A_24 = tpu.memref_slice %arg6[%add3A_22, %run_scoped3A, %dma_start3A] : memref<80x1x128xi32, #tpu.memory_space<vmem>> -> memref<1x1x128xi32, #tpu.memory_space<vmem>>
        %dma_start3A_25 = tpu.memref_squeeze %dma_start3A_24 : memref<1x1x128xi32, #tpu.memory_space<vmem>> -> memref<128xi32, #tpu.memory_space<vmem>>
        %dma_start3A_26 = arith.constant 0 : i32
        %dma_start3A_27 = arith.constant 0 : i32
        %dma_start3A_28 = tpu.memref_slice %arg9[%dma_start3A_26, %dma_start3A_27] : memref<10112x128xf32, #tpu.memory_space<vmem_shared>> -> memref<10112x128xf32, #tpu.memory_space<vmem_shared>>
        tpu.enqueue_indirect_dma source(%arg7 : memref<128x128xf32, #tpu.memory_space<vmem>>) target(%dma_start3A_28 : memref<10112x128xf32, #tpu.memory_space<vmem_shared>>) offsets(%dma_start3A_25 : memref<128xi32, #tpu.memory_space<vmem>>) semaphore(%run_scoped3A_23 : memref<!tpu.dma_semaphore, #tpu.memory_space<semaphore_mem>>) {add = true}
        %dma_wait3A = arith.constant 0 : i32
        %dma_wait3A_29 = tpu.memref_slice %arg6[%add3A_22, %run_scoped3A, %dma_wait3A] : memref<80x1x128xi32, #tpu.memory_space<vmem>> -> memref<1x1x128xi32, #tpu.memory_space<vmem>>
        %dma_wait3A_30 = tpu.memref_squeeze %dma_wait3A_29 : memref<1x1x128xi32, #tpu.memory_space<vmem>> -> memref<128xi32, #tpu.memory_space<vmem>>
        %dma_wait3A_31 = arith.constant 0 : i32
        %dma_wait3A_32 = arith.constant 0 : i32
        %dma_wait3A_33 = tpu.memref_slice %arg9[%dma_wait3A_31, %dma_wait3A_32] : memref<10112x128xf32, #tpu.memory_space<vmem_shared>> -> memref<10112x128xf32, #tpu.memory_space<vmem_shared>>
        tpu.wait_indirect_dma semaphore(%run_scoped3A_23 : memref<!tpu.dma_semaphore, #tpu.memory_space<semaphore_mem>>) src(%arg7 : memref<128x128xf32, #tpu.memory_space<vmem>>) dst(%dma_wait3A_33 : memref<10112x128xf32, #tpu.memory_space<vmem_shared>>)
        tpu.yield
      }) : () -> ()
    }
    %scan3A_16 = arith.constant 80 : i32
    %barrier3A_17 = arith.constant 0 : index
    tpu.barrier barrier_id(%barrier3A_17)
    "tpu.region"() ({
      %run_scoped3A = tpu.sem_alloc : memref<!tpu.dma_semaphore, #tpu.memory_space<semaphore_mem>>
      %dma_start3A = arith.constant 0 : i32
      %dma_start3A_18 = tpu.memref_slice %arg5[%arg0, %mul3A_2, %dma_start3A] : memref<2x10112x128xf32, #tpu.memory_space<hbm>> -> memref<1x632x128xf32, #tpu.memory_space<hbm>>
      %dma_start3A_19 = tpu.memref_squeeze %dma_start3A_18 : memref<1x632x128xf32, #tpu.memory_space<hbm>> -> memref<632x128xf32, #tpu.memory_space<hbm>>
      %dma_start3A_20 = arith.constant 0 : i32
      %dma_start3A_21 = tpu.memref_slice %arg9[%mul3A_2, %dma_start3A_20] : memref<10112x128xf32, #tpu.memory_space<vmem_shared>> -> memref<632x128xf32, #tpu.memory_space<vmem_shared>>
      tpu.enqueue_dma source(%dma_start3A_21 : memref<632x128xf32, #tpu.memory_space<vmem_shared>>) target(%dma_start3A_19 : memref<632x128xf32, #tpu.memory_space<hbm>>) target_semaphore(%run_scoped3A : memref<!tpu.dma_semaphore, #tpu.memory_space<semaphore_mem>>)
      %dma_wait3A = arith.constant 0 : i32
      %dma_wait3A_22 = tpu.memref_slice %arg5[%arg0, %mul3A_2, %dma_wait3A] : memref<2x10112x128xf32, #tpu.memory_space<hbm>> -> memref<1x632x128xf32, #tpu.memory_space<hbm>>
      %dma_wait3A_23 = tpu.memref_squeeze %dma_wait3A_22 : memref<1x632x128xf32, #tpu.memory_space<hbm>> -> memref<632x128xf32, #tpu.memory_space<hbm>>
      %dma_wait3A_24 = arith.constant 0 : i32
      %dma_wait3A_25 = tpu.memref_slice %arg9[%mul3A_2, %dma_wait3A_24] : memref<10112x128xf32, #tpu.memory_space<vmem_shared>> -> memref<632x128xf32, #tpu.memory_space<vmem_shared>>
      tpu.wait_dma2 semaphore(%run_scoped3A : memref<!tpu.dma_semaphore, #tpu.memory_space<semaphore_mem>>) src(%dma_wait3A_25 : memref<632x128xf32, #tpu.memory_space<vmem_shared>>) dst(%dma_wait3A_23 : memref<632x128xf32, #tpu.memory_space<hbm>>)
      tpu.yield
    }) : () -> ()
    return
  }
}

#map = affine_map<(d0, d1) -> (0, 0)>
#map1 = affine_map<(d0, d1) -> (0, 0, 0, 0, 0)>
#map2 = affine_map<(d0, d1) -> (0, 0, 0)>
module attributes {stable_mosaic.version = 14 : i64} {
  func.func @sc_seg(%arg0: i32, %arg1: i32, %arg2: memref<10000x128xf32, #tpu.memory_space<hbm>>, %arg3: memref<32x2x40x2x128xi32, #tpu.memory_space<hbm>>, %arg4: memref<128x128xf32, #tpu.memory_space<hbm>>, %arg5: memref<2x10112x128xf32, #tpu.memory_space<hbm>>, %arg6: memref<40x2x128xi32, #tpu.memory_space<vmem>>, %arg7: memref<128x128xf32, #tpu.memory_space<vmem>>, %arg8: memref<128x128xf32, #tpu.memory_space<vmem>>, %arg9: memref<10112x128xf32, #tpu.memory_space<vmem_shared>>, %arg10: memref<!tpu.dma_semaphore, #tpu.memory_space<semaphore_mem>>, %arg11: memref<!tpu.dma_semaphore, #tpu.memory_space<semaphore_mem>>, %arg12: memref<!tpu.dma_semaphore, #tpu.memory_space<semaphore_mem>>, %arg13: memref<!tpu.dma_semaphore, #tpu.memory_space<semaphore_mem>>) attributes {dimension_semantics = [#tpu.dimension_semantics<core_parallel>, #tpu.dimension_semantics<subcore_parallel>], iteration_bounds = array<i64: 2, 16>, scalar_prefetch = 0 : i64, scratch_operands = 8 : i64, tpu.core_type = #tpu.core_type<sc_vector_subcore>, window_params = [{transform_indices = #map}, {transform_indices = #map1}, {transform_indices = #map}, {transform_indices = #map2}]} {
    %mul3A = arith.constant 16 : i32
    %mul3A_0 = arith.muli %arg0, %mul3A : i32
    %add3A = arith.addi %mul3A_0, %arg1 : i32
    "tpu.region"() ({
      %run_scoped3A = tpu.sem_alloc : memref<!tpu.dma_semaphore, #tpu.memory_space<semaphore_mem>>
      tpu.enqueue_dma source(%arg4 : memref<128x128xf32, #tpu.memory_space<hbm>>) target(%arg7 : memref<128x128xf32, #tpu.memory_space<vmem>>) target_semaphore(%run_scoped3A : memref<!tpu.dma_semaphore, #tpu.memory_space<semaphore_mem>>)
      tpu.wait_dma2 semaphore(%run_scoped3A : memref<!tpu.dma_semaphore, #tpu.memory_space<semaphore_mem>>) src(%arg4 : memref<128x128xf32, #tpu.memory_space<hbm>>) dst(%arg7 : memref<128x128xf32, #tpu.memory_space<vmem>>)
      tpu.yield
    }) : () -> ()
    %mul3A_1 = arith.constant 632 : i32
    %mul3A_2 = arith.muli %arg1, %mul3A_1 : i32
    %add3A_3 = arith.constant 0 : i32
    %add3A_4 = arith.addi %mul3A_2, %add3A_3 : i32
    "tpu.region"() ({
      %run_scoped3A = tpu.sem_alloc : memref<!tpu.dma_semaphore, #tpu.memory_space<semaphore_mem>>
      %dma_start3A = arith.constant 0 : i32
      %dma_start3A_33 = tpu.memref_slice %arg9[%add3A_4, %dma_start3A] : memref<10112x128xf32, #tpu.memory_space<vmem_shared>> -> memref<128x128xf32, #tpu.memory_space<vmem_shared>>
      %dma_start3A_34 = arith.constant 0 : i32
      %dma_start3A_35 = tpu.memref_slice %arg9[%add3A_4, %dma_start3A_34] : memref<10112x128xf32, #tpu.memory_space<vmem_shared>> -> memref<128x128xf32, #tpu.memory_space<vmem_shared>>
      tpu.enqueue_dma source(%arg7 : memref<128x128xf32, #tpu.memory_space<vmem>>) target(%dma_start3A_35 : memref<128x128xf32, #tpu.memory_space<vmem_shared>>) target_semaphore(%run_scoped3A : memref<!tpu.dma_semaphore, #tpu.memory_space<semaphore_mem>>)
      %dma_wait3A = arith.constant 0 : i32
      %dma_wait3A_36 = tpu.memref_slice %arg9[%add3A_4, %dma_wait3A] : memref<10112x128xf32, #tpu.memory_space<vmem_shared>> -> memref<128x128xf32, #tpu.memory_space<vmem_shared>>
      %dma_wait3A_37 = arith.constant 0 : i32
      %dma_wait3A_38 = tpu.memref_slice %arg9[%add3A_4, %dma_wait3A_37] : memref<10112x128xf32, #tpu.memory_space<vmem_shared>> -> memref<128x128xf32, #tpu.memory_space<vmem_shared>>
      tpu.wait_dma2 semaphore(%run_scoped3A : memref<!tpu.dma_semaphore, #tpu.memory_space<semaphore_mem>>) src(%arg7 : memref<128x128xf32, #tpu.memory_space<vmem>>) dst(%dma_wait3A_38 : memref<128x128xf32, #tpu.memory_space<vmem_shared>>)
      tpu.yield
    }) : () -> ()
    %add3A_5 = arith.constant 128 : i32
    %add3A_6 = arith.addi %mul3A_2, %add3A_5 : i32
    "tpu.region"() ({
      %run_scoped3A = tpu.sem_alloc : memref<!tpu.dma_semaphore, #tpu.memory_space<semaphore_mem>>
      %dma_start3A = arith.constant 0 : i32
      %dma_start3A_33 = tpu.memref_slice %arg9[%add3A_6, %dma_start3A] : memref<10112x128xf32, #tpu.memory_space<vmem_shared>> -> memref<128x128xf32, #tpu.memory_space<vmem_shared>>
      %dma_start3A_34 = arith.constant 0 : i32
      %dma_start3A_35 = tpu.memref_slice %arg9[%add3A_6, %dma_start3A_34] : memref<10112x128xf32, #tpu.memory_space<vmem_shared>> -> memref<128x128xf32, #tpu.memory_space<vmem_shared>>
      tpu.enqueue_dma source(%arg7 : memref<128x128xf32, #tpu.memory_space<vmem>>) target(%dma_start3A_35 : memref<128x128xf32, #tpu.memory_space<vmem_shared>>) target_semaphore(%run_scoped3A : memref<!tpu.dma_semaphore, #tpu.memory_space<semaphore_mem>>)
      %dma_wait3A = arith.constant 0 : i32
      %dma_wait3A_36 = tpu.memref_slice %arg9[%add3A_6, %dma_wait3A] : memref<10112x128xf32, #tpu.memory_space<vmem_shared>> -> memref<128x128xf32, #tpu.memory_space<vmem_shared>>
      %dma_wait3A_37 = arith.constant 0 : i32
      %dma_wait3A_38 = tpu.memref_slice %arg9[%add3A_6, %dma_wait3A_37] : memref<10112x128xf32, #tpu.memory_space<vmem_shared>> -> memref<128x128xf32, #tpu.memory_space<vmem_shared>>
      tpu.wait_dma2 semaphore(%run_scoped3A : memref<!tpu.dma_semaphore, #tpu.memory_space<semaphore_mem>>) src(%arg7 : memref<128x128xf32, #tpu.memory_space<vmem>>) dst(%dma_wait3A_38 : memref<128x128xf32, #tpu.memory_space<vmem_shared>>)
      tpu.yield
    }) : () -> ()
    %add3A_7 = arith.constant 256 : i32
    %add3A_8 = arith.addi %mul3A_2, %add3A_7 : i32
    "tpu.region"() ({
      %run_scoped3A = tpu.sem_alloc : memref<!tpu.dma_semaphore, #tpu.memory_space<semaphore_mem>>
      %dma_start3A = arith.constant 0 : i32
      %dma_start3A_33 = tpu.memref_slice %arg9[%add3A_8, %dma_start3A] : memref<10112x128xf32, #tpu.memory_space<vmem_shared>> -> memref<128x128xf32, #tpu.memory_space<vmem_shared>>
      %dma_start3A_34 = arith.constant 0 : i32
      %dma_start3A_35 = tpu.memref_slice %arg9[%add3A_8, %dma_start3A_34] : memref<10112x128xf32, #tpu.memory_space<vmem_shared>> -> memref<128x128xf32, #tpu.memory_space<vmem_shared>>
      tpu.enqueue_dma source(%arg7 : memref<128x128xf32, #tpu.memory_space<vmem>>) target(%dma_start3A_35 : memref<128x128xf32, #tpu.memory_space<vmem_shared>>) target_semaphore(%run_scoped3A : memref<!tpu.dma_semaphore, #tpu.memory_space<semaphore_mem>>)
      %dma_wait3A = arith.constant 0 : i32
      %dma_wait3A_36 = tpu.memref_slice %arg9[%add3A_8, %dma_wait3A] : memref<10112x128xf32, #tpu.memory_space<vmem_shared>> -> memref<128x128xf32, #tpu.memory_space<vmem_shared>>
      %dma_wait3A_37 = arith.constant 0 : i32
      %dma_wait3A_38 = tpu.memref_slice %arg9[%add3A_8, %dma_wait3A_37] : memref<10112x128xf32, #tpu.memory_space<vmem_shared>> -> memref<128x128xf32, #tpu.memory_space<vmem_shared>>
      tpu.wait_dma2 semaphore(%run_scoped3A : memref<!tpu.dma_semaphore, #tpu.memory_space<semaphore_mem>>) src(%arg7 : memref<128x128xf32, #tpu.memory_space<vmem>>) dst(%dma_wait3A_38 : memref<128x128xf32, #tpu.memory_space<vmem_shared>>)
      tpu.yield
    }) : () -> ()
    %add3A_9 = arith.constant 384 : i32
    %add3A_10 = arith.addi %mul3A_2, %add3A_9 : i32
    "tpu.region"() ({
      %run_scoped3A = tpu.sem_alloc : memref<!tpu.dma_semaphore, #tpu.memory_space<semaphore_mem>>
      %dma_start3A = arith.constant 0 : i32
      %dma_start3A_33 = tpu.memref_slice %arg9[%add3A_10, %dma_start3A] : memref<10112x128xf32, #tpu.memory_space<vmem_shared>> -> memref<128x128xf32, #tpu.memory_space<vmem_shared>>
      %dma_start3A_34 = arith.constant 0 : i32
      %dma_start3A_35 = tpu.memref_slice %arg9[%add3A_10, %dma_start3A_34] : memref<10112x128xf32, #tpu.memory_space<vmem_shared>> -> memref<128x128xf32, #tpu.memory_space<vmem_shared>>
      tpu.enqueue_dma source(%arg7 : memref<128x128xf32, #tpu.memory_space<vmem>>) target(%dma_start3A_35 : memref<128x128xf32, #tpu.memory_space<vmem_shared>>) target_semaphore(%run_scoped3A : memref<!tpu.dma_semaphore, #tpu.memory_space<semaphore_mem>>)
      %dma_wait3A = arith.constant 0 : i32
      %dma_wait3A_36 = tpu.memref_slice %arg9[%add3A_10, %dma_wait3A] : memref<10112x128xf32, #tpu.memory_space<vmem_shared>> -> memref<128x128xf32, #tpu.memory_space<vmem_shared>>
      %dma_wait3A_37 = arith.constant 0 : i32
      %dma_wait3A_38 = tpu.memref_slice %arg9[%add3A_10, %dma_wait3A_37] : memref<10112x128xf32, #tpu.memory_space<vmem_shared>> -> memref<128x128xf32, #tpu.memory_space<vmem_shared>>
      tpu.wait_dma2 semaphore(%run_scoped3A : memref<!tpu.dma_semaphore, #tpu.memory_space<semaphore_mem>>) src(%arg7 : memref<128x128xf32, #tpu.memory_space<vmem>>) dst(%dma_wait3A_38 : memref<128x128xf32, #tpu.memory_space<vmem_shared>>)
      tpu.yield
    }) : () -> ()
    %add3A_11 = arith.constant 512 : i32
    %add3A_12 = arith.addi %mul3A_2, %add3A_11 : i32
    "tpu.region"() ({
      %run_scoped3A = tpu.sem_alloc : memref<!tpu.dma_semaphore, #tpu.memory_space<semaphore_mem>>
      %dma_start3A = arith.constant 0 : i32
      %dma_start3A_33 = arith.constant 0 : i32
      %dma_start3A_34 = tpu.memref_slice %arg7[%dma_start3A, %dma_start3A_33] : memref<128x128xf32, #tpu.memory_space<vmem>> -> memref<120x128xf32, #tpu.memory_space<vmem>>
      %dma_start3A_35 = arith.constant 0 : i32
      %dma_start3A_36 = tpu.memref_slice %arg9[%add3A_12, %dma_start3A_35] : memref<10112x128xf32, #tpu.memory_space<vmem_shared>> -> memref<120x128xf32, #tpu.memory_space<vmem_shared>>
      %dma_start3A_37 = arith.constant 0 : i32
      %dma_start3A_38 = tpu.memref_slice %arg9[%add3A_12, %dma_start3A_37] : memref<10112x128xf32, #tpu.memory_space<vmem_shared>> -> memref<120x128xf32, #tpu.memory_space<vmem_shared>>
      %dma_start3A_39 = arith.constant 0 : i32
      %dma_start3A_40 = arith.constant 0 : i32
      %dma_start3A_41 = tpu.memref_slice %arg7[%dma_start3A_39, %dma_start3A_40] : memref<128x128xf32, #tpu.memory_space<vmem>> -> memref<120x128xf32, #tpu.memory_space<vmem>>
      tpu.enqueue_dma source(%dma_start3A_41 : memref<120x128xf32, #tpu.memory_space<vmem>>) target(%dma_start3A_38 : memref<120x128xf32, #tpu.memory_space<vmem_shared>>) target_semaphore(%run_scoped3A : memref<!tpu.dma_semaphore, #tpu.memory_space<semaphore_mem>>)
      %dma_wait3A = arith.constant 0 : i32
      %dma_wait3A_42 = arith.constant 0 : i32
      %dma_wait3A_43 = tpu.memref_slice %arg7[%dma_wait3A, %dma_wait3A_42] : memref<128x128xf32, #tpu.memory_space<vmem>> -> memref<120x128xf32, #tpu.memory_space<vmem>>
      %dma_wait3A_44 = arith.constant 0 : i32
      %dma_wait3A_45 = tpu.memref_slice %arg9[%add3A_12, %dma_wait3A_44] : memref<10112x128xf32, #tpu.memory_space<vmem_shared>> -> memref<120x128xf32, #tpu.memory_space<vmem_shared>>
      %dma_wait3A_46 = arith.constant 0 : i32
      %dma_wait3A_47 = tpu.memref_slice %arg9[%add3A_12, %dma_wait3A_46] : memref<10112x128xf32, #tpu.memory_space<vmem_shared>> -> memref<120x128xf32, #tpu.memory_space<vmem_shared>>
      %dma_wait3A_48 = arith.constant 0 : i32
      %dma_wait3A_49 = arith.constant 0 : i32
      %dma_wait3A_50 = tpu.memref_slice %arg7[%dma_wait3A_48, %dma_wait3A_49] : memref<128x128xf32, #tpu.memory_space<vmem>> -> memref<120x128xf32, #tpu.memory_space<vmem>>
      tpu.wait_dma2 semaphore(%run_scoped3A : memref<!tpu.dma_semaphore, #tpu.memory_space<semaphore_mem>>) src(%dma_wait3A_50 : memref<120x128xf32, #tpu.memory_space<vmem>>) dst(%dma_wait3A_47 : memref<120x128xf32, #tpu.memory_space<vmem_shared>>)
      tpu.yield
    }) : () -> ()
    %barrier3A = arith.constant 0 : index
    tpu.barrier barrier_id(%barrier3A)
    %eq3A = arith.constant 0 : i32
    %eq3A_13 = arith.cmpi eq, %arg0, %eq3A : i32
    %select_n3A = arith.constant 2 : i32
    %select_n3A_14 = arith.constant 2 : i32
    %select_n3A_15 = arith.select %eq3A_13, %select_n3A_14, %select_n3A : i32
    %sub3A = arith.constant 0 : i32
    %sub3A_16 = arith.subi %select_n3A_15, %sub3A : i32
    %sub3A_17 = arith.constant 1 : i32
    %sub3A_18 = arith.constant 1 : i32
    %sub3A_19 = arith.subi %sub3A_17, %sub3A_18 : i32
    %add3A_20 = arith.addi %sub3A_16, %sub3A_19 : i32
    %div3A = arith.constant 1 : i32
    %div3A_21 = arith.divsi %add3A_20, %div3A : i32
    %while3A = arith.constant 1 : i32
    %while3A_22 = arith.constant 0 : i32
    %while3A_23 = arith.constant 0 : i32
    %while3A_24 = arith.subi %div3A_21, %while3A_23 : i32
    %while3A_25 = arith.addi %while3A_23, %while3A_24 : i32
    %while3A_26 = arith.constant 1 : i32
    %while3A_27 = arith.divsi %while3A_24, %while3A_26 : i32
    %while3A_28 = arith.muli %while3A_27, %while3A_26 : i32
    %while3A_29 = arith.addi %while3A_23, %while3A_28 : i32
    %while3A_30 = arith.constant 1 : i32
    scf.for %while3A_33 = %while3A_23 to %while3A_29 step %while3A_30  : i32 {
      %mul3A_34 = arith.muli %while3A_33, %while3A : i32
      %add3A_35 = arith.addi %while3A_22, %mul3A_34 : i32
      "tpu.region"() ({
        %run_scoped3A = tpu.sem_alloc : memref<!tpu.dma_semaphore, #tpu.memory_space<semaphore_mem>>
        %dma_start3A_47 = arith.constant 0 : i32
        %dma_start3A_48 = arith.constant 0 : i32
        %dma_start3A_49 = arith.constant 0 : i32
        %dma_start3A_50 = tpu.memref_slice %arg3[%add3A, %add3A_35, %dma_start3A_47, %dma_start3A_48, %dma_start3A_49] : memref<32x2x40x2x128xi32, #tpu.memory_space<hbm>> -> memref<1x1x40x2x128xi32, #tpu.memory_space<hbm>>
        %dma_start3A_51 = tpu.memref_squeeze %dma_start3A_50 : memref<1x1x40x2x128xi32, #tpu.memory_space<hbm>> -> memref<40x2x128xi32, #tpu.memory_space<hbm>>
        %dma_start3A_52 = arith.constant 0 : i32
        %dma_start3A_53 = arith.constant 0 : i32
        %dma_start3A_54 = arith.constant 0 : i32
        %dma_start3A_55 = tpu.memref_slice %arg3[%add3A, %add3A_35, %dma_start3A_52, %dma_start3A_53, %dma_start3A_54] : memref<32x2x40x2x128xi32, #tpu.memory_space<hbm>> -> memref<1x1x40x2x128xi32, #tpu.memory_space<hbm>>
        %dma_start3A_56 = tpu.memref_squeeze %dma_start3A_55 : memref<1x1x40x2x128xi32, #tpu.memory_space<hbm>> -> memref<40x2x128xi32, #tpu.memory_space<hbm>>
        tpu.enqueue_dma source(%dma_start3A_56 : memref<40x2x128xi32, #tpu.memory_space<hbm>>) target(%arg6 : memref<40x2x128xi32, #tpu.memory_space<vmem>>) target_semaphore(%run_scoped3A : memref<!tpu.dma_semaphore, #tpu.memory_space<semaphore_mem>>)
        %dma_wait3A = arith.constant 0 : i32
        %dma_wait3A_57 = arith.constant 0 : i32
        %dma_wait3A_58 = arith.constant 0 : i32
        %dma_wait3A_59 = tpu.memref_slice %arg3[%add3A, %add3A_35, %dma_wait3A, %dma_wait3A_57, %dma_wait3A_58] : memref<32x2x40x2x128xi32, #tpu.memory_space<hbm>> -> memref<1x1x40x2x128xi32, #tpu.memory_space<hbm>>
        %dma_wait3A_60 = tpu.memref_squeeze %dma_wait3A_59 : memref<1x1x40x2x128xi32, #tpu.memory_space<hbm>> -> memref<40x2x128xi32, #tpu.memory_space<hbm>>
        %dma_wait3A_61 = arith.constant 0 : i32
        %dma_wait3A_62 = arith.constant 0 : i32
        %dma_wait3A_63 = arith.constant 0 : i32
        %dma_wait3A_64 = tpu.memref_slice %arg3[%add3A, %add3A_35, %dma_wait3A_61, %dma_wait3A_62, %dma_wait3A_63] : memref<32x2x40x2x128xi32, #tpu.memory_space<hbm>> -> memref<1x1x40x2x128xi32, #tpu.memory_space<hbm>>
        %dma_wait3A_65 = tpu.memref_squeeze %dma_wait3A_64 : memref<1x1x40x2x128xi32, #tpu.memory_space<hbm>> -> memref<40x2x128xi32, #tpu.memory_space<hbm>>
        tpu.wait_dma2 semaphore(%run_scoped3A : memref<!tpu.dma_semaphore, #tpu.memory_space<semaphore_mem>>) src(%dma_wait3A_65 : memref<40x2x128xi32, #tpu.memory_space<hbm>>) dst(%arg6 : memref<40x2x128xi32, #tpu.memory_space<vmem>>)
        tpu.yield
      }) : () -> ()
      %dma_start3A = arith.constant 0 : i32
      %dma_start3A_36 = arith.constant 0 : i32
      %dma_start3A_37 = arith.constant 0 : i32
      %dma_start3A_38 = tpu.memref_slice %arg6[%dma_start3A, %dma_start3A_36, %dma_start3A_37] : memref<40x2x128xi32, #tpu.memory_space<vmem>> -> memref<1x1x128xi32, #tpu.memory_space<vmem>>
      %dma_start3A_39 = tpu.memref_squeeze %dma_start3A_38 : memref<1x1x128xi32, #tpu.memory_space<vmem>> -> memref<128xi32, #tpu.memory_space<vmem>>
      %dma_start3A_40 = arith.constant 0 : i32
      %dma_start3A_41 = arith.constant 0 : i32
      %dma_start3A_42 = tpu.memref_slice %arg2[%dma_start3A_40, %dma_start3A_41] : memref<10000x128xf32, #tpu.memory_space<hbm>> -> memref<10000x128xf32, #tpu.memory_space<hbm>>
      tpu.enqueue_indirect_dma source(%dma_start3A_42 : memref<10000x128xf32, #tpu.memory_space<hbm>>) target(%arg7 : memref<128x128xf32, #tpu.memory_space<vmem>>) offsets(%dma_start3A_39 : memref<128xi32, #tpu.memory_space<vmem>>) semaphore(%arg10 : memref<!tpu.dma_semaphore, #tpu.memory_space<semaphore_mem>>)
      %scan3A = arith.constant 0 : i32
      %scan3A_43 = arith.constant 20 : i32
      %scan3A_44 = arith.addi %scan3A, %scan3A_43 : i32
      %scan3A_45 = arith.constant 1 : i32
      scf.for %scan3A_47 = %scan3A to %scan3A_44 step %scan3A_45  : i32 {
        %mul3A_48 = arith.constant 1 : i32
        %mul3A_49 = arith.muli %scan3A_47, %mul3A_48 : i32
        %add3A_50 = arith.constant 0 : i32
        %add3A_51 = arith.addi %add3A_50, %mul3A_49 : i32
        %mul3A_52 = arith.constant 2 : i32
        %mul3A_53 = arith.muli %mul3A_52, %add3A_51 : i32
        %add3A_54 = arith.constant 1 : i32
        %add3A_55 = arith.addi %mul3A_53, %add3A_54 : i32
        %dma_start3A_56 = arith.constant 0 : i32
        %dma_start3A_57 = arith.constant 0 : i32
        %dma_start3A_58 = tpu.memref_slice %arg6[%add3A_55, %dma_start3A_56, %dma_start3A_57] : memref<40x2x128xi32, #tpu.memory_space<vmem>> -> memref<1x1x128xi32, #tpu.memory_space<vmem>>
        %dma_start3A_59 = tpu.memref_squeeze %dma_start3A_58 : memref<1x1x128xi32, #tpu.memory_space<vmem>> -> memref<128xi32, #tpu.memory_space<vmem>>
        %dma_start3A_60 = arith.constant 0 : i32
        %dma_start3A_61 = arith.constant 0 : i32
        %dma_start3A_62 = tpu.memref_slice %arg2[%dma_start3A_60, %dma_start3A_61] : memref<10000x128xf32, #tpu.memory_space<hbm>> -> memref<10000x128xf32, #tpu.memory_space<hbm>>
        tpu.enqueue_indirect_dma source(%dma_start3A_62 : memref<10000x128xf32, #tpu.memory_space<hbm>>) target(%arg8 : memref<128x128xf32, #tpu.memory_space<vmem>>) offsets(%dma_start3A_59 : memref<128xi32, #tpu.memory_space<vmem>>) semaphore(%arg11 : memref<!tpu.dma_semaphore, #tpu.memory_space<semaphore_mem>>)
        %dma_wait3A = arith.constant 0 : i32
        %dma_wait3A_63 = arith.constant 0 : i32
        %dma_wait3A_64 = tpu.memref_slice %arg6[%mul3A_53, %dma_wait3A, %dma_wait3A_63] : memref<40x2x128xi32, #tpu.memory_space<vmem>> -> memref<1x1x128xi32, #tpu.memory_space<vmem>>
        %dma_wait3A_65 = tpu.memref_squeeze %dma_wait3A_64 : memref<1x1x128xi32, #tpu.memory_space<vmem>> -> memref<128xi32, #tpu.memory_space<vmem>>
        %dma_wait3A_66 = arith.constant 0 : i32
        %dma_wait3A_67 = arith.constant 0 : i32
        %dma_wait3A_68 = tpu.memref_slice %arg2[%dma_wait3A_66, %dma_wait3A_67] : memref<10000x128xf32, #tpu.memory_space<hbm>> -> memref<10000x128xf32, #tpu.memory_space<hbm>>
        tpu.wait_indirect_dma semaphore(%arg10 : memref<!tpu.dma_semaphore, #tpu.memory_space<semaphore_mem>>) src(%dma_wait3A_68 : memref<10000x128xf32, #tpu.memory_space<hbm>>) dst(%arg7 : memref<128x128xf32, #tpu.memory_space<vmem>>)
        %dma_start3A_69 = arith.constant 1 : i32
        %dma_start3A_70 = arith.constant 0 : i32
        %dma_start3A_71 = tpu.memref_slice %arg6[%mul3A_53, %dma_start3A_69, %dma_start3A_70] : memref<40x2x128xi32, #tpu.memory_space<vmem>> -> memref<1x1x128xi32, #tpu.memory_space<vmem>>
        %dma_start3A_72 = tpu.memref_squeeze %dma_start3A_71 : memref<1x1x128xi32, #tpu.memory_space<vmem>> -> memref<128xi32, #tpu.memory_space<vmem>>
        %dma_start3A_73 = arith.constant 0 : i32
        %dma_start3A_74 = arith.constant 0 : i32
        %dma_start3A_75 = tpu.memref_slice %arg9[%dma_start3A_73, %dma_start3A_74] : memref<10112x128xf32, #tpu.memory_space<vmem_shared>> -> memref<10112x128xf32, #tpu.memory_space<vmem_shared>>
        tpu.enqueue_indirect_dma source(%arg7 : memref<128x128xf32, #tpu.memory_space<vmem>>) target(%dma_start3A_75 : memref<10112x128xf32, #tpu.memory_space<vmem_shared>>) offsets(%dma_start3A_72 : memref<128xi32, #tpu.memory_space<vmem>>) semaphore(%arg12 : memref<!tpu.dma_semaphore, #tpu.memory_space<semaphore_mem>>) {add = true}
        %dma_wait3A_76 = arith.constant 0 : i32
        %dma_wait3A_77 = arith.constant 0 : i32
        %dma_wait3A_78 = tpu.memref_slice %arg6[%add3A_55, %dma_wait3A_76, %dma_wait3A_77] : memref<40x2x128xi32, #tpu.memory_space<vmem>> -> memref<1x1x128xi32, #tpu.memory_space<vmem>>
        %dma_wait3A_79 = tpu.memref_squeeze %dma_wait3A_78 : memref<1x1x128xi32, #tpu.memory_space<vmem>> -> memref<128xi32, #tpu.memory_space<vmem>>
        %dma_wait3A_80 = arith.constant 0 : i32
        %dma_wait3A_81 = arith.constant 0 : i32
        %dma_wait3A_82 = tpu.memref_slice %arg2[%dma_wait3A_80, %dma_wait3A_81] : memref<10000x128xf32, #tpu.memory_space<hbm>> -> memref<10000x128xf32, #tpu.memory_space<hbm>>
        tpu.wait_indirect_dma semaphore(%arg11 : memref<!tpu.dma_semaphore, #tpu.memory_space<semaphore_mem>>) src(%dma_wait3A_82 : memref<10000x128xf32, #tpu.memory_space<hbm>>) dst(%arg8 : memref<128x128xf32, #tpu.memory_space<vmem>>)
        %dma_start3A_83 = arith.constant 1 : i32
        %dma_start3A_84 = arith.constant 0 : i32
        %dma_start3A_85 = tpu.memref_slice %arg6[%add3A_55, %dma_start3A_83, %dma_start3A_84] : memref<40x2x128xi32, #tpu.memory_space<vmem>> -> memref<1x1x128xi32, #tpu.memory_space<vmem>>
        %dma_start3A_86 = tpu.memref_squeeze %dma_start3A_85 : memref<1x1x128xi32, #tpu.memory_space<vmem>> -> memref<128xi32, #tpu.memory_space<vmem>>
        %dma_start3A_87 = arith.constant 0 : i32
        %dma_start3A_88 = arith.constant 0 : i32
        %dma_start3A_89 = tpu.memref_slice %arg9[%dma_start3A_87, %dma_start3A_88] : memref<10112x128xf32, #tpu.memory_space<vmem_shared>> -> memref<10112x128xf32, #tpu.memory_space<vmem_shared>>
        tpu.enqueue_indirect_dma source(%arg8 : memref<128x128xf32, #tpu.memory_space<vmem>>) target(%dma_start3A_89 : memref<10112x128xf32, #tpu.memory_space<vmem_shared>>) offsets(%dma_start3A_86 : memref<128xi32, #tpu.memory_space<vmem>>) semaphore(%arg13 : memref<!tpu.dma_semaphore, #tpu.memory_space<semaphore_mem>>) {add = true}
        %dma_wait3A_90 = arith.constant 1 : i32
        %dma_wait3A_91 = arith.constant 0 : i32
        %dma_wait3A_92 = tpu.memref_slice %arg6[%mul3A_53, %dma_wait3A_90, %dma_wait3A_91] : memref<40x2x128xi32, #tpu.memory_space<vmem>> -> memref<1x1x128xi32, #tpu.memory_space<vmem>>
        %dma_wait3A_93 = tpu.memref_squeeze %dma_wait3A_92 : memref<1x1x128xi32, #tpu.memory_space<vmem>> -> memref<128xi32, #tpu.memory_space<vmem>>
        %dma_wait3A_94 = arith.constant 0 : i32
        %dma_wait3A_95 = arith.constant 0 : i32
        %dma_wait3A_96 = tpu.memref_slice %arg9[%dma_wait3A_94, %dma_wait3A_95] : memref<10112x128xf32, #tpu.memory_space<vmem_shared>> -> memref<10112x128xf32, #tpu.memory_space<vmem_shared>>
        tpu.wait_indirect_dma semaphore(%arg12 : memref<!tpu.dma_semaphore, #tpu.memory_space<semaphore_mem>>) src(%arg7 : memref<128x128xf32, #tpu.memory_space<vmem>>) dst(%dma_wait3A_96 : memref<10112x128xf32, #tpu.memory_space<vmem_shared>>)
        %lt3A = arith.constant 19 : i32
        %lt3A_97 = arith.cmpi slt, %add3A_51, %lt3A : i32
        %convert_element_type3A = arith.extui %lt3A_97 : i1 to i32
        %cond3A = arith.constant 0 : i32
        %cond3A_98 = arith.cmpi ne, %convert_element_type3A, %cond3A : i32
        scf.if %cond3A_98 {
          %add3A_106 = arith.constant 2 : i32
          %add3A_107 = arith.addi %mul3A_53, %add3A_106 : i32
          %dma_start3A_108 = arith.constant 0 : i32
          %dma_start3A_109 = arith.constant 0 : i32
          %dma_start3A_110 = tpu.memref_slice %arg6[%add3A_107, %dma_start3A_108, %dma_start3A_109] : memref<40x2x128xi32, #tpu.memory_space<vmem>> -> memref<1x1x128xi32, #tpu.memory_space<vmem>>
          %dma_start3A_111 = tpu.memref_squeeze %dma_start3A_110 : memref<1x1x128xi32, #tpu.memory_space<vmem>> -> memref<128xi32, #tpu.memory_space<vmem>>
          %dma_start3A_112 = arith.constant 0 : i32
          %dma_start3A_113 = arith.constant 0 : i32
          %dma_start3A_114 = tpu.memref_slice %arg2[%dma_start3A_112, %dma_start3A_113] : memref<10000x128xf32, #tpu.memory_space<hbm>> -> memref<10000x128xf32, #tpu.memory_space<hbm>>
          tpu.enqueue_indirect_dma source(%dma_start3A_114 : memref<10000x128xf32, #tpu.memory_space<hbm>>) target(%arg7 : memref<128x128xf32, #tpu.memory_space<vmem>>) offsets(%dma_start3A_111 : memref<128xi32, #tpu.memory_space<vmem>>) semaphore(%arg10 : memref<!tpu.dma_semaphore, #tpu.memory_space<semaphore_mem>>)
        } else {
        }
        %dma_wait3A_99 = arith.constant 1 : i32
        %dma_wait3A_100 = arith.constant 0 : i32
        %dma_wait3A_101 = tpu.memref_slice %arg6[%add3A_55, %dma_wait3A_99, %dma_wait3A_100] : memref<40x2x128xi32, #tpu.memory_space<vmem>> -> memref<1x1x128xi32, #tpu.memory_space<vmem>>
        %dma_wait3A_102 = tpu.memref_squeeze %dma_wait3A_101 : memref<1x1x128xi32, #tpu.memory_space<vmem>> -> memref<128xi32, #tpu.memory_space<vmem>>
        %dma_wait3A_103 = arith.constant 0 : i32
        %dma_wait3A_104 = arith.constant 0 : i32
        %dma_wait3A_105 = tpu.memref_slice %arg9[%dma_wait3A_103, %dma_wait3A_104] : memref<10112x128xf32, #tpu.memory_space<vmem_shared>> -> memref<10112x128xf32, #tpu.memory_space<vmem_shared>>
        tpu.wait_indirect_dma semaphore(%arg13 : memref<!tpu.dma_semaphore, #tpu.memory_space<semaphore_mem>>) src(%arg8 : memref<128x128xf32, #tpu.memory_space<vmem>>) dst(%dma_wait3A_105 : memref<10112x128xf32, #tpu.memory_space<vmem_shared>>)
      }
      %scan3A_46 = arith.constant 20 : i32
    }
    %while3A_31 = arith.constant 1 : i32
    scf.for %while3A_33 = %while3A_29 to %while3A_25 step %while3A_31  : i32 {
      %mul3A_34 = arith.muli %while3A_33, %while3A : i32
      %add3A_35 = arith.addi %while3A_22, %mul3A_34 : i32
      "tpu.region"() ({
        %run_scoped3A = tpu.sem_alloc : memref<!tpu.dma_semaphore, #tpu.memory_space<semaphore_mem>>
        %dma_start3A_47 = arith.constant 0 : i32
        %dma_start3A_48 = arith.constant 0 : i32
        %dma_start3A_49 = arith.constant 0 : i32
        %dma_start3A_50 = tpu.memref_slice %arg3[%add3A, %add3A_35, %dma_start3A_47, %dma_start3A_48, %dma_start3A_49] : memref<32x2x40x2x128xi32, #tpu.memory_space<hbm>> -> memref<1x1x40x2x128xi32, #tpu.memory_space<hbm>>
        %dma_start3A_51 = tpu.memref_squeeze %dma_start3A_50 : memref<1x1x40x2x128xi32, #tpu.memory_space<hbm>> -> memref<40x2x128xi32, #tpu.memory_space<hbm>>
        %dma_start3A_52 = arith.constant 0 : i32
        %dma_start3A_53 = arith.constant 0 : i32
        %dma_start3A_54 = arith.constant 0 : i32
        %dma_start3A_55 = tpu.memref_slice %arg3[%add3A, %add3A_35, %dma_start3A_52, %dma_start3A_53, %dma_start3A_54] : memref<32x2x40x2x128xi32, #tpu.memory_space<hbm>> -> memref<1x1x40x2x128xi32, #tpu.memory_space<hbm>>
        %dma_start3A_56 = tpu.memref_squeeze %dma_start3A_55 : memref<1x1x40x2x128xi32, #tpu.memory_space<hbm>> -> memref<40x2x128xi32, #tpu.memory_space<hbm>>
        tpu.enqueue_dma source(%dma_start3A_56 : memref<40x2x128xi32, #tpu.memory_space<hbm>>) target(%arg6 : memref<40x2x128xi32, #tpu.memory_space<vmem>>) target_semaphore(%run_scoped3A : memref<!tpu.dma_semaphore, #tpu.memory_space<semaphore_mem>>)
        %dma_wait3A = arith.constant 0 : i32
        %dma_wait3A_57 = arith.constant 0 : i32
        %dma_wait3A_58 = arith.constant 0 : i32
        %dma_wait3A_59 = tpu.memref_slice %arg3[%add3A, %add3A_35, %dma_wait3A, %dma_wait3A_57, %dma_wait3A_58] : memref<32x2x40x2x128xi32, #tpu.memory_space<hbm>> -> memref<1x1x40x2x128xi32, #tpu.memory_space<hbm>>
        %dma_wait3A_60 = tpu.memref_squeeze %dma_wait3A_59 : memref<1x1x40x2x128xi32, #tpu.memory_space<hbm>> -> memref<40x2x128xi32, #tpu.memory_space<hbm>>
        %dma_wait3A_61 = arith.constant 0 : i32
        %dma_wait3A_62 = arith.constant 0 : i32
        %dma_wait3A_63 = arith.constant 0 : i32
        %dma_wait3A_64 = tpu.memref_slice %arg3[%add3A, %add3A_35, %dma_wait3A_61, %dma_wait3A_62, %dma_wait3A_63] : memref<32x2x40x2x128xi32, #tpu.memory_space<hbm>> -> memref<1x1x40x2x128xi32, #tpu.memory_space<hbm>>
        %dma_wait3A_65 = tpu.memref_squeeze %dma_wait3A_64 : memref<1x1x40x2x128xi32, #tpu.memory_space<hbm>> -> memref<40x2x128xi32, #tpu.memory_space<hbm>>
        tpu.wait_dma2 semaphore(%run_scoped3A : memref<!tpu.dma_semaphore, #tpu.memory_space<semaphore_mem>>) src(%dma_wait3A_65 : memref<40x2x128xi32, #tpu.memory_space<hbm>>) dst(%arg6 : memref<40x2x128xi32, #tpu.memory_space<vmem>>)
        tpu.yield
      }) : () -> ()
      %dma_start3A = arith.constant 0 : i32
      %dma_start3A_36 = arith.constant 0 : i32
      %dma_start3A_37 = arith.constant 0 : i32
      %dma_start3A_38 = tpu.memref_slice %arg6[%dma_start3A, %dma_start3A_36, %dma_start3A_37] : memref<40x2x128xi32, #tpu.memory_space<vmem>> -> memref<1x1x128xi32, #tpu.memory_space<vmem>>
      %dma_start3A_39 = tpu.memref_squeeze %dma_start3A_38 : memref<1x1x128xi32, #tpu.memory_space<vmem>> -> memref<128xi32, #tpu.memory_space<vmem>>
      %dma_start3A_40 = arith.constant 0 : i32
      %dma_start3A_41 = arith.constant 0 : i32
      %dma_start3A_42 = tpu.memref_slice %arg2[%dma_start3A_40, %dma_start3A_41] : memref<10000x128xf32, #tpu.memory_space<hbm>> -> memref<10000x128xf32, #tpu.memory_space<hbm>>
      tpu.enqueue_indirect_dma source(%dma_start3A_42 : memref<10000x128xf32, #tpu.memory_space<hbm>>) target(%arg7 : memref<128x128xf32, #tpu.memory_space<vmem>>) offsets(%dma_start3A_39 : memref<128xi32, #tpu.memory_space<vmem>>) semaphore(%arg10 : memref<!tpu.dma_semaphore, #tpu.memory_space<semaphore_mem>>)
      %scan3A = arith.constant 0 : i32
      %scan3A_43 = arith.constant 20 : i32
      %scan3A_44 = arith.addi %scan3A, %scan3A_43 : i32
      %scan3A_45 = arith.constant 1 : i32
      scf.for %scan3A_47 = %scan3A to %scan3A_44 step %scan3A_45  : i32 {
        %mul3A_48 = arith.constant 1 : i32
        %mul3A_49 = arith.muli %scan3A_47, %mul3A_48 : i32
        %add3A_50 = arith.constant 0 : i32
        %add3A_51 = arith.addi %add3A_50, %mul3A_49 : i32
        %mul3A_52 = arith.constant 2 : i32
        %mul3A_53 = arith.muli %mul3A_52, %add3A_51 : i32
        %add3A_54 = arith.constant 1 : i32
        %add3A_55 = arith.addi %mul3A_53, %add3A_54 : i32
        %dma_start3A_56 = arith.constant 0 : i32
        %dma_start3A_57 = arith.constant 0 : i32
        %dma_start3A_58 = tpu.memref_slice %arg6[%add3A_55, %dma_start3A_56, %dma_start3A_57] : memref<40x2x128xi32, #tpu.memory_space<vmem>> -> memref<1x1x128xi32, #tpu.memory_space<vmem>>
        %dma_start3A_59 = tpu.memref_squeeze %dma_start3A_58 : memref<1x1x128xi32, #tpu.memory_space<vmem>> -> memref<128xi32, #tpu.memory_space<vmem>>
        %dma_start3A_60 = arith.constant 0 : i32
        %dma_start3A_61 = arith.constant 0 : i32
        %dma_start3A_62 = tpu.memref_slice %arg2[%dma_start3A_60, %dma_start3A_61] : memref<10000x128xf32, #tpu.memory_space<hbm>> -> memref<10000x128xf32, #tpu.memory_space<hbm>>
        tpu.enqueue_indirect_dma source(%dma_start3A_62 : memref<10000x128xf32, #tpu.memory_space<hbm>>) target(%arg8 : memref<128x128xf32, #tpu.memory_space<vmem>>) offsets(%dma_start3A_59 : memref<128xi32, #tpu.memory_space<vmem>>) semaphore(%arg11 : memref<!tpu.dma_semaphore, #tpu.memory_space<semaphore_mem>>)
        %dma_wait3A = arith.constant 0 : i32
        %dma_wait3A_63 = arith.constant 0 : i32
        %dma_wait3A_64 = tpu.memref_slice %arg6[%mul3A_53, %dma_wait3A, %dma_wait3A_63] : memref<40x2x128xi32, #tpu.memory_space<vmem>> -> memref<1x1x128xi32, #tpu.memory_space<vmem>>
        %dma_wait3A_65 = tpu.memref_squeeze %dma_wait3A_64 : memref<1x1x128xi32, #tpu.memory_space<vmem>> -> memref<128xi32, #tpu.memory_space<vmem>>
        %dma_wait3A_66 = arith.constant 0 : i32
        %dma_wait3A_67 = arith.constant 0 : i32
        %dma_wait3A_68 = tpu.memref_slice %arg2[%dma_wait3A_66, %dma_wait3A_67] : memref<10000x128xf32, #tpu.memory_space<hbm>> -> memref<10000x128xf32, #tpu.memory_space<hbm>>
        tpu.wait_indirect_dma semaphore(%arg10 : memref<!tpu.dma_semaphore, #tpu.memory_space<semaphore_mem>>) src(%dma_wait3A_68 : memref<10000x128xf32, #tpu.memory_space<hbm>>) dst(%arg7 : memref<128x128xf32, #tpu.memory_space<vmem>>)
        %dma_start3A_69 = arith.constant 1 : i32
        %dma_start3A_70 = arith.constant 0 : i32
        %dma_start3A_71 = tpu.memref_slice %arg6[%mul3A_53, %dma_start3A_69, %dma_start3A_70] : memref<40x2x128xi32, #tpu.memory_space<vmem>> -> memref<1x1x128xi32, #tpu.memory_space<vmem>>
        %dma_start3A_72 = tpu.memref_squeeze %dma_start3A_71 : memref<1x1x128xi32, #tpu.memory_space<vmem>> -> memref<128xi32, #tpu.memory_space<vmem>>
        %dma_start3A_73 = arith.constant 0 : i32
        %dma_start3A_74 = arith.constant 0 : i32
        %dma_start3A_75 = tpu.memref_slice %arg9[%dma_start3A_73, %dma_start3A_74] : memref<10112x128xf32, #tpu.memory_space<vmem_shared>> -> memref<10112x128xf32, #tpu.memory_space<vmem_shared>>
        tpu.enqueue_indirect_dma source(%arg7 : memref<128x128xf32, #tpu.memory_space<vmem>>) target(%dma_start3A_75 : memref<10112x128xf32, #tpu.memory_space<vmem_shared>>) offsets(%dma_start3A_72 : memref<128xi32, #tpu.memory_space<vmem>>) semaphore(%arg12 : memref<!tpu.dma_semaphore, #tpu.memory_space<semaphore_mem>>) {add = true}
        %dma_wait3A_76 = arith.constant 0 : i32
        %dma_wait3A_77 = arith.constant 0 : i32
        %dma_wait3A_78 = tpu.memref_slice %arg6[%add3A_55, %dma_wait3A_76, %dma_wait3A_77] : memref<40x2x128xi32, #tpu.memory_space<vmem>> -> memref<1x1x128xi32, #tpu.memory_space<vmem>>
        %dma_wait3A_79 = tpu.memref_squeeze %dma_wait3A_78 : memref<1x1x128xi32, #tpu.memory_space<vmem>> -> memref<128xi32, #tpu.memory_space<vmem>>
        %dma_wait3A_80 = arith.constant 0 : i32
        %dma_wait3A_81 = arith.constant 0 : i32
        %dma_wait3A_82 = tpu.memref_slice %arg2[%dma_wait3A_80, %dma_wait3A_81] : memref<10000x128xf32, #tpu.memory_space<hbm>> -> memref<10000x128xf32, #tpu.memory_space<hbm>>
        tpu.wait_indirect_dma semaphore(%arg11 : memref<!tpu.dma_semaphore, #tpu.memory_space<semaphore_mem>>) src(%dma_wait3A_82 : memref<10000x128xf32, #tpu.memory_space<hbm>>) dst(%arg8 : memref<128x128xf32, #tpu.memory_space<vmem>>)
        %dma_start3A_83 = arith.constant 1 : i32
        %dma_start3A_84 = arith.constant 0 : i32
        %dma_start3A_85 = tpu.memref_slice %arg6[%add3A_55, %dma_start3A_83, %dma_start3A_84] : memref<40x2x128xi32, #tpu.memory_space<vmem>> -> memref<1x1x128xi32, #tpu.memory_space<vmem>>
        %dma_start3A_86 = tpu.memref_squeeze %dma_start3A_85 : memref<1x1x128xi32, #tpu.memory_space<vmem>> -> memref<128xi32, #tpu.memory_space<vmem>>
        %dma_start3A_87 = arith.constant 0 : i32
        %dma_start3A_88 = arith.constant 0 : i32
        %dma_start3A_89 = tpu.memref_slice %arg9[%dma_start3A_87, %dma_start3A_88] : memref<10112x128xf32, #tpu.memory_space<vmem_shared>> -> memref<10112x128xf32, #tpu.memory_space<vmem_shared>>
        tpu.enqueue_indirect_dma source(%arg8 : memref<128x128xf32, #tpu.memory_space<vmem>>) target(%dma_start3A_89 : memref<10112x128xf32, #tpu.memory_space<vmem_shared>>) offsets(%dma_start3A_86 : memref<128xi32, #tpu.memory_space<vmem>>) semaphore(%arg13 : memref<!tpu.dma_semaphore, #tpu.memory_space<semaphore_mem>>) {add = true}
        %dma_wait3A_90 = arith.constant 1 : i32
        %dma_wait3A_91 = arith.constant 0 : i32
        %dma_wait3A_92 = tpu.memref_slice %arg6[%mul3A_53, %dma_wait3A_90, %dma_wait3A_91] : memref<40x2x128xi32, #tpu.memory_space<vmem>> -> memref<1x1x128xi32, #tpu.memory_space<vmem>>
        %dma_wait3A_93 = tpu.memref_squeeze %dma_wait3A_92 : memref<1x1x128xi32, #tpu.memory_space<vmem>> -> memref<128xi32, #tpu.memory_space<vmem>>
        %dma_wait3A_94 = arith.constant 0 : i32
        %dma_wait3A_95 = arith.constant 0 : i32
        %dma_wait3A_96 = tpu.memref_slice %arg9[%dma_wait3A_94, %dma_wait3A_95] : memref<10112x128xf32, #tpu.memory_space<vmem_shared>> -> memref<10112x128xf32, #tpu.memory_space<vmem_shared>>
        tpu.wait_indirect_dma semaphore(%arg12 : memref<!tpu.dma_semaphore, #tpu.memory_space<semaphore_mem>>) src(%arg7 : memref<128x128xf32, #tpu.memory_space<vmem>>) dst(%dma_wait3A_96 : memref<10112x128xf32, #tpu.memory_space<vmem_shared>>)
        %lt3A = arith.constant 19 : i32
        %lt3A_97 = arith.cmpi slt, %add3A_51, %lt3A : i32
        %convert_element_type3A = arith.extui %lt3A_97 : i1 to i32
        %cond3A = arith.constant 0 : i32
        %cond3A_98 = arith.cmpi ne, %convert_element_type3A, %cond3A : i32
        scf.if %cond3A_98 {
          %add3A_106 = arith.constant 2 : i32
          %add3A_107 = arith.addi %mul3A_53, %add3A_106 : i32
          %dma_start3A_108 = arith.constant 0 : i32
          %dma_start3A_109 = arith.constant 0 : i32
          %dma_start3A_110 = tpu.memref_slice %arg6[%add3A_107, %dma_start3A_108, %dma_start3A_109] : memref<40x2x128xi32, #tpu.memory_space<vmem>> -> memref<1x1x128xi32, #tpu.memory_space<vmem>>
          %dma_start3A_111 = tpu.memref_squeeze %dma_start3A_110 : memref<1x1x128xi32, #tpu.memory_space<vmem>> -> memref<128xi32, #tpu.memory_space<vmem>>
          %dma_start3A_112 = arith.constant 0 : i32
          %dma_start3A_113 = arith.constant 0 : i32
          %dma_start3A_114 = tpu.memref_slice %arg2[%dma_start3A_112, %dma_start3A_113] : memref<10000x128xf32, #tpu.memory_space<hbm>> -> memref<10000x128xf32, #tpu.memory_space<hbm>>
          tpu.enqueue_indirect_dma source(%dma_start3A_114 : memref<10000x128xf32, #tpu.memory_space<hbm>>) target(%arg7 : memref<128x128xf32, #tpu.memory_space<vmem>>) offsets(%dma_start3A_111 : memref<128xi32, #tpu.memory_space<vmem>>) semaphore(%arg10 : memref<!tpu.dma_semaphore, #tpu.memory_space<semaphore_mem>>)
        } else {
        }
        %dma_wait3A_99 = arith.constant 1 : i32
        %dma_wait3A_100 = arith.constant 0 : i32
        %dma_wait3A_101 = tpu.memref_slice %arg6[%add3A_55, %dma_wait3A_99, %dma_wait3A_100] : memref<40x2x128xi32, #tpu.memory_space<vmem>> -> memref<1x1x128xi32, #tpu.memory_space<vmem>>
        %dma_wait3A_102 = tpu.memref_squeeze %dma_wait3A_101 : memref<1x1x128xi32, #tpu.memory_space<vmem>> -> memref<128xi32, #tpu.memory_space<vmem>>
        %dma_wait3A_103 = arith.constant 0 : i32
        %dma_wait3A_104 = arith.constant 0 : i32
        %dma_wait3A_105 = tpu.memref_slice %arg9[%dma_wait3A_103, %dma_wait3A_104] : memref<10112x128xf32, #tpu.memory_space<vmem_shared>> -> memref<10112x128xf32, #tpu.memory_space<vmem_shared>>
        tpu.wait_indirect_dma semaphore(%arg13 : memref<!tpu.dma_semaphore, #tpu.memory_space<semaphore_mem>>) src(%arg8 : memref<128x128xf32, #tpu.memory_space<vmem>>) dst(%dma_wait3A_105 : memref<10112x128xf32, #tpu.memory_space<vmem_shared>>)
      }
      %scan3A_46 = arith.constant 20 : i32
    }
    %barrier3A_32 = arith.constant 0 : index
    tpu.barrier barrier_id(%barrier3A_32)
    "tpu.region"() ({
      %run_scoped3A = tpu.sem_alloc : memref<!tpu.dma_semaphore, #tpu.memory_space<semaphore_mem>>
      %dma_start3A = arith.constant 0 : i32
      %dma_start3A_33 = tpu.memref_slice %arg5[%arg0, %mul3A_2, %dma_start3A] : memref<2x10112x128xf32, #tpu.memory_space<hbm>> -> memref<1x632x128xf32, #tpu.memory_space<hbm>>
      %dma_start3A_34 = tpu.memref_squeeze %dma_start3A_33 : memref<1x632x128xf32, #tpu.memory_space<hbm>> -> memref<632x128xf32, #tpu.memory_space<hbm>>
      %dma_start3A_35 = arith.constant 0 : i32
      %dma_start3A_36 = tpu.memref_slice %arg9[%mul3A_2, %dma_start3A_35] : memref<10112x128xf32, #tpu.memory_space<vmem_shared>> -> memref<632x128xf32, #tpu.memory_space<vmem_shared>>
      tpu.enqueue_dma source(%dma_start3A_36 : memref<632x128xf32, #tpu.memory_space<vmem_shared>>) target(%dma_start3A_34 : memref<632x128xf32, #tpu.memory_space<hbm>>) target_semaphore(%run_scoped3A : memref<!tpu.dma_semaphore, #tpu.memory_space<semaphore_mem>>)
      %dma_wait3A = arith.constant 0 : i32
      %dma_wait3A_37 = tpu.memref_slice %arg5[%arg0, %mul3A_2, %dma_wait3A] : memref<2x10112x128xf32, #tpu.memory_space<hbm>> -> memref<1x632x128xf32, #tpu.memory_space<hbm>>
      %dma_wait3A_38 = tpu.memref_squeeze %dma_wait3A_37 : memref<1x632x128xf32, #tpu.memory_space<hbm>> -> memref<632x128xf32, #tpu.memory_space<hbm>>
      %dma_wait3A_39 = arith.constant 0 : i32
      %dma_wait3A_40 = tpu.memref_slice %arg9[%mul3A_2, %dma_wait3A_39] : memref<10112x128xf32, #tpu.memory_space<vmem_shared>> -> memref<632x128xf32, #tpu.memory_space<vmem_shared>>
      tpu.wait_dma2 semaphore(%run_scoped3A : memref<!tpu.dma_semaphore, #tpu.memory_space<semaphore_mem>>) src(%dma_wait3A_40 : memref<632x128xf32, #tpu.memory_space<vmem_shared>>) dst(%dma_wait3A_38 : memref<632x128xf32, #tpu.memory_space<hbm>>)
      tpu.yield
    }) : () -> ()
    return
  }
}

#map = affine_map<(d0, d1) -> (0, 0)>
#map1 = affine_map<(d0, d1) -> (0, 0, 0, 0, 0)>
#map2 = affine_map<(d0, d1) -> (0, 0, 0)>
module attributes {stable_mosaic.version = 14 : i64} {
  func.func @sc_seg(%arg0: i32, %arg1: i32, %arg2: memref<10000x128xf32, #tpu.memory_space<hbm>>, %arg3: memref<32x2x40x2x128xi32, #tpu.memory_space<hbm>>, %arg4: memref<128x128xf32, #tpu.memory_space<hbm>>, %arg5: memref<2x10112x128xf32, #tpu.memory_space<hbm>>, %arg6: memref<40x2x128xi32, #tpu.memory_space<vmem>>, %arg7: memref<128x128xf32, #tpu.memory_space<vmem>>, %arg8: memref<128x128xf32, #tpu.memory_space<vmem>>, %arg9: memref<10112x128xf32, #tpu.memory_space<vmem_shared>>, %arg10: memref<!tpu.dma_semaphore, #tpu.memory_space<semaphore_mem>>, %arg11: memref<!tpu.dma_semaphore, #tpu.memory_space<semaphore_mem>>, %arg12: memref<!tpu.dma_semaphore, #tpu.memory_space<semaphore_mem>>, %arg13: memref<!tpu.dma_semaphore, #tpu.memory_space<semaphore_mem>>) attributes {dimension_semantics = [#tpu.dimension_semantics<core_parallel>, #tpu.dimension_semantics<subcore_parallel>], iteration_bounds = array<i64: 2, 16>, scalar_prefetch = 0 : i64, scratch_operands = 8 : i64, tpu.core_type = #tpu.core_type<sc_vector_subcore>, window_params = [{transform_indices = #map}, {transform_indices = #map1}, {transform_indices = #map}, {transform_indices = #map2}]} {
    %mul3A = arith.constant 16 : i32
    %mul3A_0 = arith.muli %arg0, %mul3A : i32
    %add3A = arith.addi %mul3A_0, %arg1 : i32
    "tpu.region"() ({
      %run_scoped3A = tpu.sem_alloc : memref<!tpu.dma_semaphore, #tpu.memory_space<semaphore_mem>>
      tpu.enqueue_dma source(%arg4 : memref<128x128xf32, #tpu.memory_space<hbm>>) target(%arg7 : memref<128x128xf32, #tpu.memory_space<vmem>>) target_semaphore(%run_scoped3A : memref<!tpu.dma_semaphore, #tpu.memory_space<semaphore_mem>>)
      tpu.wait_dma2 semaphore(%run_scoped3A : memref<!tpu.dma_semaphore, #tpu.memory_space<semaphore_mem>>) src(%arg4 : memref<128x128xf32, #tpu.memory_space<hbm>>) dst(%arg7 : memref<128x128xf32, #tpu.memory_space<vmem>>)
      tpu.yield
    }) : () -> ()
    %mul3A_1 = arith.constant 632 : i32
    %mul3A_2 = arith.muli %arg1, %mul3A_1 : i32
    %add3A_3 = arith.constant 0 : i32
    %add3A_4 = arith.addi %mul3A_2, %add3A_3 : i32
    "tpu.region"() ({
      %run_scoped3A = tpu.sem_alloc : memref<!tpu.dma_semaphore, #tpu.memory_space<semaphore_mem>>
      %dma_start3A = arith.constant 0 : i32
      %dma_start3A_33 = tpu.memref_slice %arg9[%add3A_4, %dma_start3A] : memref<10112x128xf32, #tpu.memory_space<vmem_shared>> -> memref<128x128xf32, #tpu.memory_space<vmem_shared>>
      %dma_start3A_34 = arith.constant 0 : i32
      %dma_start3A_35 = tpu.memref_slice %arg9[%add3A_4, %dma_start3A_34] : memref<10112x128xf32, #tpu.memory_space<vmem_shared>> -> memref<128x128xf32, #tpu.memory_space<vmem_shared>>
      tpu.enqueue_dma source(%arg7 : memref<128x128xf32, #tpu.memory_space<vmem>>) target(%dma_start3A_35 : memref<128x128xf32, #tpu.memory_space<vmem_shared>>) target_semaphore(%run_scoped3A : memref<!tpu.dma_semaphore, #tpu.memory_space<semaphore_mem>>)
      %dma_wait3A = arith.constant 0 : i32
      %dma_wait3A_36 = tpu.memref_slice %arg9[%add3A_4, %dma_wait3A] : memref<10112x128xf32, #tpu.memory_space<vmem_shared>> -> memref<128x128xf32, #tpu.memory_space<vmem_shared>>
      %dma_wait3A_37 = arith.constant 0 : i32
      %dma_wait3A_38 = tpu.memref_slice %arg9[%add3A_4, %dma_wait3A_37] : memref<10112x128xf32, #tpu.memory_space<vmem_shared>> -> memref<128x128xf32, #tpu.memory_space<vmem_shared>>
      tpu.wait_dma2 semaphore(%run_scoped3A : memref<!tpu.dma_semaphore, #tpu.memory_space<semaphore_mem>>) src(%arg7 : memref<128x128xf32, #tpu.memory_space<vmem>>) dst(%dma_wait3A_38 : memref<128x128xf32, #tpu.memory_space<vmem_shared>>)
      tpu.yield
    }) : () -> ()
    %add3A_5 = arith.constant 128 : i32
    %add3A_6 = arith.addi %mul3A_2, %add3A_5 : i32
    "tpu.region"() ({
      %run_scoped3A = tpu.sem_alloc : memref<!tpu.dma_semaphore, #tpu.memory_space<semaphore_mem>>
      %dma_start3A = arith.constant 0 : i32
      %dma_start3A_33 = tpu.memref_slice %arg9[%add3A_6, %dma_start3A] : memref<10112x128xf32, #tpu.memory_space<vmem_shared>> -> memref<128x128xf32, #tpu.memory_space<vmem_shared>>
      %dma_start3A_34 = arith.constant 0 : i32
      %dma_start3A_35 = tpu.memref_slice %arg9[%add3A_6, %dma_start3A_34] : memref<10112x128xf32, #tpu.memory_space<vmem_shared>> -> memref<128x128xf32, #tpu.memory_space<vmem_shared>>
      tpu.enqueue_dma source(%arg7 : memref<128x128xf32, #tpu.memory_space<vmem>>) target(%dma_start3A_35 : memref<128x128xf32, #tpu.memory_space<vmem_shared>>) target_semaphore(%run_scoped3A : memref<!tpu.dma_semaphore, #tpu.memory_space<semaphore_mem>>)
      %dma_wait3A = arith.constant 0 : i32
      %dma_wait3A_36 = tpu.memref_slice %arg9[%add3A_6, %dma_wait3A] : memref<10112x128xf32, #tpu.memory_space<vmem_shared>> -> memref<128x128xf32, #tpu.memory_space<vmem_shared>>
      %dma_wait3A_37 = arith.constant 0 : i32
      %dma_wait3A_38 = tpu.memref_slice %arg9[%add3A_6, %dma_wait3A_37] : memref<10112x128xf32, #tpu.memory_space<vmem_shared>> -> memref<128x128xf32, #tpu.memory_space<vmem_shared>>
      tpu.wait_dma2 semaphore(%run_scoped3A : memref<!tpu.dma_semaphore, #tpu.memory_space<semaphore_mem>>) src(%arg7 : memref<128x128xf32, #tpu.memory_space<vmem>>) dst(%dma_wait3A_38 : memref<128x128xf32, #tpu.memory_space<vmem_shared>>)
      tpu.yield
    }) : () -> ()
    %add3A_7 = arith.constant 256 : i32
    %add3A_8 = arith.addi %mul3A_2, %add3A_7 : i32
    "tpu.region"() ({
      %run_scoped3A = tpu.sem_alloc : memref<!tpu.dma_semaphore, #tpu.memory_space<semaphore_mem>>
      %dma_start3A = arith.constant 0 : i32
      %dma_start3A_33 = tpu.memref_slice %arg9[%add3A_8, %dma_start3A] : memref<10112x128xf32, #tpu.memory_space<vmem_shared>> -> memref<128x128xf32, #tpu.memory_space<vmem_shared>>
      %dma_start3A_34 = arith.constant 0 : i32
      %dma_start3A_35 = tpu.memref_slice %arg9[%add3A_8, %dma_start3A_34] : memref<10112x128xf32, #tpu.memory_space<vmem_shared>> -> memref<128x128xf32, #tpu.memory_space<vmem_shared>>
      tpu.enqueue_dma source(%arg7 : memref<128x128xf32, #tpu.memory_space<vmem>>) target(%dma_start3A_35 : memref<128x128xf32, #tpu.memory_space<vmem_shared>>) target_semaphore(%run_scoped3A : memref<!tpu.dma_semaphore, #tpu.memory_space<semaphore_mem>>)
      %dma_wait3A = arith.constant 0 : i32
      %dma_wait3A_36 = tpu.memref_slice %arg9[%add3A_8, %dma_wait3A] : memref<10112x128xf32, #tpu.memory_space<vmem_shared>> -> memref<128x128xf32, #tpu.memory_space<vmem_shared>>
      %dma_wait3A_37 = arith.constant 0 : i32
      %dma_wait3A_38 = tpu.memref_slice %arg9[%add3A_8, %dma_wait3A_37] : memref<10112x128xf32, #tpu.memory_space<vmem_shared>> -> memref<128x128xf32, #tpu.memory_space<vmem_shared>>
      tpu.wait_dma2 semaphore(%run_scoped3A : memref<!tpu.dma_semaphore, #tpu.memory_space<semaphore_mem>>) src(%arg7 : memref<128x128xf32, #tpu.memory_space<vmem>>) dst(%dma_wait3A_38 : memref<128x128xf32, #tpu.memory_space<vmem_shared>>)
      tpu.yield
    }) : () -> ()
    %add3A_9 = arith.constant 384 : i32
    %add3A_10 = arith.addi %mul3A_2, %add3A_9 : i32
    "tpu.region"() ({
      %run_scoped3A = tpu.sem_alloc : memref<!tpu.dma_semaphore, #tpu.memory_space<semaphore_mem>>
      %dma_start3A = arith.constant 0 : i32
      %dma_start3A_33 = tpu.memref_slice %arg9[%add3A_10, %dma_start3A] : memref<10112x128xf32, #tpu.memory_space<vmem_shared>> -> memref<128x128xf32, #tpu.memory_space<vmem_shared>>
      %dma_start3A_34 = arith.constant 0 : i32
      %dma_start3A_35 = tpu.memref_slice %arg9[%add3A_10, %dma_start3A_34] : memref<10112x128xf32, #tpu.memory_space<vmem_shared>> -> memref<128x128xf32, #tpu.memory_space<vmem_shared>>
      tpu.enqueue_dma source(%arg7 : memref<128x128xf32, #tpu.memory_space<vmem>>) target(%dma_start3A_35 : memref<128x128xf32, #tpu.memory_space<vmem_shared>>) target_semaphore(%run_scoped3A : memref<!tpu.dma_semaphore, #tpu.memory_space<semaphore_mem>>)
      %dma_wait3A = arith.constant 0 : i32
      %dma_wait3A_36 = tpu.memref_slice %arg9[%add3A_10, %dma_wait3A] : memref<10112x128xf32, #tpu.memory_space<vmem_shared>> -> memref<128x128xf32, #tpu.memory_space<vmem_shared>>
      %dma_wait3A_37 = arith.constant 0 : i32
      %dma_wait3A_38 = tpu.memref_slice %arg9[%add3A_10, %dma_wait3A_37] : memref<10112x128xf32, #tpu.memory_space<vmem_shared>> -> memref<128x128xf32, #tpu.memory_space<vmem_shared>>
      tpu.wait_dma2 semaphore(%run_scoped3A : memref<!tpu.dma_semaphore, #tpu.memory_space<semaphore_mem>>) src(%arg7 : memref<128x128xf32, #tpu.memory_space<vmem>>) dst(%dma_wait3A_38 : memref<128x128xf32, #tpu.memory_space<vmem_shared>>)
      tpu.yield
    }) : () -> ()
    %add3A_11 = arith.constant 512 : i32
    %add3A_12 = arith.addi %mul3A_2, %add3A_11 : i32
    "tpu.region"() ({
      %run_scoped3A = tpu.sem_alloc : memref<!tpu.dma_semaphore, #tpu.memory_space<semaphore_mem>>
      %dma_start3A = arith.constant 0 : i32
      %dma_start3A_33 = arith.constant 0 : i32
      %dma_start3A_34 = tpu.memref_slice %arg7[%dma_start3A, %dma_start3A_33] : memref<128x128xf32, #tpu.memory_space<vmem>> -> memref<120x128xf32, #tpu.memory_space<vmem>>
      %dma_start3A_35 = arith.constant 0 : i32
      %dma_start3A_36 = tpu.memref_slice %arg9[%add3A_12, %dma_start3A_35] : memref<10112x128xf32, #tpu.memory_space<vmem_shared>> -> memref<120x128xf32, #tpu.memory_space<vmem_shared>>
      %dma_start3A_37 = arith.constant 0 : i32
      %dma_start3A_38 = tpu.memref_slice %arg9[%add3A_12, %dma_start3A_37] : memref<10112x128xf32, #tpu.memory_space<vmem_shared>> -> memref<120x128xf32, #tpu.memory_space<vmem_shared>>
      %dma_start3A_39 = arith.constant 0 : i32
      %dma_start3A_40 = arith.constant 0 : i32
      %dma_start3A_41 = tpu.memref_slice %arg7[%dma_start3A_39, %dma_start3A_40] : memref<128x128xf32, #tpu.memory_space<vmem>> -> memref<120x128xf32, #tpu.memory_space<vmem>>
      tpu.enqueue_dma source(%dma_start3A_41 : memref<120x128xf32, #tpu.memory_space<vmem>>) target(%dma_start3A_38 : memref<120x128xf32, #tpu.memory_space<vmem_shared>>) target_semaphore(%run_scoped3A : memref<!tpu.dma_semaphore, #tpu.memory_space<semaphore_mem>>)
      %dma_wait3A = arith.constant 0 : i32
      %dma_wait3A_42 = arith.constant 0 : i32
      %dma_wait3A_43 = tpu.memref_slice %arg7[%dma_wait3A, %dma_wait3A_42] : memref<128x128xf32, #tpu.memory_space<vmem>> -> memref<120x128xf32, #tpu.memory_space<vmem>>
      %dma_wait3A_44 = arith.constant 0 : i32
      %dma_wait3A_45 = tpu.memref_slice %arg9[%add3A_12, %dma_wait3A_44] : memref<10112x128xf32, #tpu.memory_space<vmem_shared>> -> memref<120x128xf32, #tpu.memory_space<vmem_shared>>
      %dma_wait3A_46 = arith.constant 0 : i32
      %dma_wait3A_47 = tpu.memref_slice %arg9[%add3A_12, %dma_wait3A_46] : memref<10112x128xf32, #tpu.memory_space<vmem_shared>> -> memref<120x128xf32, #tpu.memory_space<vmem_shared>>
      %dma_wait3A_48 = arith.constant 0 : i32
      %dma_wait3A_49 = arith.constant 0 : i32
      %dma_wait3A_50 = tpu.memref_slice %arg7[%dma_wait3A_48, %dma_wait3A_49] : memref<128x128xf32, #tpu.memory_space<vmem>> -> memref<120x128xf32, #tpu.memory_space<vmem>>
      tpu.wait_dma2 semaphore(%run_scoped3A : memref<!tpu.dma_semaphore, #tpu.memory_space<semaphore_mem>>) src(%dma_wait3A_50 : memref<120x128xf32, #tpu.memory_space<vmem>>) dst(%dma_wait3A_47 : memref<120x128xf32, #tpu.memory_space<vmem_shared>>)
      tpu.yield
    }) : () -> ()
    %barrier3A = arith.constant 0 : index
    tpu.barrier barrier_id(%barrier3A)
    %eq3A = arith.constant 0 : i32
    %eq3A_13 = arith.cmpi eq, %arg0, %eq3A : i32
    %select_n3A = arith.constant 2 : i32
    %select_n3A_14 = arith.constant 2 : i32
    %select_n3A_15 = arith.select %eq3A_13, %select_n3A_14, %select_n3A : i32
    %sub3A = arith.constant 0 : i32
    %sub3A_16 = arith.subi %select_n3A_15, %sub3A : i32
    %sub3A_17 = arith.constant 1 : i32
    %sub3A_18 = arith.constant 1 : i32
    %sub3A_19 = arith.subi %sub3A_17, %sub3A_18 : i32
    %add3A_20 = arith.addi %sub3A_16, %sub3A_19 : i32
    %div3A = arith.constant 1 : i32
    %div3A_21 = arith.divsi %add3A_20, %div3A : i32
    %while3A = arith.constant 1 : i32
    %while3A_22 = arith.constant 0 : i32
    %while3A_23 = arith.constant 0 : i32
    %while3A_24 = arith.subi %div3A_21, %while3A_23 : i32
    %while3A_25 = arith.addi %while3A_23, %while3A_24 : i32
    %while3A_26 = arith.constant 1 : i32
    %while3A_27 = arith.divsi %while3A_24, %while3A_26 : i32
    %while3A_28 = arith.muli %while3A_27, %while3A_26 : i32
    %while3A_29 = arith.addi %while3A_23, %while3A_28 : i32
    %while3A_30 = arith.constant 1 : i32
    scf.for %while3A_33 = %while3A_23 to %while3A_29 step %while3A_30  : i32 {
      %mul3A_34 = arith.muli %while3A_33, %while3A : i32
      %add3A_35 = arith.addi %while3A_22, %mul3A_34 : i32
      "tpu.region"() ({
        %run_scoped3A = tpu.sem_alloc : memref<!tpu.dma_semaphore, #tpu.memory_space<semaphore_mem>>
        %dma_start3A_47 = arith.constant 0 : i32
        %dma_start3A_48 = arith.constant 0 : i32
        %dma_start3A_49 = arith.constant 0 : i32
        %dma_start3A_50 = tpu.memref_slice %arg3[%add3A, %add3A_35, %dma_start3A_47, %dma_start3A_48, %dma_start3A_49] : memref<32x2x40x2x128xi32, #tpu.memory_space<hbm>> -> memref<1x1x40x2x128xi32, #tpu.memory_space<hbm>>
        %dma_start3A_51 = tpu.memref_squeeze %dma_start3A_50 : memref<1x1x40x2x128xi32, #tpu.memory_space<hbm>> -> memref<40x2x128xi32, #tpu.memory_space<hbm>>
        %dma_start3A_52 = arith.constant 0 : i32
        %dma_start3A_53 = arith.constant 0 : i32
        %dma_start3A_54 = arith.constant 0 : i32
        %dma_start3A_55 = tpu.memref_slice %arg3[%add3A, %add3A_35, %dma_start3A_52, %dma_start3A_53, %dma_start3A_54] : memref<32x2x40x2x128xi32, #tpu.memory_space<hbm>> -> memref<1x1x40x2x128xi32, #tpu.memory_space<hbm>>
        %dma_start3A_56 = tpu.memref_squeeze %dma_start3A_55 : memref<1x1x40x2x128xi32, #tpu.memory_space<hbm>> -> memref<40x2x128xi32, #tpu.memory_space<hbm>>
        tpu.enqueue_dma source(%dma_start3A_56 : memref<40x2x128xi32, #tpu.memory_space<hbm>>) target(%arg6 : memref<40x2x128xi32, #tpu.memory_space<vmem>>) target_semaphore(%run_scoped3A : memref<!tpu.dma_semaphore, #tpu.memory_space<semaphore_mem>>)
        %dma_wait3A = arith.constant 0 : i32
        %dma_wait3A_57 = arith.constant 0 : i32
        %dma_wait3A_58 = arith.constant 0 : i32
        %dma_wait3A_59 = tpu.memref_slice %arg3[%add3A, %add3A_35, %dma_wait3A, %dma_wait3A_57, %dma_wait3A_58] : memref<32x2x40x2x128xi32, #tpu.memory_space<hbm>> -> memref<1x1x40x2x128xi32, #tpu.memory_space<hbm>>
        %dma_wait3A_60 = tpu.memref_squeeze %dma_wait3A_59 : memref<1x1x40x2x128xi32, #tpu.memory_space<hbm>> -> memref<40x2x128xi32, #tpu.memory_space<hbm>>
        %dma_wait3A_61 = arith.constant 0 : i32
        %dma_wait3A_62 = arith.constant 0 : i32
        %dma_wait3A_63 = arith.constant 0 : i32
        %dma_wait3A_64 = tpu.memref_slice %arg3[%add3A, %add3A_35, %dma_wait3A_61, %dma_wait3A_62, %dma_wait3A_63] : memref<32x2x40x2x128xi32, #tpu.memory_space<hbm>> -> memref<1x1x40x2x128xi32, #tpu.memory_space<hbm>>
        %dma_wait3A_65 = tpu.memref_squeeze %dma_wait3A_64 : memref<1x1x40x2x128xi32, #tpu.memory_space<hbm>> -> memref<40x2x128xi32, #tpu.memory_space<hbm>>
        tpu.wait_dma2 semaphore(%run_scoped3A : memref<!tpu.dma_semaphore, #tpu.memory_space<semaphore_mem>>) src(%dma_wait3A_65 : memref<40x2x128xi32, #tpu.memory_space<hbm>>) dst(%arg6 : memref<40x2x128xi32, #tpu.memory_space<vmem>>)
        tpu.yield
      }) : () -> ()
      %dma_start3A = arith.constant 0 : i32
      %dma_start3A_36 = arith.constant 0 : i32
      %dma_start3A_37 = arith.constant 0 : i32
      %dma_start3A_38 = tpu.memref_slice %arg6[%dma_start3A, %dma_start3A_36, %dma_start3A_37] : memref<40x2x128xi32, #tpu.memory_space<vmem>> -> memref<1x1x128xi32, #tpu.memory_space<vmem>>
      %dma_start3A_39 = tpu.memref_squeeze %dma_start3A_38 : memref<1x1x128xi32, #tpu.memory_space<vmem>> -> memref<128xi32, #tpu.memory_space<vmem>>
      %dma_start3A_40 = arith.constant 0 : i32
      %dma_start3A_41 = arith.constant 0 : i32
      %dma_start3A_42 = tpu.memref_slice %arg2[%dma_start3A_40, %dma_start3A_41] : memref<10000x128xf32, #tpu.memory_space<hbm>> -> memref<10000x128xf32, #tpu.memory_space<hbm>>
      tpu.enqueue_indirect_dma source(%dma_start3A_42 : memref<10000x128xf32, #tpu.memory_space<hbm>>) target(%arg7 : memref<128x128xf32, #tpu.memory_space<vmem>>) offsets(%dma_start3A_39 : memref<128xi32, #tpu.memory_space<vmem>>) semaphore(%arg10 : memref<!tpu.dma_semaphore, #tpu.memory_space<semaphore_mem>>)
      %scan3A = arith.constant 0 : i32
      %scan3A_43 = arith.constant 20 : i32
      %scan3A_44 = arith.addi %scan3A, %scan3A_43 : i32
      %scan3A_45 = arith.constant 1 : i32
      scf.for %scan3A_47 = %scan3A to %scan3A_44 step %scan3A_45  : i32 {
        %mul3A_48 = arith.constant 1 : i32
        %mul3A_49 = arith.muli %scan3A_47, %mul3A_48 : i32
        %add3A_50 = arith.constant 0 : i32
        %add3A_51 = arith.addi %add3A_50, %mul3A_49 : i32
        %mul3A_52 = arith.constant 2 : i32
        %mul3A_53 = arith.muli %mul3A_52, %add3A_51 : i32
        %add3A_54 = arith.constant 1 : i32
        %add3A_55 = arith.addi %mul3A_53, %add3A_54 : i32
        %dma_start3A_56 = arith.constant 0 : i32
        %dma_start3A_57 = arith.constant 0 : i32
        %dma_start3A_58 = tpu.memref_slice %arg6[%add3A_55, %dma_start3A_56, %dma_start3A_57] : memref<40x2x128xi32, #tpu.memory_space<vmem>> -> memref<1x1x128xi32, #tpu.memory_space<vmem>>
        %dma_start3A_59 = tpu.memref_squeeze %dma_start3A_58 : memref<1x1x128xi32, #tpu.memory_space<vmem>> -> memref<128xi32, #tpu.memory_space<vmem>>
        %dma_start3A_60 = arith.constant 0 : i32
        %dma_start3A_61 = arith.constant 0 : i32
        %dma_start3A_62 = tpu.memref_slice %arg2[%dma_start3A_60, %dma_start3A_61] : memref<10000x128xf32, #tpu.memory_space<hbm>> -> memref<10000x128xf32, #tpu.memory_space<hbm>>
        tpu.enqueue_indirect_dma source(%dma_start3A_62 : memref<10000x128xf32, #tpu.memory_space<hbm>>) target(%arg8 : memref<128x128xf32, #tpu.memory_space<vmem>>) offsets(%dma_start3A_59 : memref<128xi32, #tpu.memory_space<vmem>>) semaphore(%arg11 : memref<!tpu.dma_semaphore, #tpu.memory_space<semaphore_mem>>)
        %dma_wait3A = arith.constant 0 : i32
        %dma_wait3A_63 = arith.constant 0 : i32
        %dma_wait3A_64 = tpu.memref_slice %arg6[%mul3A_53, %dma_wait3A, %dma_wait3A_63] : memref<40x2x128xi32, #tpu.memory_space<vmem>> -> memref<1x1x128xi32, #tpu.memory_space<vmem>>
        %dma_wait3A_65 = tpu.memref_squeeze %dma_wait3A_64 : memref<1x1x128xi32, #tpu.memory_space<vmem>> -> memref<128xi32, #tpu.memory_space<vmem>>
        %dma_wait3A_66 = arith.constant 0 : i32
        %dma_wait3A_67 = arith.constant 0 : i32
        %dma_wait3A_68 = tpu.memref_slice %arg2[%dma_wait3A_66, %dma_wait3A_67] : memref<10000x128xf32, #tpu.memory_space<hbm>> -> memref<10000x128xf32, #tpu.memory_space<hbm>>
        tpu.wait_indirect_dma semaphore(%arg10 : memref<!tpu.dma_semaphore, #tpu.memory_space<semaphore_mem>>) src(%dma_wait3A_68 : memref<10000x128xf32, #tpu.memory_space<hbm>>) dst(%arg7 : memref<128x128xf32, #tpu.memory_space<vmem>>)
        %dma_start3A_69 = arith.constant 1 : i32
        %dma_start3A_70 = arith.constant 0 : i32
        %dma_start3A_71 = tpu.memref_slice %arg6[%mul3A_53, %dma_start3A_69, %dma_start3A_70] : memref<40x2x128xi32, #tpu.memory_space<vmem>> -> memref<1x1x128xi32, #tpu.memory_space<vmem>>
        %dma_start3A_72 = tpu.memref_squeeze %dma_start3A_71 : memref<1x1x128xi32, #tpu.memory_space<vmem>> -> memref<128xi32, #tpu.memory_space<vmem>>
        %dma_start3A_73 = arith.constant 0 : i32
        %dma_start3A_74 = arith.constant 0 : i32
        %dma_start3A_75 = tpu.memref_slice %arg9[%dma_start3A_73, %dma_start3A_74] : memref<10112x128xf32, #tpu.memory_space<vmem_shared>> -> memref<10112x128xf32, #tpu.memory_space<vmem_shared>>
        tpu.enqueue_indirect_dma source(%arg7 : memref<128x128xf32, #tpu.memory_space<vmem>>) target(%dma_start3A_75 : memref<10112x128xf32, #tpu.memory_space<vmem_shared>>) offsets(%dma_start3A_72 : memref<128xi32, #tpu.memory_space<vmem>>) semaphore(%arg12 : memref<!tpu.dma_semaphore, #tpu.memory_space<semaphore_mem>>) {add = true}
        %dma_wait3A_76 = arith.constant 0 : i32
        %dma_wait3A_77 = arith.constant 0 : i32
        %dma_wait3A_78 = tpu.memref_slice %arg6[%add3A_55, %dma_wait3A_76, %dma_wait3A_77] : memref<40x2x128xi32, #tpu.memory_space<vmem>> -> memref<1x1x128xi32, #tpu.memory_space<vmem>>
        %dma_wait3A_79 = tpu.memref_squeeze %dma_wait3A_78 : memref<1x1x128xi32, #tpu.memory_space<vmem>> -> memref<128xi32, #tpu.memory_space<vmem>>
        %dma_wait3A_80 = arith.constant 0 : i32
        %dma_wait3A_81 = arith.constant 0 : i32
        %dma_wait3A_82 = tpu.memref_slice %arg2[%dma_wait3A_80, %dma_wait3A_81] : memref<10000x128xf32, #tpu.memory_space<hbm>> -> memref<10000x128xf32, #tpu.memory_space<hbm>>
        tpu.wait_indirect_dma semaphore(%arg11 : memref<!tpu.dma_semaphore, #tpu.memory_space<semaphore_mem>>) src(%dma_wait3A_82 : memref<10000x128xf32, #tpu.memory_space<hbm>>) dst(%arg8 : memref<128x128xf32, #tpu.memory_space<vmem>>)
        %dma_start3A_83 = arith.constant 1 : i32
        %dma_start3A_84 = arith.constant 0 : i32
        %dma_start3A_85 = tpu.memref_slice %arg6[%add3A_55, %dma_start3A_83, %dma_start3A_84] : memref<40x2x128xi32, #tpu.memory_space<vmem>> -> memref<1x1x128xi32, #tpu.memory_space<vmem>>
        %dma_start3A_86 = tpu.memref_squeeze %dma_start3A_85 : memref<1x1x128xi32, #tpu.memory_space<vmem>> -> memref<128xi32, #tpu.memory_space<vmem>>
        %dma_start3A_87 = arith.constant 0 : i32
        %dma_start3A_88 = arith.constant 0 : i32
        %dma_start3A_89 = tpu.memref_slice %arg9[%dma_start3A_87, %dma_start3A_88] : memref<10112x128xf32, #tpu.memory_space<vmem_shared>> -> memref<10112x128xf32, #tpu.memory_space<vmem_shared>>
        tpu.enqueue_indirect_dma source(%arg8 : memref<128x128xf32, #tpu.memory_space<vmem>>) target(%dma_start3A_89 : memref<10112x128xf32, #tpu.memory_space<vmem_shared>>) offsets(%dma_start3A_86 : memref<128xi32, #tpu.memory_space<vmem>>) semaphore(%arg13 : memref<!tpu.dma_semaphore, #tpu.memory_space<semaphore_mem>>) {add = true}
        %dma_wait3A_90 = arith.constant 1 : i32
        %dma_wait3A_91 = arith.constant 0 : i32
        %dma_wait3A_92 = tpu.memref_slice %arg6[%mul3A_53, %dma_wait3A_90, %dma_wait3A_91] : memref<40x2x128xi32, #tpu.memory_space<vmem>> -> memref<1x1x128xi32, #tpu.memory_space<vmem>>
        %dma_wait3A_93 = tpu.memref_squeeze %dma_wait3A_92 : memref<1x1x128xi32, #tpu.memory_space<vmem>> -> memref<128xi32, #tpu.memory_space<vmem>>
        %dma_wait3A_94 = arith.constant 0 : i32
        %dma_wait3A_95 = arith.constant 0 : i32
        %dma_wait3A_96 = tpu.memref_slice %arg9[%dma_wait3A_94, %dma_wait3A_95] : memref<10112x128xf32, #tpu.memory_space<vmem_shared>> -> memref<10112x128xf32, #tpu.memory_space<vmem_shared>>
        tpu.wait_indirect_dma semaphore(%arg12 : memref<!tpu.dma_semaphore, #tpu.memory_space<semaphore_mem>>) src(%arg7 : memref<128x128xf32, #tpu.memory_space<vmem>>) dst(%dma_wait3A_96 : memref<10112x128xf32, #tpu.memory_space<vmem_shared>>)
        %lt3A = arith.constant 19 : i32
        %lt3A_97 = arith.cmpi slt, %add3A_51, %lt3A : i32
        %convert_element_type3A = arith.extui %lt3A_97 : i1 to i32
        %cond3A = arith.constant 0 : i32
        %cond3A_98 = arith.cmpi ne, %convert_element_type3A, %cond3A : i32
        scf.if %cond3A_98 {
          %add3A_106 = arith.constant 2 : i32
          %add3A_107 = arith.addi %mul3A_53, %add3A_106 : i32
          %dma_start3A_108 = arith.constant 0 : i32
          %dma_start3A_109 = arith.constant 0 : i32
          %dma_start3A_110 = tpu.memref_slice %arg6[%add3A_107, %dma_start3A_108, %dma_start3A_109] : memref<40x2x128xi32, #tpu.memory_space<vmem>> -> memref<1x1x128xi32, #tpu.memory_space<vmem>>
          %dma_start3A_111 = tpu.memref_squeeze %dma_start3A_110 : memref<1x1x128xi32, #tpu.memory_space<vmem>> -> memref<128xi32, #tpu.memory_space<vmem>>
          %dma_start3A_112 = arith.constant 0 : i32
          %dma_start3A_113 = arith.constant 0 : i32
          %dma_start3A_114 = tpu.memref_slice %arg2[%dma_start3A_112, %dma_start3A_113] : memref<10000x128xf32, #tpu.memory_space<hbm>> -> memref<10000x128xf32, #tpu.memory_space<hbm>>
          tpu.enqueue_indirect_dma source(%dma_start3A_114 : memref<10000x128xf32, #tpu.memory_space<hbm>>) target(%arg7 : memref<128x128xf32, #tpu.memory_space<vmem>>) offsets(%dma_start3A_111 : memref<128xi32, #tpu.memory_space<vmem>>) semaphore(%arg10 : memref<!tpu.dma_semaphore, #tpu.memory_space<semaphore_mem>>)
        } else {
        }
        %dma_wait3A_99 = arith.constant 1 : i32
        %dma_wait3A_100 = arith.constant 0 : i32
        %dma_wait3A_101 = tpu.memref_slice %arg6[%add3A_55, %dma_wait3A_99, %dma_wait3A_100] : memref<40x2x128xi32, #tpu.memory_space<vmem>> -> memref<1x1x128xi32, #tpu.memory_space<vmem>>
        %dma_wait3A_102 = tpu.memref_squeeze %dma_wait3A_101 : memref<1x1x128xi32, #tpu.memory_space<vmem>> -> memref<128xi32, #tpu.memory_space<vmem>>
        %dma_wait3A_103 = arith.constant 0 : i32
        %dma_wait3A_104 = arith.constant 0 : i32
        %dma_wait3A_105 = tpu.memref_slice %arg9[%dma_wait3A_103, %dma_wait3A_104] : memref<10112x128xf32, #tpu.memory_space<vmem_shared>> -> memref<10112x128xf32, #tpu.memory_space<vmem_shared>>
        tpu.wait_indirect_dma semaphore(%arg13 : memref<!tpu.dma_semaphore, #tpu.memory_space<semaphore_mem>>) src(%arg8 : memref<128x128xf32, #tpu.memory_space<vmem>>) dst(%dma_wait3A_105 : memref<10112x128xf32, #tpu.memory_space<vmem_shared>>)
      }
      %scan3A_46 = arith.constant 20 : i32
    }
    %while3A_31 = arith.constant 1 : i32
    scf.for %while3A_33 = %while3A_29 to %while3A_25 step %while3A_31  : i32 {
      %mul3A_34 = arith.muli %while3A_33, %while3A : i32
      %add3A_35 = arith.addi %while3A_22, %mul3A_34 : i32
      "tpu.region"() ({
        %run_scoped3A = tpu.sem_alloc : memref<!tpu.dma_semaphore, #tpu.memory_space<semaphore_mem>>
        %dma_start3A_47 = arith.constant 0 : i32
        %dma_start3A_48 = arith.constant 0 : i32
        %dma_start3A_49 = arith.constant 0 : i32
        %dma_start3A_50 = tpu.memref_slice %arg3[%add3A, %add3A_35, %dma_start3A_47, %dma_start3A_48, %dma_start3A_49] : memref<32x2x40x2x128xi32, #tpu.memory_space<hbm>> -> memref<1x1x40x2x128xi32, #tpu.memory_space<hbm>>
        %dma_start3A_51 = tpu.memref_squeeze %dma_start3A_50 : memref<1x1x40x2x128xi32, #tpu.memory_space<hbm>> -> memref<40x2x128xi32, #tpu.memory_space<hbm>>
        %dma_start3A_52 = arith.constant 0 : i32
        %dma_start3A_53 = arith.constant 0 : i32
        %dma_start3A_54 = arith.constant 0 : i32
        %dma_start3A_55 = tpu.memref_slice %arg3[%add3A, %add3A_35, %dma_start3A_52, %dma_start3A_53, %dma_start3A_54] : memref<32x2x40x2x128xi32, #tpu.memory_space<hbm>> -> memref<1x1x40x2x128xi32, #tpu.memory_space<hbm>>
        %dma_start3A_56 = tpu.memref_squeeze %dma_start3A_55 : memref<1x1x40x2x128xi32, #tpu.memory_space<hbm>> -> memref<40x2x128xi32, #tpu.memory_space<hbm>>
        tpu.enqueue_dma source(%dma_start3A_56 : memref<40x2x128xi32, #tpu.memory_space<hbm>>) target(%arg6 : memref<40x2x128xi32, #tpu.memory_space<vmem>>) target_semaphore(%run_scoped3A : memref<!tpu.dma_semaphore, #tpu.memory_space<semaphore_mem>>)
        %dma_wait3A = arith.constant 0 : i32
        %dma_wait3A_57 = arith.constant 0 : i32
        %dma_wait3A_58 = arith.constant 0 : i32
        %dma_wait3A_59 = tpu.memref_slice %arg3[%add3A, %add3A_35, %dma_wait3A, %dma_wait3A_57, %dma_wait3A_58] : memref<32x2x40x2x128xi32, #tpu.memory_space<hbm>> -> memref<1x1x40x2x128xi32, #tpu.memory_space<hbm>>
        %dma_wait3A_60 = tpu.memref_squeeze %dma_wait3A_59 : memref<1x1x40x2x128xi32, #tpu.memory_space<hbm>> -> memref<40x2x128xi32, #tpu.memory_space<hbm>>
        %dma_wait3A_61 = arith.constant 0 : i32
        %dma_wait3A_62 = arith.constant 0 : i32
        %dma_wait3A_63 = arith.constant 0 : i32
        %dma_wait3A_64 = tpu.memref_slice %arg3[%add3A, %add3A_35, %dma_wait3A_61, %dma_wait3A_62, %dma_wait3A_63] : memref<32x2x40x2x128xi32, #tpu.memory_space<hbm>> -> memref<1x1x40x2x128xi32, #tpu.memory_space<hbm>>
        %dma_wait3A_65 = tpu.memref_squeeze %dma_wait3A_64 : memref<1x1x40x2x128xi32, #tpu.memory_space<hbm>> -> memref<40x2x128xi32, #tpu.memory_space<hbm>>
        tpu.wait_dma2 semaphore(%run_scoped3A : memref<!tpu.dma_semaphore, #tpu.memory_space<semaphore_mem>>) src(%dma_wait3A_65 : memref<40x2x128xi32, #tpu.memory_space<hbm>>) dst(%arg6 : memref<40x2x128xi32, #tpu.memory_space<vmem>>)
        tpu.yield
      }) : () -> ()
      %dma_start3A = arith.constant 0 : i32
      %dma_start3A_36 = arith.constant 0 : i32
      %dma_start3A_37 = arith.constant 0 : i32
      %dma_start3A_38 = tpu.memref_slice %arg6[%dma_start3A, %dma_start3A_36, %dma_start3A_37] : memref<40x2x128xi32, #tpu.memory_space<vmem>> -> memref<1x1x128xi32, #tpu.memory_space<vmem>>
      %dma_start3A_39 = tpu.memref_squeeze %dma_start3A_38 : memref<1x1x128xi32, #tpu.memory_space<vmem>> -> memref<128xi32, #tpu.memory_space<vmem>>
      %dma_start3A_40 = arith.constant 0 : i32
      %dma_start3A_41 = arith.constant 0 : i32
      %dma_start3A_42 = tpu.memref_slice %arg2[%dma_start3A_40, %dma_start3A_41] : memref<10000x128xf32, #tpu.memory_space<hbm>> -> memref<10000x128xf32, #tpu.memory_space<hbm>>
      tpu.enqueue_indirect_dma source(%dma_start3A_42 : memref<10000x128xf32, #tpu.memory_space<hbm>>) target(%arg7 : memref<128x128xf32, #tpu.memory_space<vmem>>) offsets(%dma_start3A_39 : memref<128xi32, #tpu.memory_space<vmem>>) semaphore(%arg10 : memref<!tpu.dma_semaphore, #tpu.memory_space<semaphore_mem>>)
      %scan3A = arith.constant 0 : i32
      %scan3A_43 = arith.constant 20 : i32
      %scan3A_44 = arith.addi %scan3A, %scan3A_43 : i32
      %scan3A_45 = arith.constant 1 : i32
      scf.for %scan3A_47 = %scan3A to %scan3A_44 step %scan3A_45  : i32 {
        %mul3A_48 = arith.constant 1 : i32
        %mul3A_49 = arith.muli %scan3A_47, %mul3A_48 : i32
        %add3A_50 = arith.constant 0 : i32
        %add3A_51 = arith.addi %add3A_50, %mul3A_49 : i32
        %mul3A_52 = arith.constant 2 : i32
        %mul3A_53 = arith.muli %mul3A_52, %add3A_51 : i32
        %add3A_54 = arith.constant 1 : i32
        %add3A_55 = arith.addi %mul3A_53, %add3A_54 : i32
        %dma_start3A_56 = arith.constant 0 : i32
        %dma_start3A_57 = arith.constant 0 : i32
        %dma_start3A_58 = tpu.memref_slice %arg6[%add3A_55, %dma_start3A_56, %dma_start3A_57] : memref<40x2x128xi32, #tpu.memory_space<vmem>> -> memref<1x1x128xi32, #tpu.memory_space<vmem>>
        %dma_start3A_59 = tpu.memref_squeeze %dma_start3A_58 : memref<1x1x128xi32, #tpu.memory_space<vmem>> -> memref<128xi32, #tpu.memory_space<vmem>>
        %dma_start3A_60 = arith.constant 0 : i32
        %dma_start3A_61 = arith.constant 0 : i32
        %dma_start3A_62 = tpu.memref_slice %arg2[%dma_start3A_60, %dma_start3A_61] : memref<10000x128xf32, #tpu.memory_space<hbm>> -> memref<10000x128xf32, #tpu.memory_space<hbm>>
        tpu.enqueue_indirect_dma source(%dma_start3A_62 : memref<10000x128xf32, #tpu.memory_space<hbm>>) target(%arg8 : memref<128x128xf32, #tpu.memory_space<vmem>>) offsets(%dma_start3A_59 : memref<128xi32, #tpu.memory_space<vmem>>) semaphore(%arg11 : memref<!tpu.dma_semaphore, #tpu.memory_space<semaphore_mem>>)
        %dma_wait3A = arith.constant 0 : i32
        %dma_wait3A_63 = arith.constant 0 : i32
        %dma_wait3A_64 = tpu.memref_slice %arg6[%mul3A_53, %dma_wait3A, %dma_wait3A_63] : memref<40x2x128xi32, #tpu.memory_space<vmem>> -> memref<1x1x128xi32, #tpu.memory_space<vmem>>
        %dma_wait3A_65 = tpu.memref_squeeze %dma_wait3A_64 : memref<1x1x128xi32, #tpu.memory_space<vmem>> -> memref<128xi32, #tpu.memory_space<vmem>>
        %dma_wait3A_66 = arith.constant 0 : i32
        %dma_wait3A_67 = arith.constant 0 : i32
        %dma_wait3A_68 = tpu.memref_slice %arg2[%dma_wait3A_66, %dma_wait3A_67] : memref<10000x128xf32, #tpu.memory_space<hbm>> -> memref<10000x128xf32, #tpu.memory_space<hbm>>
        tpu.wait_indirect_dma semaphore(%arg10 : memref<!tpu.dma_semaphore, #tpu.memory_space<semaphore_mem>>) src(%dma_wait3A_68 : memref<10000x128xf32, #tpu.memory_space<hbm>>) dst(%arg7 : memref<128x128xf32, #tpu.memory_space<vmem>>)
        %dma_start3A_69 = arith.constant 1 : i32
        %dma_start3A_70 = arith.constant 0 : i32
        %dma_start3A_71 = tpu.memref_slice %arg6[%mul3A_53, %dma_start3A_69, %dma_start3A_70] : memref<40x2x128xi32, #tpu.memory_space<vmem>> -> memref<1x1x128xi32, #tpu.memory_space<vmem>>
        %dma_start3A_72 = tpu.memref_squeeze %dma_start3A_71 : memref<1x1x128xi32, #tpu.memory_space<vmem>> -> memref<128xi32, #tpu.memory_space<vmem>>
        %dma_start3A_73 = arith.constant 0 : i32
        %dma_start3A_74 = arith.constant 0 : i32
        %dma_start3A_75 = tpu.memref_slice %arg9[%dma_start3A_73, %dma_start3A_74] : memref<10112x128xf32, #tpu.memory_space<vmem_shared>> -> memref<10112x128xf32, #tpu.memory_space<vmem_shared>>
        tpu.enqueue_indirect_dma source(%arg7 : memref<128x128xf32, #tpu.memory_space<vmem>>) target(%dma_start3A_75 : memref<10112x128xf32, #tpu.memory_space<vmem_shared>>) offsets(%dma_start3A_72 : memref<128xi32, #tpu.memory_space<vmem>>) semaphore(%arg12 : memref<!tpu.dma_semaphore, #tpu.memory_space<semaphore_mem>>) {add = true}
        %dma_wait3A_76 = arith.constant 0 : i32
        %dma_wait3A_77 = arith.constant 0 : i32
        %dma_wait3A_78 = tpu.memref_slice %arg6[%add3A_55, %dma_wait3A_76, %dma_wait3A_77] : memref<40x2x128xi32, #tpu.memory_space<vmem>> -> memref<1x1x128xi32, #tpu.memory_space<vmem>>
        %dma_wait3A_79 = tpu.memref_squeeze %dma_wait3A_78 : memref<1x1x128xi32, #tpu.memory_space<vmem>> -> memref<128xi32, #tpu.memory_space<vmem>>
        %dma_wait3A_80 = arith.constant 0 : i32
        %dma_wait3A_81 = arith.constant 0 : i32
        %dma_wait3A_82 = tpu.memref_slice %arg2[%dma_wait3A_80, %dma_wait3A_81] : memref<10000x128xf32, #tpu.memory_space<hbm>> -> memref<10000x128xf32, #tpu.memory_space<hbm>>
        tpu.wait_indirect_dma semaphore(%arg11 : memref<!tpu.dma_semaphore, #tpu.memory_space<semaphore_mem>>) src(%dma_wait3A_82 : memref<10000x128xf32, #tpu.memory_space<hbm>>) dst(%arg8 : memref<128x128xf32, #tpu.memory_space<vmem>>)
        %dma_start3A_83 = arith.constant 1 : i32
        %dma_start3A_84 = arith.constant 0 : i32
        %dma_start3A_85 = tpu.memref_slice %arg6[%add3A_55, %dma_start3A_83, %dma_start3A_84] : memref<40x2x128xi32, #tpu.memory_space<vmem>> -> memref<1x1x128xi32, #tpu.memory_space<vmem>>
        %dma_start3A_86 = tpu.memref_squeeze %dma_start3A_85 : memref<1x1x128xi32, #tpu.memory_space<vmem>> -> memref<128xi32, #tpu.memory_space<vmem>>
        %dma_start3A_87 = arith.constant 0 : i32
        %dma_start3A_88 = arith.constant 0 : i32
        %dma_start3A_89 = tpu.memref_slice %arg9[%dma_start3A_87, %dma_start3A_88] : memref<10112x128xf32, #tpu.memory_space<vmem_shared>> -> memref<10112x128xf32, #tpu.memory_space<vmem_shared>>
        tpu.enqueue_indirect_dma source(%arg8 : memref<128x128xf32, #tpu.memory_space<vmem>>) target(%dma_start3A_89 : memref<10112x128xf32, #tpu.memory_space<vmem_shared>>) offsets(%dma_start3A_86 : memref<128xi32, #tpu.memory_space<vmem>>) semaphore(%arg13 : memref<!tpu.dma_semaphore, #tpu.memory_space<semaphore_mem>>) {add = true}
        %dma_wait3A_90 = arith.constant 1 : i32
        %dma_wait3A_91 = arith.constant 0 : i32
        %dma_wait3A_92 = tpu.memref_slice %arg6[%mul3A_53, %dma_wait3A_90, %dma_wait3A_91] : memref<40x2x128xi32, #tpu.memory_space<vmem>> -> memref<1x1x128xi32, #tpu.memory_space<vmem>>
        %dma_wait3A_93 = tpu.memref_squeeze %dma_wait3A_92 : memref<1x1x128xi32, #tpu.memory_space<vmem>> -> memref<128xi32, #tpu.memory_space<vmem>>
        %dma_wait3A_94 = arith.constant 0 : i32
        %dma_wait3A_95 = arith.constant 0 : i32
        %dma_wait3A_96 = tpu.memref_slice %arg9[%dma_wait3A_94, %dma_wait3A_95] : memref<10112x128xf32, #tpu.memory_space<vmem_shared>> -> memref<10112x128xf32, #tpu.memory_space<vmem_shared>>
        tpu.wait_indirect_dma semaphore(%arg12 : memref<!tpu.dma_semaphore, #tpu.memory_space<semaphore_mem>>) src(%arg7 : memref<128x128xf32, #tpu.memory_space<vmem>>) dst(%dma_wait3A_96 : memref<10112x128xf32, #tpu.memory_space<vmem_shared>>)
        %lt3A = arith.constant 19 : i32
        %lt3A_97 = arith.cmpi slt, %add3A_51, %lt3A : i32
        %convert_element_type3A = arith.extui %lt3A_97 : i1 to i32
        %cond3A = arith.constant 0 : i32
        %cond3A_98 = arith.cmpi ne, %convert_element_type3A, %cond3A : i32
        scf.if %cond3A_98 {
          %add3A_106 = arith.constant 2 : i32
          %add3A_107 = arith.addi %mul3A_53, %add3A_106 : i32
          %dma_start3A_108 = arith.constant 0 : i32
          %dma_start3A_109 = arith.constant 0 : i32
          %dma_start3A_110 = tpu.memref_slice %arg6[%add3A_107, %dma_start3A_108, %dma_start3A_109] : memref<40x2x128xi32, #tpu.memory_space<vmem>> -> memref<1x1x128xi32, #tpu.memory_space<vmem>>
          %dma_start3A_111 = tpu.memref_squeeze %dma_start3A_110 : memref<1x1x128xi32, #tpu.memory_space<vmem>> -> memref<128xi32, #tpu.memory_space<vmem>>
          %dma_start3A_112 = arith.constant 0 : i32
          %dma_start3A_113 = arith.constant 0 : i32
          %dma_start3A_114 = tpu.memref_slice %arg2[%dma_start3A_112, %dma_start3A_113] : memref<10000x128xf32, #tpu.memory_space<hbm>> -> memref<10000x128xf32, #tpu.memory_space<hbm>>
          tpu.enqueue_indirect_dma source(%dma_start3A_114 : memref<10000x128xf32, #tpu.memory_space<hbm>>) target(%arg7 : memref<128x128xf32, #tpu.memory_space<vmem>>) offsets(%dma_start3A_111 : memref<128xi32, #tpu.memory_space<vmem>>) semaphore(%arg10 : memref<!tpu.dma_semaphore, #tpu.memory_space<semaphore_mem>>)
        } else {
        }
        %dma_wait3A_99 = arith.constant 1 : i32
        %dma_wait3A_100 = arith.constant 0 : i32
        %dma_wait3A_101 = tpu.memref_slice %arg6[%add3A_55, %dma_wait3A_99, %dma_wait3A_100] : memref<40x2x128xi32, #tpu.memory_space<vmem>> -> memref<1x1x128xi32, #tpu.memory_space<vmem>>
        %dma_wait3A_102 = tpu.memref_squeeze %dma_wait3A_101 : memref<1x1x128xi32, #tpu.memory_space<vmem>> -> memref<128xi32, #tpu.memory_space<vmem>>
        %dma_wait3A_103 = arith.constant 0 : i32
        %dma_wait3A_104 = arith.constant 0 : i32
        %dma_wait3A_105 = tpu.memref_slice %arg9[%dma_wait3A_103, %dma_wait3A_104] : memref<10112x128xf32, #tpu.memory_space<vmem_shared>> -> memref<10112x128xf32, #tpu.memory_space<vmem_shared>>
        tpu.wait_indirect_dma semaphore(%arg13 : memref<!tpu.dma_semaphore, #tpu.memory_space<semaphore_mem>>) src(%arg8 : memref<128x128xf32, #tpu.memory_space<vmem>>) dst(%dma_wait3A_105 : memref<10112x128xf32, #tpu.memory_space<vmem_shared>>)
      }
      %scan3A_46 = arith.constant 20 : i32
    }
    %barrier3A_32 = arith.constant 0 : index
    tpu.barrier barrier_id(%barrier3A_32)
    "tpu.region"() ({
      %run_scoped3A = tpu.sem_alloc : memref<!tpu.dma_semaphore, #tpu.memory_space<semaphore_mem>>
      %dma_start3A = arith.constant 0 : i32
      %dma_start3A_33 = tpu.memref_slice %arg5[%arg0, %mul3A_2, %dma_start3A] : memref<2x10112x128xf32, #tpu.memory_space<hbm>> -> memref<1x632x128xf32, #tpu.memory_space<hbm>>
      %dma_start3A_34 = tpu.memref_squeeze %dma_start3A_33 : memref<1x632x128xf32, #tpu.memory_space<hbm>> -> memref<632x128xf32, #tpu.memory_space<hbm>>
      %dma_start3A_35 = arith.constant 0 : i32
      %dma_start3A_36 = tpu.memref_slice %arg9[%mul3A_2, %dma_start3A_35] : memref<10112x128xf32, #tpu.memory_space<vmem_shared>> -> memref<632x128xf32, #tpu.memory_space<vmem_shared>>
      tpu.enqueue_dma source(%dma_start3A_36 : memref<632x128xf32, #tpu.memory_space<vmem_shared>>) target(%dma_start3A_34 : memref<632x128xf32, #tpu.memory_space<hbm>>) target_semaphore(%run_scoped3A : memref<!tpu.dma_semaphore, #tpu.memory_space<semaphore_mem>>)
      %dma_wait3A = arith.constant 0 : i32
      %dma_wait3A_37 = tpu.memref_slice %arg5[%arg0, %mul3A_2, %dma_wait3A] : memref<2x10112x128xf32, #tpu.memory_space<hbm>> -> memref<1x632x128xf32, #tpu.memory_space<hbm>>
      %dma_wait3A_38 = tpu.memref_squeeze %dma_wait3A_37 : memref<1x632x128xf32, #tpu.memory_space<hbm>> -> memref<632x128xf32, #tpu.memory_space<hbm>>
      %dma_wait3A_39 = arith.constant 0 : i32
      %dma_wait3A_40 = tpu.memref_slice %arg9[%mul3A_2, %dma_wait3A_39] : memref<10112x128xf32, #tpu.memory_space<vmem_shared>> -> memref<632x128xf32, #tpu.memory_space<vmem_shared>>
      tpu.wait_dma2 semaphore(%run_scoped3A : memref<!tpu.dma_semaphore, #tpu.memory_space<semaphore_mem>>) src(%dma_wait3A_40 : memref<632x128xf32, #tpu.memory_space<vmem_shared>>) dst(%dma_wait3A_38 : memref<632x128xf32, #tpu.memory_space<hbm>>)
      tpu.yield
    }) : () -> ()
    return
  }
}

module attributes {stable_mosaic.version = 14 : i64} {
  func.func @body(%arg0: i32, %arg1: memref<2x1000x128xf32, #tpu.memory_space<vmem>>, %arg2: memref<1000x128xf32, #tpu.memory_space<vmem>>, %arg3: memref<128x128xf32, #tpu.memory_space<vmem>>, %arg4: memref<1000x128xf32, #tpu.memory_space<vmem>>) attributes {dimension_semantics = [#tpu.dimension_semantics<arbitrary>], iteration_bounds = array<i64: 10>, scalar_prefetch = 0 : i64, scratch_operands = 0 : i64, tpu.core_type = #tpu.core_type<tc>, window_params = [{transform_indices = @transform_0, window_bounds = array<i64: 2, 1000, 128>}, {transform_indices = @transform_1, window_bounds = array<i64: 1000, 128>}, {pipeline_mode = #tpu.pipeline_mode<synchronous>, transform_indices = @transform_2, window_bounds = array<i64: 128, 128>}, {transform_indices = @transform_3, window_bounds = array<i64: 1000, 128>}]} {
    %get3A = arith.constant 0 : index
    %get3A_0 = arith.constant 0 : index
    %get3A_1 = arith.constant 0 : index
    %get3A_2 = vector.load %arg1[%get3A, %get3A_0, %get3A_1] : memref<2x1000x128xf32, #tpu.memory_space<vmem>>, vector<2x1000x128xf32>
    %slice3A = vector.extract_strided_slice %get3A_2 {offsets = [0, 0, 0], sizes = [1, 1000, 1], strides = [1, 1, 1]} : vector<2x1000x128xf32> to vector<1x1000x1xf32>
    %squeeze3A = vector.shape_cast %slice3A : vector<1x1000x1xf32> to vector<1000x1xf32>
    %add3A = arith.constant 1.000000e+00 : f32
    %add3A_3 = vector.broadcast %add3A : f32 to vector<1000x1xf32>
    %add3A_4 = arith.addf %add3A_3, %squeeze3A : vector<1000x1xf32>
    %slice3A_5 = vector.extract_strided_slice %get3A_2 {offsets = [1, 0, 0], sizes = [1, 1000, 1], strides = [1, 1, 1]} : vector<2x1000x128xf32> to vector<1x1000x1xf32>
    %squeeze3A_6 = vector.shape_cast %slice3A_5 : vector<1x1000x1xf32> to vector<1000x1xf32>
    %add3A_7 = arith.addf %add3A_4, %squeeze3A_6 : vector<1000x1xf32>
    %rsqrt3A = math.rsqrt %add3A_7 : vector<1000x1xf32>
    %get3A_8 = arith.constant 0 : index
    %get3A_9 = arith.constant 0 : index
    %get3A_10 = vector.load %arg2[%get3A_8, %get3A_9] : memref<1000x128xf32, #tpu.memory_space<vmem>>, vector<1000x128xf32>
    %get3A_11 = arith.constant 0 : index
    %get3A_12 = arith.constant 0 : index
    %get3A_13 = vector.load %arg3[%get3A_11, %get3A_12] : memref<128x128xf32, #tpu.memory_space<vmem>>, vector<128x128xf32>
    %dot_general3A = arith.constant dense<0.000000e+00> : vector<1000x128xf32>
    %dot_general3A_14 = tpu.matmul %get3A_10, %get3A_13, %dot_general3A {dimension_numbers = #tpu.dot_dimension_numbers<[1], [0], [0], [1], [0, 0, 1, 1], [], []>, precision = #tpu.contract_precision<fp32>, transpose_lhs_hint = false} : vector<1000x128xf32>, vector<128x128xf32>, vector<1000x128xf32> -> vector<1000x128xf32>
    %mul3A = vector.broadcast %rsqrt3A : vector<1000x1xf32> to vector<1000x128xf32>
    %mul3A_15 = arith.mulf %dot_general3A_14, %mul3A : vector<1000x128xf32>
    %swap3A = arith.constant 0 : index
    %swap3A_16 = arith.constant 0 : index
    %swap3A_17 = vector.load %arg4[%swap3A, %swap3A_16] : memref<1000x128xf32, #tpu.memory_space<vmem>>, vector<1000x128xf32>
    tpu.vector_store %arg4[%swap3A, %swap3A_16], %mul3A_15 {strides = array<i32>} : memref<1000x128xf32, #tpu.memory_space<vmem>>, vector<1000x128xf32>,
    return
  }
  func.func @transform_0(%arg0: i32) -> (i32, i32, i32) {
    %c0_i32 = arith.constant 0 : i32
    %c0_i32_0 = arith.constant 0 : i32
    %c0_i32_1 = arith.constant 0 : i32
    return %c0_i32, %arg0, %c0_i32_0 : i32, i32, i32
  }
  func.func @transform_1(%arg0: i32) -> (i32, i32) {
    %c0_i32 = arith.constant 0 : i32
    %c0_i32_0 = arith.constant 0 : i32
    return %arg0, %c0_i32 : i32, i32
  }
  func.func @transform_2(%arg0: i32) -> (i32, i32) {
    %c0_i32 = arith.constant 0 : i32
    %c0_i32_0 = arith.constant 0 : i32
    %c0_i32_1 = arith.constant 0 : i32
    return %c0_i32, %c0_i32_0 : i32, i32
  }
  func.func @transform_3(%arg0: i32) -> (i32, i32) {
    %c0_i32 = arith.constant 0 : i32
    %c0_i32_0 = arith.constant 0 : i32
    return %arg0, %c0_i32 : i32, i32
  }
}

module attributes {stable_mosaic.version = 14 : i64} {
  func.func @body(%arg0: i32, %arg1: memref<2x1000x128xf32, #tpu.memory_space<vmem>>, %arg2: memref<1000x128xf32, #tpu.memory_space<vmem>>, %arg3: memref<2x1000x128xf32, #tpu.memory_space<vmem>>, %arg4: memref<1x128xf32, #tpu.memory_space<vmem>>, %arg5: memref<128x128xf32, #tpu.memory_space<vmem>>, %arg6: memref<1000x128xf32, #tpu.memory_space<vmem>>) attributes {dimension_semantics = [#tpu.dimension_semantics<arbitrary>], iteration_bounds = array<i64: 10>, scalar_prefetch = 0 : i64, scratch_operands = 0 : i64, tpu.core_type = #tpu.core_type<tc>, window_params = [{transform_indices = @transform_0, window_bounds = array<i64: 2, 1000, 128>}, {transform_indices = @transform_1, window_bounds = array<i64: 1000, 128>}, {transform_indices = @transform_2, window_bounds = array<i64: 2, 1000, 128>}, {pipeline_mode = #tpu.pipeline_mode<synchronous>, transform_indices = @transform_3, window_bounds = array<i64: 1, 128>}, {pipeline_mode = #tpu.pipeline_mode<synchronous>, transform_indices = @transform_4, window_bounds = array<i64: 128, 128>}, {transform_indices = @transform_5, window_bounds = array<i64: 1000, 128>}]} {
    %get3A = arith.constant 0 : index
    %get3A_0 = arith.constant 0 : index
    %get3A_1 = arith.constant 0 : index
    %get3A_2 = vector.load %arg3[%get3A, %get3A_0, %get3A_1] : memref<2x1000x128xf32, #tpu.memory_space<vmem>>, vector<2x1000x128xf32>
    %slice3A = vector.extract_strided_slice %get3A_2 {offsets = [0, 0, 0], sizes = [1, 1000, 1], strides = [1, 1, 1]} : vector<2x1000x128xf32> to vector<1x1000x1xf32>
    %squeeze3A = vector.shape_cast %slice3A : vector<1x1000x1xf32> to vector<1000x1xf32>
    %add3A = arith.constant 1.000000e+00 : f32
    %add3A_3 = vector.broadcast %add3A : f32 to vector<1000x1xf32>
    %add3A_4 = arith.addf %add3A_3, %squeeze3A : vector<1000x1xf32>
    %slice3A_5 = vector.extract_strided_slice %get3A_2 {offsets = [1, 0, 0], sizes = [1, 1000, 1], strides = [1, 1, 1]} : vector<2x1000x128xf32> to vector<1x1000x1xf32>
    %squeeze3A_6 = vector.shape_cast %slice3A_5 : vector<1x1000x1xf32> to vector<1000x1xf32>
    %add3A_7 = arith.addf %add3A_4, %squeeze3A_6 : vector<1000x1xf32>
    %rsqrt3A = math.rsqrt %add3A_7 : vector<1000x1xf32>
    %get3A_8 = arith.constant 0 : index
    %get3A_9 = arith.constant 0 : index
    %get3A_10 = arith.constant 0 : index
    %get3A_11 = vector.load %arg1[%get3A_8, %get3A_9, %get3A_10] : memref<2x1000x128xf32, #tpu.memory_space<vmem>>, vector<1x1000x128xf32>
    %get3A_12 = vector.shape_cast %get3A_11 : vector<1x1000x128xf32> to vector<1000x128xf32>
    %get3A_13 = arith.constant 1 : index
    %get3A_14 = arith.constant 0 : index
    %get3A_15 = arith.constant 0 : index
    %get3A_16 = vector.load %arg1[%get3A_13, %get3A_14, %get3A_15] : memref<2x1000x128xf32, #tpu.memory_space<vmem>>, vector<1x1000x128xf32>
    %get3A_17 = vector.shape_cast %get3A_16 : vector<1x1000x128xf32> to vector<1000x128xf32>
    %add3A_18 = arith.addf %get3A_12, %get3A_17 : vector<1000x128xf32>
    %get3A_19 = arith.constant 0 : index
    %get3A_20 = arith.constant 0 : index
    %get3A_21 = vector.load %arg2[%get3A_19, %get3A_20] : memref<1000x128xf32, #tpu.memory_space<vmem>>, vector<1000x128xf32>
    %add3A_22 = arith.addf %add3A_18, %get3A_21 : vector<1000x128xf32>
    %mul3A = vector.broadcast %rsqrt3A : vector<1000x1xf32> to vector<1000x128xf32>
    %mul3A_23 = arith.mulf %add3A_22, %mul3A : vector<1000x128xf32>
    %get3A_24 = arith.constant 0 : index
    %get3A_25 = arith.constant 0 : index
    %get3A_26 = vector.load %arg4[%get3A_24, %get3A_25] : memref<1x128xf32, #tpu.memory_space<vmem>>, vector<1x128xf32>
    %add3A_27 = vector.broadcast %get3A_26 : vector<1x128xf32> to vector<1000x128xf32>
    %add3A_28 = arith.addf %mul3A_23, %add3A_27 : vector<1000x128xf32>
    %max3A = arith.constant 0.000000e+00 : f32
    %max3A_29 = vector.broadcast %max3A : f32 to vector<1000x128xf32>
    %max3A_30 = arith.maximumf %add3A_28, %max3A_29 : vector<1000x128xf32>
    %get3A_31 = arith.constant 0 : index
    %get3A_32 = arith.constant 0 : index
    %get3A_33 = vector.load %arg5[%get3A_31, %get3A_32] : memref<128x128xf32, #tpu.memory_space<vmem>>, vector<128x128xf32>
    %dot_general3A = arith.constant dense<0.000000e+00> : vector<1000x128xf32>
    %dot_general3A_34 = tpu.matmul %max3A_30, %get3A_33, %dot_general3A {dimension_numbers = #tpu.dot_dimension_numbers<[1], [0], [0], [1], [0, 0, 1, 1], [], []>, precision = #tpu.contract_precision<fp32>, transpose_lhs_hint = false} : vector<1000x128xf32>, vector<128x128xf32>, vector<1000x128xf32> -> vector<1000x128xf32>
    %mul3A_35 = vector.broadcast %rsqrt3A : vector<1000x1xf32> to vector<1000x128xf32>
    %mul3A_36 = arith.mulf %dot_general3A_34, %mul3A_35 : vector<1000x128xf32>
    %swap3A = arith.constant 0 : index
    %swap3A_37 = arith.constant 0 : index
    %swap3A_38 = vector.load %arg6[%swap3A, %swap3A_37] : memref<1000x128xf32, #tpu.memory_space<vmem>>, vector<1000x128xf32>
    tpu.vector_store %arg6[%swap3A, %swap3A_37], %mul3A_36 {strides = array<i32>} : memref<1000x128xf32, #tpu.memory_space<vmem>>, vector<1000x128xf32>,
    return
  }
  func.func @transform_0(%arg0: i32) -> (i32, i32, i32) {
    %c0_i32 = arith.constant 0 : i32
    %c0_i32_0 = arith.constant 0 : i32
    %c0_i32_1 = arith.constant 0 : i32
    return %c0_i32, %arg0, %c0_i32_0 : i32, i32, i32
  }
  func.func @transform_1(%arg0: i32) -> (i32, i32) {
    %c0_i32 = arith.constant 0 : i32
    %c0_i32_0 = arith.constant 0 : i32
    return %arg0, %c0_i32 : i32, i32
  }
  func.func @transform_2(%arg0: i32) -> (i32, i32, i32) {
    %c0_i32 = arith.constant 0 : i32
    %c0_i32_0 = arith.constant 0 : i32
    %c0_i32_1 = arith.constant 0 : i32
    return %c0_i32, %arg0, %c0_i32_0 : i32, i32, i32
  }
  func.func @transform_3(%arg0: i32) -> (i32, i32) {
    %c0_i32 = arith.constant 0 : i32
    %c0_i32_0 = arith.constant 0 : i32
    %c0_i32_1 = arith.constant 0 : i32
    return %c0_i32, %c0_i32_0 : i32, i32
  }
  func.func @transform_4(%arg0: i32) -> (i32, i32) {
    %c0_i32 = arith.constant 0 : i32
    %c0_i32_0 = arith.constant 0 : i32
    %c0_i32_1 = arith.constant 0 : i32
    return %c0_i32, %c0_i32_0 : i32, i32
  }
  func.func @transform_5(%arg0: i32) -> (i32, i32) {
    %c0_i32 = arith.constant 0 : i32
    %c0_i32_0 = arith.constant 0 : i32
    return %arg0, %c0_i32 : i32, i32
  }
}

module attributes {stable_mosaic.version = 14 : i64} {
  func.func @body(%arg0: i32, %arg1: memref<2x1000x128xf32, #tpu.memory_space<vmem>>, %arg2: memref<1000x128xf32, #tpu.memory_space<vmem>>, %arg3: memref<2x1000x128xf32, #tpu.memory_space<vmem>>, %arg4: memref<1x128xf32, #tpu.memory_space<vmem>>, %arg5: memref<1000x128xf32, #tpu.memory_space<vmem>>) attributes {dimension_semantics = [#tpu.dimension_semantics<arbitrary>], iteration_bounds = array<i64: 10>, scalar_prefetch = 0 : i64, scratch_operands = 0 : i64, tpu.core_type = #tpu.core_type<tc>, window_params = [{transform_indices = @transform_0, window_bounds = array<i64: 2, 1000, 128>}, {transform_indices = @transform_1, window_bounds = array<i64: 1000, 128>}, {transform_indices = @transform_2, window_bounds = array<i64: 2, 1000, 128>}, {pipeline_mode = #tpu.pipeline_mode<synchronous>, transform_indices = @transform_3, window_bounds = array<i64: 1, 128>}, {transform_indices = @transform_4, window_bounds = array<i64: 1000, 128>}]} {
    %get3A = arith.constant 0 : index
    %get3A_0 = arith.constant 0 : index
    %get3A_1 = arith.constant 0 : index
    %get3A_2 = vector.load %arg3[%get3A, %get3A_0, %get3A_1] : memref<2x1000x128xf32, #tpu.memory_space<vmem>>, vector<2x1000x128xf32>
    %slice3A = vector.extract_strided_slice %get3A_2 {offsets = [0, 0, 0], sizes = [1, 1000, 1], strides = [1, 1, 1]} : vector<2x1000x128xf32> to vector<1x1000x1xf32>
    %squeeze3A = vector.shape_cast %slice3A : vector<1x1000x1xf32> to vector<1000x1xf32>
    %add3A = arith.constant 1.000000e+00 : f32
    %add3A_3 = vector.broadcast %add3A : f32 to vector<1000x1xf32>
    %add3A_4 = arith.addf %add3A_3, %squeeze3A : vector<1000x1xf32>
    %slice3A_5 = vector.extract_strided_slice %get3A_2 {offsets = [1, 0, 0], sizes = [1, 1000, 1], strides = [1, 1, 1]} : vector<2x1000x128xf32> to vector<1x1000x1xf32>
    %squeeze3A_6 = vector.shape_cast %slice3A_5 : vector<1x1000x1xf32> to vector<1000x1xf32>
    %add3A_7 = arith.addf %add3A_4, %squeeze3A_6 : vector<1000x1xf32>
    %rsqrt3A = math.rsqrt %add3A_7 : vector<1000x1xf32>
    %get3A_8 = arith.constant 0 : index
    %get3A_9 = arith.constant 0 : index
    %get3A_10 = arith.constant 0 : index
    %get3A_11 = vector.load %arg1[%get3A_8, %get3A_9, %get3A_10] : memref<2x1000x128xf32, #tpu.memory_space<vmem>>, vector<1x1000x128xf32>
    %get3A_12 = vector.shape_cast %get3A_11 : vector<1x1000x128xf32> to vector<1000x128xf32>
    %get3A_13 = arith.constant 1 : index
    %get3A_14 = arith.constant 0 : index
    %get3A_15 = arith.constant 0 : index
    %get3A_16 = vector.load %arg1[%get3A_13, %get3A_14, %get3A_15] : memref<2x1000x128xf32, #tpu.memory_space<vmem>>, vector<1x1000x128xf32>
    %get3A_17 = vector.shape_cast %get3A_16 : vector<1x1000x128xf32> to vector<1000x128xf32>
    %add3A_18 = arith.addf %get3A_12, %get3A_17 : vector<1000x128xf32>
    %get3A_19 = arith.constant 0 : index
    %get3A_20 = arith.constant 0 : index
    %get3A_21 = vector.load %arg2[%get3A_19, %get3A_20] : memref<1000x128xf32, #tpu.memory_space<vmem>>, vector<1000x128xf32>
    %add3A_22 = arith.addf %add3A_18, %get3A_21 : vector<1000x128xf32>
    %mul3A = vector.broadcast %rsqrt3A : vector<1000x1xf32> to vector<1000x128xf32>
    %mul3A_23 = arith.mulf %add3A_22, %mul3A : vector<1000x128xf32>
    %get3A_24 = arith.constant 0 : index
    %get3A_25 = arith.constant 0 : index
    %get3A_26 = vector.load %arg4[%get3A_24, %get3A_25] : memref<1x128xf32, #tpu.memory_space<vmem>>, vector<1x128xf32>
    %add3A_27 = vector.broadcast %get3A_26 : vector<1x128xf32> to vector<1000x128xf32>
    %add3A_28 = arith.addf %mul3A_23, %add3A_27 : vector<1000x128xf32>
    %swap3A = arith.constant 0 : index
    %swap3A_29 = arith.constant 0 : index
    %swap3A_30 = vector.load %arg5[%swap3A, %swap3A_29] : memref<1000x128xf32, #tpu.memory_space<vmem>>, vector<1000x128xf32>
    tpu.vector_store %arg5[%swap3A, %swap3A_29], %add3A_28 {strides = array<i32>} : memref<1000x128xf32, #tpu.memory_space<vmem>>, vector<1000x128xf32>,
    return
  }
  func.func @transform_0(%arg0: i32) -> (i32, i32, i32) {
    %c0_i32 = arith.constant 0 : i32
    %c0_i32_0 = arith.constant 0 : i32
    %c0_i32_1 = arith.constant 0 : i32
    return %c0_i32, %arg0, %c0_i32_0 : i32, i32, i32
  }
  func.func @transform_1(%arg0: i32) -> (i32, i32) {
    %c0_i32 = arith.constant 0 : i32
    %c0_i32_0 = arith.constant 0 : i32
    return %arg0, %c0_i32 : i32, i32
  }
  func.func @transform_2(%arg0: i32) -> (i32, i32, i32) {
    %c0_i32 = arith.constant 0 : i32
    %c0_i32_0 = arith.constant 0 : i32
    %c0_i32_1 = arith.constant 0 : i32
    return %c0_i32, %arg0, %c0_i32_0 : i32, i32, i32
  }
  func.func @transform_3(%arg0: i32) -> (i32, i32) {
    %c0_i32 = arith.constant 0 : i32
    %c0_i32_0 = arith.constant 0 : i32
    %c0_i32_1 = arith.constant 0 : i32
    return %c0_i32, %c0_i32_0 : i32, i32
  }
  func.func @transform_4(%arg0: i32) -> (i32, i32) {
    %c0_i32 = arith.constant 0 : i32
    %c0_i32_0 = arith.constant 0 : i32
    return %arg0, %c0_i32 : i32, i32
  }
}

</mosaic_0001>

<sc_bundles>
// kernel: kernel.10.cloned.1.call-start
scs
__scs_entry_jumppad:
0x0: {  	(pc) =	sbr.rel $0x88, $3  }
0x1: {  	(tag) =	ssettag $0x0;
	lr =	simm.s32 $0x1  }
0x2: {  	[smem:$0x3F99] =	sst lr;
	_ =	strace $0xD0000000  }
0x3: {  	_ = 	snop  }
0x4: {  	_ = 	snop  }
0x5: {  	_ = 	snop  }
0x6: {  	_ = 	snop  }
0x7: {  	_ = 	snop  }
__scs_overlays_trampoline_lowered:
0x8: {  	[smem:$0x3FA8] =	sst s0  }
0x9: {  	[smem:$0x3FA9] =	sst s1  }
0xa: {  	[smem:$0x3FAA] =	sst s2  }
0xb: {  	[smem:$0x3FAB] =	sst s3  }
0xc: {  	[smem:$0x3FAC] =	sst s4  }
0xd: {  	[smem:$0x3FAD] =	sst s5  }
0xe: {  	[smem:$0x3FAE] =	sst s6  }
0xf: {  	[smem:$0x3FAF] =	sst s7  }
0x10: {  	[smem:$0x3FB0] =	sst s8  }
0x11: {  	[smem:$0x3FB1] =	sst s9;
	s0 =	simm.s32 @!p0 $0x0  }
0x12: {  	s1 =	sld [smem:$0x3F97];
	s0 =	simm.s32 @p0 $0x1  }
0x13: {  	[smem:$0x3FB2] =	sst s0;
	s0 =	simm.s32 @!p1 $0x0  }
0x14: {  	s2 =	sld [smem:$0x3F96];
	s0 =	simm.s32 @p1 $0x1  }
0x15: {  	[smem:$0x3FB3] =	sst s0;
	s0 =	simm.s32 @!p2 $0x0  }
0x16: {  	s3 =	sld [smem:$0x3FDB];
	s0 =	simm.s32 @p2 $0x1  }
0x17: {  	s4 =	simm.s32 $0x1BF5;
	[smem:$0x3FB5] =	sst s0  }
0x18: {  	s0 =	sld [smem:$0x3F98];
	_ =	swait.ge [sflag:s4], $0x0  }
0x19: {  	s7 =	sld [smem:$0x3F99]  }
0x1a: {  	s8 =	sadd.s32 $0xFFFFE003, lr  }
0x1b: {  	s9 =	sadd.s32 $0xFFFFFEF7, lr;
	s5 =	simm.s32 $0xFFFFFFFF;
	p2 =	slt.u32 s8, $0xFFFFF086  }
0x1c: {  	p1 =	slt.u32 s9, $0xF7A;
	s5 =	simm.s32 @!p2 $0x0  }
0x1d: {  	s5 =	simm.s32 @p1 $0x1;
	p0 =	seq.s32 s7, s2  }
0x1e: {  	s7 =	smul.u32 @!p0 $0xF7A, s2;
	p2 =	seq.s32 @!p0 s5, $0x0  }
0x1f: {  	s9 =	smul.u32 $0xF7A, s1;
	s8 =	simm.s32 @!p0 $0x1BF5;
	p2 =	por !p2, p0  }
0x20: {  	[sflag:s8] =	ssyncset.s32 @!p0 $0xFFFFF086;
	s6 =	sadd.s32 @!p0 s3, s7;
	s7 =	simm.s32 @!p0 $0x108  }
0x21: {  	s3 =	sadd.s32 s3, s9;
	s6 =	sadd.s32 @!p0 $0x88, s6;
	s7 =	simm.s32 @p2 $0x1082  }
0x22: {  	[simem:s7], [sflag:s8] =	dma.local @!p0 [hbm:s6], $0xF7A  }
0x23: {  	s9 =	sor.u32 $0xD0000000, s2;
	s6 =	simm.s32 $0x108;
	_ =	swait.ge @!p0 [sflag:s8], $0x0  }
0x24: {  	s3 =	sadd.s32 $0x88, s3;
	s6 =	simm.s32 @!p1 $0x1082;
	[sflag:s4] =	ssyncset.s32 $0xFFFFF086  }
0x25: {  	[simem:s6], [sflag:s4] =	dma.local [hbm:s3], $0xF7A  }
0x26: {  	[smem:$0x3F99] =	sst s1;
	(tag) =	ssettag s2;
	_ =	strace s9  }
0x27: {  	s1 =	sld [smem:$0x3FA9]  }
0x28: {  	s2 =	sld [smem:$0x3FAA]  }
0x29: {  	s4 =	sld [smem:$0x3FAC]  }
0x2a: {  	p0 =	seq.s32 s5, $0x0;
	s5 =	sld [smem:$0x3FAD]  }
0x2b: {  	s6 =	sld [smem:$0x3FAE]  }
0x2c: {  	s7 =	sld [smem:$0x3FAF]  }
0x2d: {  	s3 =	simm.s32 $0x108;
	s8 =	sld [smem:$0x3FB0]  }
0x2e: {  	s3 =	simm.s32 @!p0 $0x1082;
	s9 =	sld [smem:$0x3FB1]  }
0x2f: {  	lr =	sadd.s32 s0, s3;
	s0 =	sld [smem:$0x3FA8]  }
0x30: {  	s3 =	sld [smem:$0x3FAB]  }
0x31: {  	[smem:$0x3FB4] =	sst s10  }
0x32: {  	s10 =	sld [smem:$0x3FB2];
	_ =	sdelay $0x3  }
0x33: {  	p0 =	seq.s32 s10, $0x1;
	s10 =	sld [smem:$0x3FB4];
	_ =	sdelay $0x3  }
0x34: {  	[smem:$0x3FB4] =	sst s10  }
0x35: {  	s10 =	sld [smem:$0x3FB3];
	_ =	sdelay $0x3  }
0x36: {  	p1 =	seq.s32 s10, $0x1;
	s10 =	sld [smem:$0x3FB4];
	_ =	sdelay $0x3  }
0x37: {  	[smem:$0x3FB4] =	sst s10  }
0x38: {  	s10 =	sld [smem:$0x3FB5]  }
0x39: {  	_ = 	snop;
	(pc) =	sbr.ind lr, $3  }
0x3a: {  	_ = 	snop  }
0x3b: {  	_ = 	snop  }
0x3c: {  	p2 =	seq.s32 s10, $0x1;
	s10 =	sld [smem:$0x3FB4]  }
0x3d: {  	_ =	shalt  }
0x3e: {  	_ =	shalt  }
0x3f: {  	_ =	shalt  }
0x40: {  	_ =	shalt  }
0x41: {  	_ =	shalt  }
0x42: {  	_ =	shalt  }
0x43: {  	_ =	shalt  }
0x44: {  	_ =	shalt  }
0x45: {  	_ =	shalt  }
0x46: {  	_ =	shalt  }
0x47: {  	_ =	shalt  }
0x48: {  	_ =	shalt  }
0x49: {  	_ =	shalt  }
0x4a: {  	_ =	shalt  }
0x4b: {  	_ =	shalt  }
0x4c: {  	_ =	shalt  }
0x4d: {  	_ =	shalt  }
0x4e: {  	_ =	shalt  }
0x4f: {  	_ =	shalt  }
0x50: {  	_ =	shalt  }
0x51: {  	_ =	shalt  }
0x52: {  	_ =	shalt  }
0x53: {  	_ =	shalt  }
0x54: {  	_ =	shalt  }
0x55: {  	_ =	shalt  }
0x56: {  	_ =	shalt  }
0x57: {  	_ =	shalt  }
0x58: {  	_ =	shalt  }
0x59: {  	_ =	shalt  }
0x5a: {  	_ =	shalt  }
0x5b: {  	_ =	shalt  }
0x5c: {  	_ =	shalt  }
0x5d: {  	_ =	shalt  }
0x5e: {  	_ =	shalt  }
0x5f: {  	_ =	shalt  }
0x60: {  	_ =	shalt  }
0x61: {  	_ =	shalt  }
0x62: {  	_ =	shalt  }
0x63: {  	_ =	shalt  }
0x64: {  	_ =	shalt  }
0x65: {  	_ =	shalt  }
0x66: {  	_ =	shalt  }
0x67: {  	_ =	shalt  }
0x68: {  	_ =	shalt  }
0x69: {  	_ =	shalt  }
0x6a: {  	_ =	shalt  }
0x6b: {  	_ =	shalt  }
0x6c: {  	_ =	shalt  }
0x6d: {  	_ =	shalt  }
0x6e: {  	_ =	shalt  }
0x6f: {  	_ =	shalt  }
0x70: {  	_ =	shalt  }
0x71: {  	_ =	shalt  }
0x72: {  	_ =	shalt  }
0x73: {  	_ =	shalt  }
0x74: {  	_ =	shalt  }
0x75: {  	_ =	shalt  }
0x76: {  	_ =	shalt  }
0x77: {  	_ =	shalt  }
0x78: {  	_ =	shalt  }
0x79: {  	_ =	shalt  }
0x7a: {  	_ =	shalt  }
0x7b: {  	_ =	shalt  }
0x7c: {  	_ =	shalt  }
0x7d: {  	_ =	shalt  }
0x7e: {  	_ =	shalt  }
0x7f: {  	_ =	shalt  }
0x80: {  	_ =	shalt  }
0x81: {  	_ =	shalt  }
0x82: {  	_ =	shalt  }
0x83: {  	_ =	shalt  }
0x84: {  	_ =	shalt  }
0x85: {  	_ =	shalt  }
0x86: {  	_ =	shalt  }
0x87: {  	_ =	shalt  }
.Lfunc_end0:
.L_simem_size_0:
called_computation_lowered:
.L_overlay_start_0:
0x88: {  	s2 =	sld [smem:$0x3FD9]  }
0x89: {  	s3 =	sld [smem:$0x3FFE];
	_ =	sdelay $0x1  }
0x8a: {  	s1 =	srdreg.scid  }
0x8b: {  	s0 =	sand.u32 $0x1, s1  }
0x8c: {  	s17 =	sshll.u32 s0, $0xA;
	s2 =	sadd.s32 s3, s2  }
0x8d: {  	s2 =	sadd.s32 s2, s17  }
0x8e: {  	[smem:$0x3FC0] =	sst s2  }
0x8f: {  	_ = 	snop  }
0x90: {  	s2 =	sld [smem:$0x3FD0];
	(tm) =	ssettm $0x1  }
0x91: {  	s18 =	sld [smem:$0x3FFB];
	_ =	sdelay $0x3  }
0x92: {  	_ =	strace s18  }
0x93: {  	s3 =	sld [smem:$0x3FFC];
	_ =	sdelay $0x3  }
0x94: {  	_ =	strace s3  }
0x95: {  	s3 =	sld [smem:$0x3FFD];
	_ =	sdelay $0x3  }
0x96: {  	_ =	strace s3  }
0x97: {  	_ =	strace $0x8FFFFFFF  }
0x98: {  	s19 =	sld [smem:$0x3FDB];
	_ =	sdelay $0x1  }
0x99: {  	s4 =	simm.s32 $_scs_section_size  }
0x9a: {  	s5 =	simm.s32 $_size__tile_overlayer_lowered;
	s6 =	simm.s32 $_tile_overlayer_lowered  }
0x9b: {  	s22 =	simm.s32 $0x1BFF;
	s21 =	sshll.u32 s6, $0x1;
	s3 =	sadd.s32 s4, s19  }
0x9c: {  	s7 =	simm.s32 $0x0;
	s20 =	sshll.u32 s5, $0x1;
	s5 =	sadd.s32 s21, s3  }
0x9d: {  	[timem:s7], [sflag:s22] =	dma.local [hbm:s5], s20  }
0x9e: {  	_ =	swait.ge [sflag:s22], s20  }
0x9f: {  	s4 =	ssub.s32 $0x0, s20;
	[sflag:s22] =	ssyncset.done $0x0  }
0xa0: {  	[sflag:s22] =	ssyncadd.s32 s4;
	_ =	sdelay $0x1  }
0xa1: {  	s23 =	simm.s32 $0x1B8B  }
0xa2: {  	_ =	swait.ge [sflag:s23], $0x1  }
0xa3: {  	[sflag:s23] =	ssyncset.done $0x0  }
0xa4: {  	s25 =	simm.s32 $0x1B8E;
	s24 =	sld [smem:$0x3FFE];
	[sflag:s23] =	ssyncadd.s32 $0xFFFFFFFF  }
0xa5: {  	s26 =	simm.s32 $execute0_lowered;
	[smem:$0x3FD2] =	sst s25  }
0xa6: {  	s5 =	sshll.u32 s26, $0x1;
	_ =	strace $0x80000046;
	[dreg:$0x1] =	wrdreg $0xFFFFFFFF  }
0xa7: {  	s28 =	simm.s32 $_size_execute0_lowered;
	s3 =	sadd.s32 s3, s5;
	[dreg:$0x0] =	wrdreg $0x0  }
0xa8: {  	s5 =	sshll.u32 s28, $0x1;
	[dreg:$0x2] =	wrdreg s3  }
0xa9: {  	[dreg:$0x3] =	wrdreg s5  }
0xaa: {  	[dreg:$0x4] =	wrdreg $0xC0  }
0xab: {  	_ =	task [dreg:s7], $0x5FFFF  }
0xac: {  	[dreg:$0x1] =	wrdreg $0xFFFFFFFF  }
0xad: {  	[dreg:$0x0] =	wrdreg $0x60  }
0xae: {  	[dreg:$0x2] =	wrdreg s2  }
0xaf: {  	[dreg:$0x3] =	wrdreg s24  }
0xb0: {  	[dreg:$0x4] =	wrdreg $0xA8000  }
0xb1: {  	[dreg:$0x5] =	wrdreg $0x9  }
0xb2: {  	_ =	task.clear_ibuf [dreg:s7], $0x6FFFF;
	_ =	strace $0x90000046  }
0xb3: {  	s29 =	simm.s32 $0x9;
	_ =	strace $0x80000048  }
0xb4: {  	_ =	swait.ge [sflag:s29], $0x1  }
0xb5: {  	[sflag:s29] =	ssyncadd.s32 $0xFFFFFFFF  }
0xb6: {  	_ =	strace $0x90000048  }
0xb7: {  	_ =	sfence  }
0xb8: {  	s30 =	sld [smem:$0x0];
	_ =	sdelay $0x2  }
0xb9: {  	s31 =	sshll.u32 s1, $0xD;
	s1 =	sshrl.u32 s1, $0x2  }
0xba: {  	s3 =	sand.u32 $0x4000, s31;
	s1 =	sadd.s32 s1, s30  }
0xbb: {  	s0 =	sor.u32 s3, s0;
	s1 =	sshll.u32 s1, $0x11  }
0xbc: {  	s0 =	sor.u32 s1, s0  }
0xbd: {  	s0 =	sadd.s32 $0x8F2B, s0  }
0xbe: {  	[sflag:s0] =	ssyncadd.remote.s32 $0x1  }
0xbf: {  	_ =	sfence.sel $0xFFFF  }
0xc0: {  	[dreg:$0x0] =	wrdreg $0xFFFFFFFF;
	(pc) =	sbr.abs _section_cstart, $3  }
0xc1: {  	[dreg:$0x1] =	wrdreg $0xFFFFFFFF  }
0xc2: {  	_ =	task.clear_ibuf [dreg:s7], $0x2FFFF;
	_ =	strace $0x9FFFFFFF  }
0xc3: {  	(tm) =	ssettm $0x7FFFFFFF  }
tec
execute0_lowered:
.L_overlay_start_1:
0x0: {  	(tag) =	ssettag $0x1  }
0x1: {  	s7 =	rddreg [dreg:$0x0]  }
0x2: {  	s6 =	rddreg [dreg:$0x1]  }
0x3: {  	s1 =	rddreg [dreg:$0x2]  }
0x4: {  	s2 =	srdreg.scid;
	s0 =	rddreg [dreg:$0x3]  }
0x5: {  	s3 =	simm.s32 $0x0;
	s15 =	simm.s32 $0x2800;
	s16 =	simm.s32 $0x6800  }
0x6: {  	s17 =	simm.s32 $0x80;
	s8 =	sand.u32 $0x1, s2;
	s2 =	stileid.u32  }
0x7: {  	s20 =	simm.s32 $0x0;
	[smem:$0x7FF] =	sst s3;
	s9 =	smul.u32 $0x13C000, s8  }
0x8: {  	s4 =	sadd.s32 $0x4000, s6;
	s5 =	sadd.s32 $0x3800, s6;
	s10 =	smul.u32 $0x13C00, s2  }
0x9: {  	_ =	strace $0x80000047;
	s31 =	sshll.u32 s8, $0x4;
	s8 =	ssub.s32 $0x2, s8  }
0xa: {  	s11 =	smul.u32 $0x4F000, s2;
	s18 =	sshll.u32 s2, $0x6;
	s12 =	sshrl.u32 s8, $0x1  }
0xb: {  	s18 =	sor.u32 $0x1C01, s18;
	s9 =	sadd.s32 s10, s9;
	s10 =	sor.u32 s2, s31  }
0xc: {  	s11 =	sshrl.u32 s11, $0x2;
	s9 =	sshrl.u32 s9, $0x3;
	s10 =	smul.u32 $0x500, s10  }
0xd: {  	s14 =	ssub.s32 s8, s12;
	s13 =	sadd.s32 s9, s6;
	s6 =	sadd.s32 s11, s1  }
0xe: {  	s7 =	sadd.s32 s7, s10;
	s8 =	sadd.s32 $0x4000, s6;
	s9 =	sadd.s32 $0x8000, s6  }
0xf: {  	s10 =	sadd.s32 $0xC000, s6;
	s11 =	sadd.s32 $0x10000, s6;
	s12 =	sadd.s32 $0x4800, s13  }
0x10: {  	s13 =	smax.u32 s14, $0x1;
	s14 =	simm.s32 $0x1;
	s19 =	sshrl.u32 s6, $0x3  }
.LBB2_1:
0x11: {  	[tilespmem:s3], [sflag:$0x1] =	stream.linear.gather [hbm4b:s7+s3], $0x2800, $0x38;
	[tilespmem:$0x1E400] =	vst v63  }
0x12: {  	_ =	swait.ge [sflag:s14], $0x2800  }
0x13: {  	[sflag:s14] =	ssyncset.done $0x0  }
0x14: {  	[sflag:s14] =	ssyncadd.s32 $0xFFFFD800  }
0x15: {  	[tilespmem:s15], [sflag:$0x1] =	stream.linear.gather [hbm4b:s4+s3], $0x4000, $0x38;
	[tilespmem:$0x1E400] =	vst v63  }
0x16: {  	_ =	swait.ge [sflag:s14], $0x4000  }
0x17: {  	[sflag:s14] =	ssyncset.done $0x0  }
0x18: {  	[sflag:s14] =	ssyncadd.s32 $0xFFFFC000  }
0x19: {  	[tilespmem:s16], [sflag:$0x1] =	stream.linear.gather [hbm4b:s5+s3], $0x4000, $0x38;
	[tilespmem:$0x1E400] =	vst v63  }
0x1a: {  	_ =	swait.ge [sflag:s14], $0x4000  }
0x1b: {  	[sflag:s14] =	ssyncset.done $0x0  }
0x1c: {  	[sflag:s14] =	ssyncadd.s32 $0xFFFFC000  }
0x1d: {  	[spmem:s6] =	stream.linear.scatter [tilespmem:s16], [sflag:$0x1], $0x4000, $0x38;
	[tilespmem:$0x1E400] =	vst v63  }
0x1e: {  	_ =	swait.ge [sflag:s14], $0x4000  }
0x1f: {  	[sflag:s14] =	ssyncset.done $0x0  }
0x20: {  	[sflag:s14] =	ssyncadd.s32 $0xFFFFC000  }
0x21: {  	[spmem:s8] =	stream.linear.scatter [tilespmem:s16], [sflag:$0x1], $0x4000, $0x38;
	[tilespmem:$0x1E400] =	vst v63  }
0x22: {  	_ =	swait.ge [sflag:s14], $0x4000  }
0x23: {  	[sflag:s14] =	ssyncset.done $0x0  }
0x24: {  	[sflag:s14] =	ssyncadd.s32 $0xFFFFC000  }
0x25: {  	[spmem:s9] =	stream.linear.scatter [tilespmem:s16], [sflag:$0x1], $0x4000, $0x38;
	[tilespmem:$0x1E400] =	vst v63  }
0x26: {  	_ =	swait.ge [sflag:s14], $0x4000  }
0x27: {  	[sflag:s14] =	ssyncset.done $0x0  }
0x28: {  	[sflag:s14] =	ssyncadd.s32 $0xFFFFC000  }
0x29: {  	[spmem:s10] =	stream.linear.scatter [tilespmem:s16], [sflag:$0x1], $0x4000, $0x38;
	[tilespmem:$0x1E400] =	vst v63  }
0x2a: {  	_ =	swait.ge [sflag:s14], $0x4000  }
0x2b: {  	[sflag:s14] =	ssyncset.done $0x0  }
0x2c: {  	[sflag:s14] =	ssyncadd.s32 $0xFFFFC000  }
0x2d: {  	[spmem:s11] =	stream.linear.scatter [tilespmem:s16], [sflag:$0x1], $0x3C00, $0x38;
	[tilespmem:$0x1E400] =	vst v63  }
0x2e: {  	_ =	swait.ge [sflag:s14], $0x3C00  }
0x2f: {  	[sflag:s14] =	ssyncset.done $0x0  }
0x30: {  	[sflag:s14] =	ssyncadd.s32 $0xFFFFC400  }
0x31: {  	s21 =	simm.s32 $0x0;
	[bflag:$0x0] =	sbarrier.arrive $0xFFFF  }
0x32: {  	[spmem:s1] =	stream.indirect.scatter.add.f32 [tilespmem:s15], [sflag:$0x1], $0x80, s21, s17, $0xb8;
	[tilespmem:$0x1E400] =	vst v63  }
0x33: {  	_ =	swait.ge [sflag:s14], $0x4000  }
0x34: {  	s21 =	simm.s32 $0x200;
	[sflag:s14] =	ssyncset.done $0x0  }
.LBB2_2:
0x35: {  	s22 =	sshra.s32 s21, $0x2;
	[sflag:s14] =	ssyncadd.s32 $0xFFFFC000;
	p0 =	sne.s32 s21, $0x9E00  }
0x36: {  	[spmem:s1] =	stream.indirect.scatter.add.f32 [tilespmem:s15], [sflag:$0x1], $0x80, s22, s17, $0xb8;
	[tilespmem:$0x1E400] =	vst v63  }
.Ltmp0:
0x37: {  	_ = 	snop;
	(pc) =	sbr.rel @p0 .LBB2_2-.Ltmp0, $4  }
0x38: {  	_ = 	snop  }
0x39: {  	s21 =	sadd.s32 $0x200, s21  }
0x3a: {  	_ =	swait.ge [sflag:s14], $0x4000  }
0x3b: {  	[sflag:s14] =	ssyncset.done $0x0  }
0x3c: {  	s20 =	sadd.s32 $0x1, s20  }
0x3d: {  	[sflag:s14] =	ssyncadd.s32 $0xFFFFC000;
	p0 =	sne.s32 s20, s13  }
.Ltmp1:
0x3e: {  	[bflag:$0x0] =	sbarrier.arrive $0xFFFF;
	(pc) =	sbr.rel @p0 .LBB2_1-.Ltmp1, $4  }
0x3f: {  	[hbm:s12], [sflag:s18] =	dma.local [spmem:s19], $0x2780  }
0x40: {  	_ =	swait.ge [sflag:s14], $0x2780  }
0x41: {  	[sflag:s14] =	ssyncset.done $0x0  }
0x42: {  	[sflag:s14] =	ssyncadd.s32 $0xFFFFD880  }
0x43: {  	_ =	sfence.sel $0x180000  }
0x44: {  	[bflag:$0x0] =	sbarrier.arrive $0xFFFF  }
0x45: {  	p0 =	sne.s32 s2, $0x0;
	_ =	strace $0x90000047  }
0x46: {  	s0 =	sadd.s32 @!p0 $0x100000, s0;
	[bflag:$0x2] =	sbarrier.arrive $0xFFFF  }
0x47: {  	[sflag:s0] =	ssyncadd.tile.s32 @!p0 $0x1;
	_ =	shalt  }
.Lfunc_end2:
_tile_overlayer_lowered:
.L_overlay_start_2:
0x48: {  	(tag) =	ssettag $0x2  }
0x49: {  	s0 =	rddreg [dreg:$0x0];
	s2 =	stileid.u32  }
0x4a: {  	s1 =	rddreg [dreg:$0x1];
	p0 =	sne.s32 s2, $0x0  }
0x4b: {  	s3 =	rddreg [dreg:$0x2];
	[bflag:$0x3] =	sbarrier.arrive $0xFFFF;
	s2 =	simm.s32 @!p0 $0x1C01  }
0x4c: {  	[timem:s3], [sflag:s2] =	dma.local @!p0 [hbm:s0], s1  }
0x4d: {  	s0 =	simm.s32 @!p0 $0x1  }
0x4e: {  	_ =	swait.ge @!p0 [sflag:s0], s1  }
0x4f: {  	s1 =	ssub.s32 @!p0 $0x0, s1;
	[sflag:s0] =	ssyncset.done @!p0 $0x0  }
0x50: {  	[sflag:s0] =	ssyncadd.s32 @!p0 s1  }
0x51: {  	[bflag:$0x3] =	sbarrier.arrive $0xFFFF  }
0x52: {  	_ =	shalt  }

// kernel: kernel.13.cloned.1.call-start
scs
__scs_entry_jumppad:
0x0: {  	(pc) =	sbr.rel $0x88, $3  }
0x1: {  	(tag) =	ssettag $0x0;
	lr =	simm.s32 $0x1  }
0x2: {  	[smem:$0x3F99] =	sst lr;
	_ =	strace $0xD0000000  }
0x3: {  	_ = 	snop  }
0x4: {  	_ = 	snop  }
0x5: {  	_ = 	snop  }
0x6: {  	_ = 	snop  }
0x7: {  	_ = 	snop  }
__scs_overlays_trampoline_lowered:
0x8: {  	[smem:$0x3FA8] =	sst s0  }
0x9: {  	[smem:$0x3FA9] =	sst s1  }
0xa: {  	[smem:$0x3FAA] =	sst s2  }
0xb: {  	[smem:$0x3FAB] =	sst s3  }
0xc: {  	[smem:$0x3FAC] =	sst s4  }
0xd: {  	[smem:$0x3FAD] =	sst s5  }
0xe: {  	[smem:$0x3FAE] =	sst s6  }
0xf: {  	[smem:$0x3FAF] =	sst s7  }
0x10: {  	[smem:$0x3FB0] =	sst s8  }
0x11: {  	[smem:$0x3FB1] =	sst s9;
	s0 =	simm.s32 @!p0 $0x0  }
0x12: {  	s1 =	sld [smem:$0x3F97];
	s0 =	simm.s32 @p0 $0x1  }
0x13: {  	[smem:$0x3FB2] =	sst s0;
	s0 =	simm.s32 @!p1 $0x0  }
0x14: {  	s2 =	sld [smem:$0x3F96];
	s0 =	simm.s32 @p1 $0x1  }
0x15: {  	[smem:$0x3FB3] =	sst s0;
	s0 =	simm.s32 @!p2 $0x0  }
0x16: {  	s3 =	sld [smem:$0x3FDB];
	s0 =	simm.s32 @p2 $0x1  }
0x17: {  	s4 =	simm.s32 $0x1BF5;
	[smem:$0x3FB5] =	sst s0  }
0x18: {  	s0 =	sld [smem:$0x3F98];
	_ =	swait.ge [sflag:s4], $0x0  }
0x19: {  	s7 =	sld [smem:$0x3F99]  }
0x1a: {  	s8 =	sadd.s32 $0xFFFFE003, lr  }
0x1b: {  	s9 =	sadd.s32 $0xFFFFFEF7, lr;
	s5 =	simm.s32 $0xFFFFFFFF;
	p2 =	slt.u32 s8, $0xFFFFF086  }
0x1c: {  	p1 =	slt.u32 s9, $0xF7A;
	s5 =	simm.s32 @!p2 $0x0  }
0x1d: {  	s5 =	simm.s32 @p1 $0x1;
	p0 =	seq.s32 s7, s2  }
0x1e: {  	s7 =	smul.u32 @!p0 $0xF7A, s2;
	p2 =	seq.s32 @!p0 s5, $0x0  }
0x1f: {  	s9 =	smul.u32 $0xF7A, s1;
	s8 =	simm.s32 @!p0 $0x1BF5;
	p2 =	por !p2, p0  }
0x20: {  	[sflag:s8] =	ssyncset.s32 @!p0 $0xFFFFF086;
	s6 =	sadd.s32 @!p0 s3, s7;
	s7 =	simm.s32 @!p0 $0x108  }
0x21: {  	s3 =	sadd.s32 s3, s9;
	s6 =	sadd.s32 @!p0 $0x88, s6;
	s7 =	simm.s32 @p2 $0x1082  }
0x22: {  	[simem:s7], [sflag:s8] =	dma.local @!p0 [hbm:s6], $0xF7A  }
0x23: {  	s9 =	sor.u32 $0xD0000000, s2;
	s6 =	simm.s32 $0x108;
	_ =	swait.ge @!p0 [sflag:s8], $0x0  }
0x24: {  	s3 =	sadd.s32 $0x88, s3;
	s6 =	simm.s32 @!p1 $0x1082;
	[sflag:s4] =	ssyncset.s32 $0xFFFFF086  }
0x25: {  	[simem:s6], [sflag:s4] =	dma.local [hbm:s3], $0xF7A  }
0x26: {  	[smem:$0x3F99] =	sst s1;
	(tag) =	ssettag s2;
	_ =	strace s9  }
0x27: {  	s1 =	sld [smem:$0x3FA9]  }
0x28: {  	s2 =	sld [smem:$0x3FAA]  }
0x29: {  	s4 =	sld [smem:$0x3FAC]  }
0x2a: {  	p0 =	seq.s32 s5, $0x0;
	s5 =	sld [smem:$0x3FAD]  }
0x2b: {  	s6 =	sld [smem:$0x3FAE]  }
0x2c: {  	s7 =	sld [smem:$0x3FAF]  }
0x2d: {  	s3 =	simm.s32 $0x108;
	s8 =	sld [smem:$0x3FB0]  }
0x2e: {  	s3 =	simm.s32 @!p0 $0x1082;
	s9 =	sld [smem:$0x3FB1]  }
0x2f: {  	lr =	sadd.s32 s0, s3;
	s0 =	sld [smem:$0x3FA8]  }
0x30: {  	s3 =	sld [smem:$0x3FAB]  }
0x31: {  	[smem:$0x3FB4] =	sst s10  }
0x32: {  	s10 =	sld [smem:$0x3FB2];
	_ =	sdelay $0x3  }
0x33: {  	p0 =	seq.s32 s10, $0x1;
	s10 =	sld [smem:$0x3FB4];
	_ =	sdelay $0x3  }
0x34: {  	[smem:$0x3FB4] =	sst s10  }
0x35: {  	s10 =	sld [smem:$0x3FB3];
	_ =	sdelay $0x3  }
0x36: {  	p1 =	seq.s32 s10, $0x1;
	s10 =	sld [smem:$0x3FB4];
	_ =	sdelay $0x3  }
0x37: {  	[smem:$0x3FB4] =	sst s10  }
0x38: {  	s10 =	sld [smem:$0x3FB5]  }
0x39: {  	_ = 	snop;
	(pc) =	sbr.ind lr, $3  }
0x3a: {  	_ = 	snop  }
0x3b: {  	_ = 	snop  }
0x3c: {  	p2 =	seq.s32 s10, $0x1;
	s10 =	sld [smem:$0x3FB4]  }
0x3d: {  	_ =	shalt  }
0x3e: {  	_ =	shalt  }
0x3f: {  	_ =	shalt  }
0x40: {  	_ =	shalt  }
0x41: {  	_ =	shalt  }
0x42: {  	_ =	shalt  }
0x43: {  	_ =	shalt  }
0x44: {  	_ =	shalt  }
0x45: {  	_ =	shalt  }
0x46: {  	_ =	shalt  }
0x47: {  	_ =	shalt  }
0x48: {  	_ =	shalt  }
0x49: {  	_ =	shalt  }
0x4a: {  	_ =	shalt  }
0x4b: {  	_ =	shalt  }
0x4c: {  	_ =	shalt  }
0x4d: {  	_ =	shalt  }
0x4e: {  	_ =	shalt  }
0x4f: {  	_ =	shalt  }
0x50: {  	_ =	shalt  }
0x51: {  	_ =	shalt  }
0x52: {  	_ =	shalt  }
0x53: {  	_ =	shalt  }
0x54: {  	_ =	shalt  }
0x55: {  	_ =	shalt  }
0x56: {  	_ =	shalt  }
0x57: {  	_ =	shalt  }
0x58: {  	_ =	shalt  }
0x59: {  	_ =	shalt  }
0x5a: {  	_ =	shalt  }
0x5b: {  	_ =	shalt  }
0x5c: {  	_ =	shalt  }
0x5d: {  	_ =	shalt  }
0x5e: {  	_ =	shalt  }
0x5f: {  	_ =	shalt  }
0x60: {  	_ =	shalt  }
0x61: {  	_ =	shalt  }
0x62: {  	_ =	shalt  }
0x63: {  	_ =	shalt  }
0x64: {  	_ =	shalt  }
0x65: {  	_ =	shalt  }
0x66: {  	_ =	shalt  }
0x67: {  	_ =	shalt  }
0x68: {  	_ =	shalt  }
0x69: {  	_ =	shalt  }
0x6a: {  	_ =	shalt  }
0x6b: {  	_ =	shalt  }
0x6c: {  	_ =	shalt  }
0x6d: {  	_ =	shalt  }
0x6e: {  	_ =	shalt  }
0x6f: {  	_ =	shalt  }
0x70: {  	_ =	shalt  }
0x71: {  	_ =	shalt  }
0x72: {  	_ =	shalt  }
0x73: {  	_ =	shalt  }
0x74: {  	_ =	shalt  }
0x75: {  	_ =	shalt  }
0x76: {  	_ =	shalt  }
0x77: {  	_ =	shalt  }
0x78: {  	_ =	shalt  }
0x79: {  	_ =	shalt  }
0x7a: {  	_ =	shalt  }
0x7b: {  	_ =	shalt  }
0x7c: {  	_ =	shalt  }
0x7d: {  	_ =	shalt  }
0x7e: {  	_ =	shalt  }
0x7f: {  	_ =	shalt  }
0x80: {  	_ =	shalt  }
0x81: {  	_ =	shalt  }
0x82: {  	_ =	shalt  }
0x83: {  	_ =	shalt  }
0x84: {  	_ =	shalt  }
0x85: {  	_ =	shalt  }
0x86: {  	_ =	shalt  }
0x87: {  	_ =	shalt  }
.Lfunc_end0:
.L_simem_size_0:
called_computation.1_lowered:
.L_overlay_start_0:
0x88: {  	s2 =	sld [smem:$0x3FD9]  }
0x89: {  	s3 =	sld [smem:$0x3FFE];
	_ =	sdelay $0x1  }
0x8a: {  	s1 =	srdreg.scid  }
0x8b: {  	s0 =	sand.u32 $0x1, s1  }
0x8c: {  	s17 =	sshll.u32 s0, $0xA;
	s2 =	sadd.s32 s3, s2  }
0x8d: {  	s2 =	sadd.s32 s2, s17  }
0x8e: {  	[smem:$0x3FC0] =	sst s2  }
0x8f: {  	_ = 	snop  }
0x90: {  	s2 =	sld [smem:$0x3FD0];
	(tm) =	ssettm $0x1  }
0x91: {  	s18 =	sld [smem:$0x3FFB];
	_ =	sdelay $0x3  }
0x92: {  	_ =	strace s18  }
0x93: {  	s3 =	sld [smem:$0x3FFC];
	_ =	sdelay $0x3  }
0x94: {  	_ =	strace s3  }
0x95: {  	s3 =	sld [smem:$0x3FFD];
	_ =	sdelay $0x3  }
0x96: {  	_ =	strace s3  }
0x97: {  	_ =	strace $0x8FFFFFFF  }
0x98: {  	s19 =	sld [smem:$0x3FDB];
	_ =	sdelay $0x1  }
0x99: {  	s4 =	simm.s32 $_scs_section_size  }
0x9a: {  	s5 =	simm.s32 $_size__tile_overlayer_lowered;
	s6 =	simm.s32 $_tile_overlayer_lowered  }
0x9b: {  	s22 =	simm.s32 $0x1BFF;
	s21 =	sshll.u32 s6, $0x1;
	s3 =	sadd.s32 s4, s19  }
0x9c: {  	s7 =	simm.s32 $0x0;
	s20 =	sshll.u32 s5, $0x1;
	s5 =	sadd.s32 s21, s3  }
0x9d: {  	[timem:s7], [sflag:s22] =	dma.local [hbm:s5], s20  }
0x9e: {  	_ =	swait.ge [sflag:s22], s20  }
0x9f: {  	s4 =	ssub.s32 $0x0, s20;
	[sflag:s22] =	ssyncset.done $0x0  }
0xa0: {  	[sflag:s22] =	ssyncadd.s32 s4;
	_ =	sdelay $0x1  }
0xa1: {  	s23 =	simm.s32 $0x1B8B  }
0xa2: {  	_ =	swait.ge [sflag:s23], $0x1  }
0xa3: {  	[sflag:s23] =	ssyncset.done $0x0  }
0xa4: {  	s25 =	simm.s32 $0x1B8E;
	s24 =	sld [smem:$0x3FFE];
	[sflag:s23] =	ssyncadd.s32 $0xFFFFFFFF  }
0xa5: {  	s26 =	simm.s32 $execute0_lowered;
	[smem:$0x3FD2] =	sst s25  }
0xa6: {  	s5 =	sshll.u32 s26, $0x1;
	_ =	strace $0x80000049;
	[dreg:$0x1] =	wrdreg $0xFFFFFFFF  }
0xa7: {  	s28 =	simm.s32 $_size_execute0_lowered;
	s3 =	sadd.s32 s3, s5;
	[dreg:$0x0] =	wrdreg $0x0  }
0xa8: {  	s5 =	sshll.u32 s28, $0x1;
	[dreg:$0x2] =	wrdreg s3  }
0xa9: {  	[dreg:$0x3] =	wrdreg s5  }
0xaa: {  	[dreg:$0x4] =	wrdreg $0xC0  }
0xab: {  	_ =	task [dreg:s7], $0x5FFFF  }
0xac: {  	[dreg:$0x1] =	wrdreg $0xFFFFFFFF  }
0xad: {  	[dreg:$0x0] =	wrdreg $0x60  }
0xae: {  	[dreg:$0x2] =	wrdreg s2  }
0xaf: {  	[dreg:$0x3] =	wrdreg s24  }
0xb0: {  	[dreg:$0x4] =	wrdreg $0xA8000  }
0xb1: {  	[dreg:$0x5] =	wrdreg $0x9  }
0xb2: {  	_ =	task.clear_ibuf [dreg:s7], $0x6FFFF;
	_ =	strace $0x90000049  }
0xb3: {  	s29 =	simm.s32 $0x9;
	_ =	strace $0x8000004B  }
0xb4: {  	_ =	swait.ge [sflag:s29], $0x1  }
0xb5: {  	[sflag:s29] =	ssyncadd.s32 $0xFFFFFFFF  }
0xb6: {  	_ =	strace $0x9000004B  }
0xb7: {  	_ =	sfence  }
0xb8: {  	s30 =	sld [smem:$0x0];
	_ =	sdelay $0x2  }
0xb9: {  	s31 =	sshll.u32 s1, $0xD;
	s1 =	sshrl.u32 s1, $0x2  }
0xba: {  	s3 =	sand.u32 $0x4000, s31;
	s1 =	sadd.s32 s1, s30  }
0xbb: {  	s0 =	sor.u32 s3, s0;
	s1 =	sshll.u32 s1, $0x11  }
0xbc: {  	s0 =	sor.u32 s1, s0  }
0xbd: {  	s0 =	sadd.s32 $0x8F2B, s0  }
0xbe: {  	[sflag:s0] =	ssyncadd.remote.s32 $0x1  }
0xbf: {  	_ =	sfence.sel $0xFFFF  }
0xc0: {  	[dreg:$0x0] =	wrdreg $0xFFFFFFFF;
	(pc) =	sbr.abs _section_cstart, $3  }
0xc1: {  	[dreg:$0x1] =	wrdreg $0xFFFFFFFF  }
0xc2: {  	_ =	task.clear_ibuf [dreg:s7], $0x2FFFF;
	_ =	strace $0x9FFFFFFF  }
0xc3: {  	(tm) =	ssettm $0x7FFFFFFF  }
tec
execute0_lowered:
.L_overlay_start_1:
0x0: {  	(tag) =	ssettag $0x1  }
0x1: {  	s2 =	rddreg [dreg:$0x0]  }
0x2: {  	s0 =	srdreg.scid;
	s7 =	rddreg [dreg:$0x1]  }
0x3: {  	s26 =	stileid.u32;
	s3 =	rddreg [dreg:$0x2];
	s4 =	simm.s32 $0x0  }
0x4: {  	s15 =	simm.s32 $0x2800;
	s16 =	simm.s32 $0x5;
	s17 =	simm.s32 $0x80  }
0x5: {  	s18 =	simm.s32 $0x6800;
	s19 =	simm.s32 $0x1;
	s20 =	simm.s32 $0x2  }
0x6: {  	s21 =	simm.s32 $0x3;
	s22 =	simm.s32 $0x4;
	s23 =	simm.s32 $0x2700  }
0x7: {  	s24 =	simm.s32 $0x2680;
	s28 =	simm.s32 $0x0;
	s9 =	smul.u32 $0x13C00, s26  }
0x8: {  	s6 =	sand.u32 $0x1, s0;
	[smem:$0x7FF] =	sst s4;
	s10 =	smul.u32 $0x4F000, s26  }
0x9: {  	s25 =	sshll.u32 s26, $0x6;
	s1 =	sshll.u32 s6, $0x4;
	s8 =	smul.u32 $0x13C000, s6  }
0xa: {  	_ =	strace $0x8000004A;
	s29 =	ssub.s32 $0x2, s6;
	s25 =	sor.u32 $0x1C05, s25  }
0xb: {  	s1 =	sor.u32 s26, s1;
	s30 =	sshrl.u32 s10, $0x2;
	s31 =	sshrl.u32 s29, $0x1  }
0xc: {  	s26 =	simm.s32 $0x2780;
	s5 =	smul.u32 $0x5000, s1;
	s8 =	sadd.s32 s9, s8  }
0xd: {  	s6 =	sadd.s32 s30, s3;
	s12 =	ssub.s32 s29, s31;
	s8 =	sshrl.u32 s8, $0x3  }
0xe: {  	s9 =	sadd.s32 $0xC000, s6;
	s10 =	sadd.s32 $0x10000, s6;
	s12 =	smax.u32 s12, $0x1  }
0xf: {  	s5 =	sshrl.u32 s5, $0x3;
	s11 =	sadd.s32 s8, s7;
	s8 =	sadd.s32 $0x8000, s6  }
0x10: {  	s14 =	sadd.s32 s5, s7;
	s5 =	sadd.s32 $0x3800, s7;
	s7 =	sadd.s32 $0x4000, s6  }
0x11: {  	s11 =	sadd.s32 $0x67800, s11;
	s13 =	sadd.s32 $0x53800, s14;
	s14 =	sadd.s32 $0x53D00, s14  }
.LBB2_1:
0x12: {  	[tilespmem:s15], [sflag:$0x5] =	stream.linear.gather [hbm4b:s5+s4], $0x4000, $0x38;
	[tilespmem:$0x1E400] =	vst v63  }
0x13: {  	_ =	swait.ge [sflag:s16], $0x4000  }
0x14: {  	[sflag:s16] =	ssyncset.done $0x0  }
0x15: {  	[sflag:s16] =	ssyncadd.s32 $0xFFFFC000  }
0x16: {  	[spmem:s6] =	stream.linear.scatter [tilespmem:s15], [sflag:$0x5], $0x4000, $0x38;
	[tilespmem:$0x1E400] =	vst v63  }
0x17: {  	_ =	swait.ge [sflag:s16], $0x4000  }
0x18: {  	[sflag:s16] =	ssyncset.done $0x0  }
0x19: {  	[sflag:s16] =	ssyncadd.s32 $0xFFFFC000  }
0x1a: {  	[spmem:s7] =	stream.linear.scatter [tilespmem:s15], [sflag:$0x5], $0x4000, $0x38;
	[tilespmem:$0x1E400] =	vst v63  }
0x1b: {  	_ =	swait.ge [sflag:s16], $0x4000  }
0x1c: {  	[sflag:s16] =	ssyncset.done $0x0  }
0x1d: {  	[sflag:s16] =	ssyncadd.s32 $0xFFFFC000  }
0x1e: {  	[spmem:s8] =	stream.linear.scatter [tilespmem:s15], [sflag:$0x5], $0x4000, $0x38;
	[tilespmem:$0x1E400] =	vst v63  }
0x1f: {  	_ =	swait.ge [sflag:s16], $0x4000  }
0x20: {  	[sflag:s16] =	ssyncset.done $0x0  }
0x21: {  	[sflag:s16] =	ssyncadd.s32 $0xFFFFC000  }
0x22: {  	[spmem:s9] =	stream.linear.scatter [tilespmem:s15], [sflag:$0x5], $0x4000, $0x38;
	[tilespmem:$0x1E400] =	vst v63  }
0x23: {  	_ =	swait.ge [sflag:s16], $0x4000  }
0x24: {  	[sflag:s16] =	ssyncset.done $0x0  }
0x25: {  	[sflag:s16] =	ssyncadd.s32 $0xFFFFC000  }
0x26: {  	[spmem:s10] =	stream.linear.scatter [tilespmem:s15], [sflag:$0x5], $0x3C00, $0x38;
	[tilespmem:$0x1E400] =	vst v63  }
0x27: {  	_ =	swait.ge [sflag:s16], $0x3C00  }
0x28: {  	[sflag:s16] =	ssyncset.done $0x0  }
0x29: {  	[sflag:s16] =	ssyncadd.s32 $0xFFFFC400  }
0x2a: {  	[bflag:$0x0] =	sbarrier.arrive $0xFFFF  }
0x2b: {  	[tilespmem:s4], [sflag:$0x5] =	stream.linear.gather [hbm4b:s13+s4], $0x2800, $0x38;
	[tilespmem:$0x1E400] =	vst v63  }
0x2c: {  	_ =	swait.ge [sflag:s16], $0x2800  }
0x2d: {  	[sflag:s16] =	ssyncset.done $0x0  }
0x2e: {  	[sflag:s16] =	ssyncadd.s32 $0xFFFFD800  }
0x2f: {  	[tilespmem:s15], [sflag:$0x1] =	stream.indirect.gather [hbm4b:s2+s17], $0x80, s4, s17, $0xb8;
	[tilespmem:$0x1E400] =	vst v63  }
0x30: {  	s29 =	simm.s32 $0x100  }
0x31: {  	[tilespmem:s18], [sflag:$0x2] =	stream.indirect.gather [hbm4b:s2+s17], $0x80, s29, s17, $0xb8;
	[tilespmem:$0x1E400] =	vst v63  }
0x32: {  	_ =	swait.ge [sflag:s19], $0x4000  }
0x33: {  	[sflag:s19] =	ssyncset.done $0x0  }
0x34: {  	s29 =	simm.s32 $0x80;
	[sflag:s19] =	ssyncadd.s32 $0xFFFFC000  }
0x35: {  	[spmem:s3] =	stream.indirect.scatter.add.f32 [tilespmem:s15], [sflag:$0x3], $0x80, s29, s17, $0xb8;
	[tilespmem:$0x1E400] =	vst v63  }
0x36: {  	_ =	swait.ge [sflag:s20], $0x4000  }
0x37: {  	[sflag:s20] =	ssyncset.done $0x0  }
0x38: {  	s29 =	simm.s32 $0x180;
	[sflag:s20] =	ssyncadd.s32 $0xFFFFC000  }
0x39: {  	[spmem:s3] =	stream.indirect.scatter.add.f32 [tilespmem:s18], [sflag:$0x4], $0x80, s29, s17, $0xb8;
	[tilespmem:$0x1E400] =	vst v63  }
0x3a: {  	_ =	swait.ge [sflag:s21], $0x4000  }
0x3b: {  	[sflag:s21] =	ssyncset.done $0x0  }
0x3c: {  	s29 =	simm.s32 $0x200;
	[sflag:s21] =	ssyncadd.s32 $0xFFFFC000  }
0x3d: {  	[tilespmem:s15], [sflag:$0x1] =	stream.indirect.gather [hbm4b:s2+s17], $0x80, s29, s17, $0xb8;
	[tilespmem:$0x1E400] =	vst v63  }
0x3e: {  	_ =	swait.ge [sflag:s22], $0x4000  }
0x3f: {  	s30 =	simm.s32 $0xFFFF7800;
	s29 =	simm.s32 $0xFFFFDC00;
	[sflag:s22] =	ssyncset.done $0x0  }
.LBB2_2:
0x40: {  	s31 =	sadd.s32 $0x2700, s29  }
0x41: {  	[sflag:s22] =	ssyncadd.s32 $0xFFFFC000;
	s1 =	smov.u32 s30;
	s0 =	sadd.s32 $0x800, s30  }
0x42: {  	[tilespmem:s18], [sflag:$0x2] =	stream.indirect.gather [hbm4b:s2+s17], $0x80, s31, s17, $0xb8;
	[tilespmem:$0x1E400] =	vst v63  }
0x43: {  	p0 =	sne.s32 s30, $0xFFFFF800;
	_ =	swait.ge [sflag:s19], $0x4000  }
0x44: {  	[sflag:s19] =	ssyncset.done $0x0  }
0x45: {  	s30 =	sadd.s32 $0x2680, s29;
	[sflag:s19] =	ssyncadd.s32 $0xFFFFC000  }
0x46: {  	[spmem:s3] =	stream.indirect.scatter.add.f32 [tilespmem:s15], [sflag:$0x3], $0x80, s30, s17, $0xb8;
	[tilespmem:$0x1E400] =	vst v63  }
0x47: {  	_ =	swait.ge [sflag:s20], $0x4000  }
0x48: {  	[sflag:s20] =	ssyncset.done $0x0  }
0x49: {  	s30 =	sadd.s32 $0x2780, s29;
	[sflag:s20] =	ssyncadd.s32 $0xFFFFC000  }
0x4a: {  	[spmem:s3] =	stream.indirect.scatter.add.f32 [tilespmem:s18], [sflag:$0x4], $0x80, s30, s17, $0xb8;
	[tilespmem:$0x1E400] =	vst v63  }
0x4b: {  	_ =	swait.ge [sflag:s21], $0x4000  }
.Ltmp0:
0x4c: {  	[sflag:s21] =	ssyncset.done $0x0;
	(pc) =	sbr.rel @p0 .LBB2_2-.Ltmp0, $4  }
0x4d: {  	s29 =	sadd.s32 $0x2800, s29;
	[sflag:s21] =	ssyncadd.s32 $0xFFFFC000  }
0x4e: {  	[tilespmem:s15], [sflag:$0x1] =	stream.indirect.gather [hbm4b:s2+s17], $0x80, s29, s17, $0xb8;
	[tilespmem:$0x1E400] =	vst v63  }
0x4f: {  	_ =	swait.ge [sflag:s22], $0x4000  }
0x50: {  	s30 =	smov.u32 s0;
	s29 =	sshra.s32 s1, $0x2;
	[sflag:s22] =	ssyncset.done $0x0  }
0x51: {  	s0 =	sadd.s32 $0x2700, s29;
	[sflag:s22] =	ssyncadd.s32 $0xFFFFC000  }
0x52: {  	[tilespmem:s18], [sflag:$0x2] =	stream.indirect.gather [hbm4b:s2+s17], $0x80, s0, s17, $0xb8;
	[tilespmem:$0x1E400] =	vst v63  }
0x53: {  	_ =	swait.ge [sflag:s19], $0x4000  }
0x54: {  	[sflag:s19] =	ssyncset.done $0x0  }
0x55: {  	s31 =	sadd.s32 $0x2680, s29;
	[sflag:s19] =	ssyncadd.s32 $0xFFFFC000  }
0x56: {  	[spmem:s3] =	stream.indirect.scatter.add.f32 [tilespmem:s15], [sflag:$0x3], $0x80, s31, s17, $0xb8;
	[tilespmem:$0x1E400] =	vst v63  }
0x57: {  	_ =	swait.ge [sflag:s20], $0x4000  }
0x58: {  	[sflag:s20] =	ssyncset.done $0x0  }
0x59: {  	s1 =	sadd.s32 $0x2780, s29;
	[sflag:s20] =	ssyncadd.s32 $0xFFFFC000  }
0x5a: {  	[spmem:s3] =	stream.indirect.scatter.add.f32 [tilespmem:s18], [sflag:$0x4], $0x80, s1, s17, $0xb8;
	[tilespmem:$0x1E400] =	vst v63  }
0x5b: {  	_ =	swait.ge [sflag:s21], $0x4000  }
0x5c: {  	[sflag:s21] =	ssyncset.done $0x0  }
0x5d: {  	s31 =	sadd.s32 $0x2800, s29;
	[sflag:s21] =	ssyncadd.s32 $0xFFFFC000  }
0x5e: {  	[tilespmem:s15], [sflag:$0x1] =	stream.indirect.gather [hbm4b:s2+s17], $0x80, s31, s17, $0xb8;
	[tilespmem:$0x1E400] =	vst v63  }
0x5f: {  	_ =	swait.ge [sflag:s22], $0x4000  }
0x60: {  	[sflag:s22] =	ssyncset.done $0x0  }
0x61: {  	[sflag:s22] =	ssyncadd.s32 $0xFFFFC000  }
0x62: {  	[tilespmem:s18], [sflag:$0x2] =	stream.indirect.gather [hbm4b:s2+s17], $0x80, s23, s17, $0xb8;
	[tilespmem:$0x1E400] =	vst v63  }
0x63: {  	_ =	swait.ge [sflag:s19], $0x4000  }
0x64: {  	[sflag:s19] =	ssyncset.done $0x0  }
0x65: {  	[sflag:s19] =	ssyncadd.s32 $0xFFFFC000  }
0x66: {  	[spmem:s3] =	stream.indirect.scatter.add.f32 [tilespmem:s15], [sflag:$0x3], $0x80, s24, s17, $0xb8;
	[tilespmem:$0x1E400] =	vst v63  }
0x67: {  	_ =	swait.ge [sflag:s20], $0x4000  }
0x68: {  	[sflag:s20] =	ssyncset.done $0x0  }
0x69: {  	[sflag:s20] =	ssyncadd.s32 $0xFFFFC000  }
0x6a: {  	[spmem:s3] =	stream.indirect.scatter.add.f32 [tilespmem:s18], [sflag:$0x4], $0x80, s26, s17, $0xb8;
	[tilespmem:$0x1E400] =	vst v63  }
0x6b: {  	_ =	swait.ge [sflag:s21], $0x4000  }
0x6c: {  	[sflag:s21] =	ssyncset.done $0x0  }
0x6d: {  	[sflag:s21] =	ssyncadd.s32 $0xFFFFC000  }
0x6e: {  	_ =	swait.ge [sflag:s22], $0x4000  }
0x6f: {  	[sflag:s22] =	ssyncset.done $0x0  }
0x70: {  	[sflag:s22] =	ssyncadd.s32 $0xFFFFC000  }
0x71: {  	[tilespmem:s4], [sflag:$0x5] =	stream.linear.gather [hbm4b:s14+s4], $0x2800, $0x38;
	[tilespmem:$0x1E400] =	vst v63  }
0x72: {  	_ =	swait.ge [sflag:s16], $0x2800  }
0x73: {  	[sflag:s16] =	ssyncset.done $0x0  }
0x74: {  	[sflag:s16] =	ssyncadd.s32 $0xFFFFD800  }
0x75: {  	[tilespmem:s15], [sflag:$0x1] =	stream.indirect.gather [hbm4b:s2+s17], $0x80, s4, s17, $0xb8;
	[tilespmem:$0x1E400] =	vst v63  }
0x76: {  	s1 =	simm.s32 $0x100  }
0x77: {  	[tilespmem:s18], [sflag:$0x2] =	stream.indirect.gather [hbm4b:s2+s17], $0x80, s1, s17, $0xb8;
	[tilespmem:$0x1E400] =	vst v63  }
0x78: {  	_ =	swait.ge [sflag:s19], $0x4000  }
0x79: {  	[sflag:s19] =	ssyncset.done $0x0  }
0x7a: {  	s31 =	simm.s32 $0x80;
	[sflag:s19] =	ssyncadd.s32 $0xFFFFC000  }
0x7b: {  	[spmem:s3] =	stream.indirect.scatter.add.f32 [tilespmem:s15], [sflag:$0x3], $0x80, s31, s17, $0xb8;
	[tilespmem:$0x1E400] =	vst v63  }
0x7c: {  	_ =	swait.ge [sflag:s20], $0x4000  }
0x7d: {  	[sflag:s20] =	ssyncset.done $0x0  }
0x7e: {  	s1 =	simm.s32 $0x180;
	[sflag:s20] =	ssyncadd.s32 $0xFFFFC000  }
0x7f: {  	[spmem:s3] =	stream.indirect.scatter.add.f32 [tilespmem:s18], [sflag:$0x4], $0x80, s1, s17, $0xb8;
	[tilespmem:$0x1E400] =	vst v63  }
0x80: {  	_ =	swait.ge [sflag:s21], $0x4000  }
0x81: {  	[sflag:s21] =	ssyncset.done $0x0  }
0x82: {  	s31 =	simm.s32 $0x200;
	[sflag:s21] =	ssyncadd.s32 $0xFFFFC000  }
0x83: {  	[tilespmem:s15], [sflag:$0x1] =	stream.indirect.gather [hbm4b:s2+s17], $0x80, s31, s17, $0xb8;
	[tilespmem:$0x1E400] =	vst v63  }
0x84: {  	_ =	swait.ge [sflag:s22], $0x4000  }
0x85: {  	s30 =	simm.s32 $0xFFFF7800;
	s29 =	simm.s32 $0xFFFFDC00;
	[sflag:s22] =	ssyncset.done $0x0  }
.LBB2_4:
0x86: {  	s0 =	sadd.s32 $0x2700, s29  }
0x87: {  	[sflag:s22] =	ssyncadd.s32 $0xFFFFC000;
	s1 =	smov.u32 s30;
	s31 =	sadd.s32 $0x800, s30  }
0x88: {  	[tilespmem:s18], [sflag:$0x2] =	stream.indirect.gather [hbm4b:s2+s17], $0x80, s0, s17, $0xb8;
	[tilespmem:$0x1E400] =	vst v63  }
0x89: {  	p0 =	sne.s32 s30, $0xFFFFF800;
	_ =	swait.ge [sflag:s19], $0x4000  }
0x8a: {  	[sflag:s19] =	ssyncset.done $0x0  }
0x8b: {  	s0 =	sadd.s32 $0x2680, s29;
	[sflag:s19] =	ssyncadd.s32 $0xFFFFC000  }
0x8c: {  	[spmem:s3] =	stream.indirect.scatter.add.f32 [tilespmem:s15], [sflag:$0x3], $0x80, s0, s17, $0xb8;
	[tilespmem:$0x1E400] =	vst v63  }
0x8d: {  	_ =	swait.ge [sflag:s20], $0x4000  }
0x8e: {  	[sflag:s20] =	ssyncset.done $0x0  }
0x8f: {  	s0 =	sadd.s32 $0x2780, s29;
	[sflag:s20] =	ssyncadd.s32 $0xFFFFC000  }
0x90: {  	[spmem:s3] =	stream.indirect.scatter.add.f32 [tilespmem:s18], [sflag:$0x4], $0x80, s0, s17, $0xb8;
	[tilespmem:$0x1E400] =	vst v63  }
0x91: {  	_ =	swait.ge [sflag:s21], $0x4000  }
.Ltmp1:
0x92: {  	[sflag:s21] =	ssyncset.done $0x0;
	(pc) =	sbr.rel @p0 .LBB2_4-.Ltmp1, $4  }
0x93: {  	s0 =	sadd.s32 $0x2800, s29;
	[sflag:s21] =	ssyncadd.s32 $0xFFFFC000  }
0x94: {  	[tilespmem:s15], [sflag:$0x1] =	stream.indirect.gather [hbm4b:s2+s17], $0x80, s0, s17, $0xb8;
	[tilespmem:$0x1E400] =	vst v63  }
0x95: {  	_ =	swait.ge [sflag:s22], $0x4000  }
0x96: {  	s30 =	smov.u32 s31;
	s29 =	sshra.s32 s1, $0x2;
	[sflag:s22] =	ssyncset.done $0x0  }
0x97: {  	s0 =	sadd.s32 $0x2700, s29;
	[sflag:s22] =	ssyncadd.s32 $0xFFFFC000  }
0x98: {  	[tilespmem:s18], [sflag:$0x2] =	stream.indirect.gather [hbm4b:s2+s17], $0x80, s0, s17, $0xb8;
	[tilespmem:$0x1E400] =	vst v63  }
0x99: {  	_ =	swait.ge [sflag:s19], $0x4000  }
0x9a: {  	[sflag:s19] =	ssyncset.done $0x0  }
0x9b: {  	s31 =	sadd.s32 $0x2680, s29;
	[sflag:s19] =	ssyncadd.s32 $0xFFFFC000  }
0x9c: {  	[spmem:s3] =	stream.indirect.scatter.add.f32 [tilespmem:s15], [sflag:$0x3], $0x80, s31, s17, $0xb8;
	[tilespmem:$0x1E400] =	vst v63  }
0x9d: {  	_ =	swait.ge [sflag:s20], $0x4000  }
0x9e: {  	[sflag:s20] =	ssyncset.done $0x0  }
0x9f: {  	s1 =	sadd.s32 $0x2780, s29;
	[sflag:s20] =	ssyncadd.s32 $0xFFFFC000  }
0xa0: {  	[spmem:s3] =	stream.indirect.scatter.add.f32 [tilespmem:s18], [sflag:$0x4], $0x80, s1, s17, $0xb8;
	[tilespmem:$0x1E400] =	vst v63  }
0xa1: {  	_ =	swait.ge [sflag:s21], $0x4000  }
0xa2: {  	[sflag:s21] =	ssyncset.done $0x0  }
0xa3: {  	s30 =	sadd.s32 $0x2800, s29;
	[sflag:s21] =	ssyncadd.s32 $0xFFFFC000  }
0xa4: {  	[tilespmem:s15], [sflag:$0x1] =	stream.indirect.gather [hbm4b:s2+s17], $0x80, s30, s17, $0xb8;
	[tilespmem:$0x1E400] =	vst v63  }
0xa5: {  	_ =	swait.ge [sflag:s22], $0x4000  }
0xa6: {  	[sflag:s22] =	ssyncset.done $0x0  }
0xa7: {  	[sflag:s22] =	ssyncadd.s32 $0xFFFFC000  }
0xa8: {  	[tilespmem:s18], [sflag:$0x2] =	stream.indirect.gather [hbm4b:s2+s17], $0x80, s23, s17, $0xb8;
	[tilespmem:$0x1E400] =	vst v63  }
0xa9: {  	_ =	swait.ge [sflag:s19], $0x4000  }
0xaa: {  	[sflag:s19] =	ssyncset.done $0x0  }
0xab: {  	[sflag:s19] =	ssyncadd.s32 $0xFFFFC000  }
0xac: {  	[spmem:s3] =	stream.indirect.scatter.add.f32 [tilespmem:s15], [sflag:$0x3], $0x80, s24, s17, $0xb8;
	[tilespmem:$0x1E400] =	vst v63  }
0xad: {  	_ =	swait.ge [sflag:s20], $0x4000  }
0xae: {  	[sflag:s20] =	ssyncset.done $0x0  }
0xaf: {  	[sflag:s20] =	ssyncadd.s32 $0xFFFFC000  }
0xb0: {  	[spmem:s3] =	stream.indirect.scatter.add.f32 [tilespmem:s18], [sflag:$0x4], $0x80, s26, s17, $0xb8;
	[tilespmem:$0x1E400] =	vst v63  }
0xb1: {  	_ =	swait.ge [sflag:s21], $0x4000  }
0xb2: {  	[sflag:s21] =	ssyncset.done $0x0  }
0xb3: {  	[sflag:s21] =	ssyncadd.s32 $0xFFFFC000  }
0xb4: {  	_ =	swait.ge [sflag:s22], $0x4000  }
0xb5: {  	s28 =	sadd.s32 $0x1, s28;
	[sflag:s22] =	ssyncset.done $0x0  }
0xb6: {  	p0 =	sne.s32 s28, s12;
	[sflag:s22] =	ssyncadd.s32 $0xFFFFC000  }
.Ltmp2:
0xb7: {  	s31 =	sshrl.u32 s6, $0x3;
	[bflag:$0x0] =	sbarrier.arrive $0xFFFF;
	(pc) =	sbr.rel @p0 .LBB2_1-.Ltmp2, $4  }
0xb8: {  	[hbm:s11], [sflag:s25] =	dma.local [spmem:s31], $0x2780  }
0xb9: {  	_ =	swait.ge [sflag:s16], $0x2780  }
0xba: {  	[sflag:s16] =	ssyncset.done $0x0  }
0xbb: {  	[sflag:s16] =	ssyncadd.s32 $0xFFFFD880  }
0xbc: {  	_ =	sfence.sel $0x180000  }
0xbd: {  	[bflag:$0x0] =	sbarrier.arrive $0xFFFF  }
0xbe: {  	_ =	strace $0x9000004A  }
0xbf: {  	s0 =	stileid.u32;
	[bflag:$0x2] =	sbarrier.arrive $0xFFFF  }
0xc0: {  	p0 =	sne.s32 s0, $0x0;
	s0 =	rddreg [dreg:$0x3]  }
0xc1: {  	s0 =	sadd.s32 @!p0 $0x100000, s0  }
0xc2: {  	[sflag:s0] =	ssyncadd.tile.s32 @!p0 $0x1;
	_ =	shalt  }
.Lfunc_end2:
_tile_overlayer_lowered:
.L_overlay_start_2:
0xc3: {  	(tag) =	ssettag $0x2  }
0xc4: {  	s0 =	rddreg [dreg:$0x0];
	s2 =	stileid.u32  }
0xc5: {  	s1 =	rddreg [dreg:$0x1];
	p0 =	sne.s32 s2, $0x0  }
0xc6: {  	s3 =	rddreg [dreg:$0x2];
	[bflag:$0x3] =	sbarrier.arrive $0xFFFF;
	s2 =	simm.s32 @!p0 $0x1C05  }
0xc7: {  	[timem:s3], [sflag:s2] =	dma.local @!p0 [hbm:s0], s1  }
0xc8: {  	s0 =	simm.s32 @!p0 $0x5  }
0xc9: {  	_ =	swait.ge @!p0 [sflag:s0], s1  }
0xca: {  	s1 =	ssub.s32 @!p0 $0x0, s1;
	[sflag:s0] =	ssyncset.done @!p0 $0x0  }
0xcb: {  	[sflag:s0] =	ssyncadd.s32 @!p0 s1  }
0xcc: {  	[bflag:$0x3] =	sbarrier.arrive $0xFFFF  }
0xcd: {  	_ =	shalt  }

// kernel: kernel.16.cloned.1.call-start
scs
__scs_entry_jumppad:
0x0: {  	(pc) =	sbr.rel $0x88, $3  }
0x1: {  	(tag) =	ssettag $0x0;
	lr =	simm.s32 $0x1  }
0x2: {  	[smem:$0x3F99] =	sst lr;
	_ =	strace $0xD0000000  }
0x3: {  	_ = 	snop  }
0x4: {  	_ = 	snop  }
0x5: {  	_ = 	snop  }
0x6: {  	_ = 	snop  }
0x7: {  	_ = 	snop  }
__scs_overlays_trampoline_lowered:
0x8: {  	[smem:$0x3FA8] =	sst s0  }
0x9: {  	[smem:$0x3FA9] =	sst s1  }
0xa: {  	[smem:$0x3FAA] =	sst s2  }
0xb: {  	[smem:$0x3FAB] =	sst s3  }
0xc: {  	[smem:$0x3FAC] =	sst s4  }
0xd: {  	[smem:$0x3FAD] =	sst s5  }
0xe: {  	[smem:$0x3FAE] =	sst s6  }
0xf: {  	[smem:$0x3FAF] =	sst s7  }
0x10: {  	[smem:$0x3FB0] =	sst s8  }
0x11: {  	[smem:$0x3FB1] =	sst s9;
	s0 =	simm.s32 @!p0 $0x0  }
0x12: {  	s1 =	sld [smem:$0x3F97];
	s0 =	simm.s32 @p0 $0x1  }
0x13: {  	[smem:$0x3FB2] =	sst s0;
	s0 =	simm.s32 @!p1 $0x0  }
0x14: {  	s2 =	sld [smem:$0x3F96];
	s0 =	simm.s32 @p1 $0x1  }
0x15: {  	[smem:$0x3FB3] =	sst s0;
	s0 =	simm.s32 @!p2 $0x0  }
0x16: {  	s3 =	sld [smem:$0x3FDB];
	s0 =	simm.s32 @p2 $0x1  }
0x17: {  	s4 =	simm.s32 $0x1BF5;
	[smem:$0x3FB5] =	sst s0  }
0x18: {  	s0 =	sld [smem:$0x3F98];
	_ =	swait.ge [sflag:s4], $0x0  }
0x19: {  	s7 =	sld [smem:$0x3F99]  }
0x1a: {  	s8 =	sadd.s32 $0xFFFFE003, lr  }
0x1b: {  	s9 =	sadd.s32 $0xFFFFFEF7, lr;
	s5 =	simm.s32 $0xFFFFFFFF;
	p2 =	slt.u32 s8, $0xFFFFF086  }
0x1c: {  	p1 =	slt.u32 s9, $0xF7A;
	s5 =	simm.s32 @!p2 $0x0  }
0x1d: {  	s5 =	simm.s32 @p1 $0x1;
	p0 =	seq.s32 s7, s2  }
0x1e: {  	s7 =	smul.u32 @!p0 $0xF7A, s2;
	p2 =	seq.s32 @!p0 s5, $0x0  }
0x1f: {  	s9 =	smul.u32 $0xF7A, s1;
	s8 =	simm.s32 @!p0 $0x1BF5;
	p2 =	por !p2, p0  }
0x20: {  	[sflag:s8] =	ssyncset.s32 @!p0 $0xFFFFF086;
	s6 =	sadd.s32 @!p0 s3, s7;
	s7 =	simm.s32 @!p0 $0x108  }
0x21: {  	s3 =	sadd.s32 s3, s9;
	s6 =	sadd.s32 @!p0 $0x88, s6;
	s7 =	simm.s32 @p2 $0x1082  }
0x22: {  	[simem:s7], [sflag:s8] =	dma.local @!p0 [hbm:s6], $0xF7A  }
0x23: {  	s9 =	sor.u32 $0xD0000000, s2;
	s6 =	simm.s32 $0x108;
	_ =	swait.ge @!p0 [sflag:s8], $0x0  }
0x24: {  	s3 =	sadd.s32 $0x88, s3;
	s6 =	simm.s32 @!p1 $0x1082;
	[sflag:s4] =	ssyncset.s32 $0xFFFFF086  }
0x25: {  	[simem:s6], [sflag:s4] =	dma.local [hbm:s3], $0xF7A  }
0x26: {  	[smem:$0x3F99] =	sst s1;
	(tag) =	ssettag s2;
	_ =	strace s9  }
0x27: {  	s1 =	sld [smem:$0x3FA9]  }
0x28: {  	s2 =	sld [smem:$0x3FAA]  }
0x29: {  	s4 =	sld [smem:$0x3FAC]  }
0x2a: {  	p0 =	seq.s32 s5, $0x0;
	s5 =	sld [smem:$0x3FAD]  }
0x2b: {  	s6 =	sld [smem:$0x3FAE]  }
0x2c: {  	s7 =	sld [smem:$0x3FAF]  }
0x2d: {  	s3 =	simm.s32 $0x108;
	s8 =	sld [smem:$0x3FB0]  }
0x2e: {  	s3 =	simm.s32 @!p0 $0x1082;
	s9 =	sld [smem:$0x3FB1]  }
0x2f: {  	lr =	sadd.s32 s0, s3;
	s0 =	sld [smem:$0x3FA8]  }
0x30: {  	s3 =	sld [smem:$0x3FAB]  }
0x31: {  	[smem:$0x3FB4] =	sst s10  }
0x32: {  	s10 =	sld [smem:$0x3FB2];
	_ =	sdelay $0x3  }
0x33: {  	p0 =	seq.s32 s10, $0x1;
	s10 =	sld [smem:$0x3FB4];
	_ =	sdelay $0x3  }
0x34: {  	[smem:$0x3FB4] =	sst s10  }
0x35: {  	s10 =	sld [smem:$0x3FB3];
	_ =	sdelay $0x3  }
0x36: {  	p1 =	seq.s32 s10, $0x1;
	s10 =	sld [smem:$0x3FB4];
	_ =	sdelay $0x3  }
0x37: {  	[smem:$0x3FB4] =	sst s10  }
0x38: {  	s10 =	sld [smem:$0x3FB5]  }
0x39: {  	_ = 	snop;
	(pc) =	sbr.ind lr, $3  }
0x3a: {  	_ = 	snop  }
0x3b: {  	_ = 	snop  }
0x3c: {  	p2 =	seq.s32 s10, $0x1;
	s10 =	sld [smem:$0x3FB4]  }
0x3d: {  	_ =	shalt  }
0x3e: {  	_ =	shalt  }
0x3f: {  	_ =	shalt  }
0x40: {  	_ =	shalt  }
0x41: {  	_ =	shalt  }
0x42: {  	_ =	shalt  }
0x43: {  	_ =	shalt  }
0x44: {  	_ =	shalt  }
0x45: {  	_ =	shalt  }
0x46: {  	_ =	shalt  }
0x47: {  	_ =	shalt  }
0x48: {  	_ =	shalt  }
0x49: {  	_ =	shalt  }
0x4a: {  	_ =	shalt  }
0x4b: {  	_ =	shalt  }
0x4c: {  	_ =	shalt  }
0x4d: {  	_ =	shalt  }
0x4e: {  	_ =	shalt  }
0x4f: {  	_ =	shalt  }
0x50: {  	_ =	shalt  }
0x51: {  	_ =	shalt  }
0x52: {  	_ =	shalt  }
0x53: {  	_ =	shalt  }
0x54: {  	_ =	shalt  }
0x55: {  	_ =	shalt  }
0x56: {  	_ =	shalt  }
0x57: {  	_ =	shalt  }
0x58: {  	_ =	shalt  }
0x59: {  	_ =	shalt  }
0x5a: {  	_ =	shalt  }
0x5b: {  	_ =	shalt  }
0x5c: {  	_ =	shalt  }
0x5d: {  	_ =	shalt  }
0x5e: {  	_ =	shalt  }
0x5f: {  	_ =	shalt  }
0x60: {  	_ =	shalt  }
0x61: {  	_ =	shalt  }
0x62: {  	_ =	shalt  }
0x63: {  	_ =	shalt  }
0x64: {  	_ =	shalt  }
0x65: {  	_ =	shalt  }
0x66: {  	_ =	shalt  }
0x67: {  	_ =	shalt  }
0x68: {  	_ =	shalt  }
0x69: {  	_ =	shalt  }
0x6a: {  	_ =	shalt  }
0x6b: {  	_ =	shalt  }
0x6c: {  	_ =	shalt  }
0x6d: {  	_ =	shalt  }
0x6e: {  	_ =	shalt  }
0x6f: {  	_ =	shalt  }
0x70: {  	_ =	shalt  }
0x71: {  	_ =	shalt  }
0x72: {  	_ =	shalt  }
0x73: {  	_ =	shalt  }
0x74: {  	_ =	shalt  }
0x75: {  	_ =	shalt  }
0x76: {  	_ =	shalt  }
0x77: {  	_ =	shalt  }
0x78: {  	_ =	shalt  }
0x79: {  	_ =	shalt  }
0x7a: {  	_ =	shalt  }
0x7b: {  	_ =	shalt  }
0x7c: {  	_ =	shalt  }
0x7d: {  	_ =	shalt  }
0x7e: {  	_ =	shalt  }
0x7f: {  	_ =	shalt  }
0x80: {  	_ =	shalt  }
0x81: {  	_ =	shalt  }
0x82: {  	_ =	shalt  }
0x83: {  	_ =	shalt  }
0x84: {  	_ =	shalt  }
0x85: {  	_ =	shalt  }
0x86: {  	_ =	shalt  }
0x87: {  	_ =	shalt  }
.Lfunc_end0:
.L_simem_size_0:
called_computation.2_lowered:
.L_overlay_start_0:
0x88: {  	s2 =	sld [smem:$0x3FD9]  }
0x89: {  	s3 =	sld [smem:$0x3FFE];
	_ =	sdelay $0x1  }
0x8a: {  	s1 =	srdreg.scid  }
0x8b: {  	s0 =	sand.u32 $0x1, s1  }
0x8c: {  	s17 =	sshll.u32 s0, $0xA;
	s2 =	sadd.s32 s3, s2  }
0x8d: {  	s2 =	sadd.s32 s2, s17  }
0x8e: {  	[smem:$0x3FC0] =	sst s2  }
0x8f: {  	_ = 	snop  }
0x90: {  	s2 =	sld [smem:$0x3FD0];
	(tm) =	ssettm $0x1  }
0x91: {  	s18 =	sld [smem:$0x3FFB];
	_ =	sdelay $0x3  }
0x92: {  	_ =	strace s18  }
0x93: {  	s3 =	sld [smem:$0x3FFC];
	_ =	sdelay $0x3  }
0x94: {  	_ =	strace s3  }
0x95: {  	s3 =	sld [smem:$0x3FFD];
	_ =	sdelay $0x3  }
0x96: {  	_ =	strace s3  }
0x97: {  	_ =	strace $0x8FFFFFFF  }
0x98: {  	s19 =	sld [smem:$0x3FDB];
	_ =	sdelay $0x1  }
0x99: {  	s4 =	simm.s32 $_scs_section_size  }
0x9a: {  	s5 =	simm.s32 $_size__tile_overlayer_lowered;
	s6 =	simm.s32 $_tile_overlayer_lowered  }
0x9b: {  	s22 =	simm.s32 $0x1BFF;
	s21 =	sshll.u32 s6, $0x1;
	s3 =	sadd.s32 s4, s19  }
0x9c: {  	s7 =	simm.s32 $0x0;
	s20 =	sshll.u32 s5, $0x1;
	s5 =	sadd.s32 s21, s3  }
0x9d: {  	[timem:s7], [sflag:s22] =	dma.local [hbm:s5], s20  }
0x9e: {  	_ =	swait.ge [sflag:s22], s20  }
0x9f: {  	s4 =	ssub.s32 $0x0, s20;
	[sflag:s22] =	ssyncset.done $0x0  }
0xa0: {  	[sflag:s22] =	ssyncadd.s32 s4;
	_ =	sdelay $0x1  }
0xa1: {  	s23 =	simm.s32 $0x1B8B  }
0xa2: {  	_ =	swait.ge [sflag:s23], $0x1  }
0xa3: {  	[sflag:s23] =	ssyncset.done $0x0  }
0xa4: {  	s25 =	simm.s32 $0x1B8E;
	s24 =	sld [smem:$0x3FFE];
	[sflag:s23] =	ssyncadd.s32 $0xFFFFFFFF  }
0xa5: {  	s26 =	simm.s32 $execute0_lowered;
	[smem:$0x3FD2] =	sst s25  }
0xa6: {  	s5 =	sshll.u32 s26, $0x1;
	_ =	strace $0x8000004C;
	[dreg:$0x1] =	wrdreg $0xFFFFFFFF  }
0xa7: {  	s28 =	simm.s32 $_size_execute0_lowered;
	s3 =	sadd.s32 s3, s5;
	[dreg:$0x0] =	wrdreg $0x0  }
0xa8: {  	s5 =	sshll.u32 s28, $0x1;
	[dreg:$0x2] =	wrdreg s3  }
0xa9: {  	[dreg:$0x3] =	wrdreg s5  }
0xaa: {  	[dreg:$0x4] =	wrdreg $0xC0  }
0xab: {  	_ =	task [dreg:s7], $0x5FFFF  }
0xac: {  	[dreg:$0x1] =	wrdreg $0xFFFFFFFF  }
0xad: {  	[dreg:$0x0] =	wrdreg $0x60  }
0xae: {  	[dreg:$0x2] =	wrdreg s2  }
0xaf: {  	[dreg:$0x3] =	wrdreg s24  }
0xb0: {  	[dreg:$0x4] =	wrdreg $0xA8000  }
0xb1: {  	[dreg:$0x5] =	wrdreg $0x9  }
0xb2: {  	_ =	task.clear_ibuf [dreg:s7], $0x6FFFF;
	_ =	strace $0x9000004C  }
0xb3: {  	s29 =	simm.s32 $0x9;
	_ =	strace $0x8000004E  }
0xb4: {  	_ =	swait.ge [sflag:s29], $0x1  }
0xb5: {  	[sflag:s29] =	ssyncadd.s32 $0xFFFFFFFF  }
0xb6: {  	_ =	strace $0x9000004E  }
0xb7: {  	_ =	sfence  }
0xb8: {  	s30 =	sld [smem:$0x0];
	_ =	sdelay $0x2  }
0xb9: {  	s31 =	sshll.u32 s1, $0xD;
	s1 =	sshrl.u32 s1, $0x2  }
0xba: {  	s3 =	sand.u32 $0x4000, s31;
	s1 =	sadd.s32 s1, s30  }
0xbb: {  	s0 =	sor.u32 s3, s0;
	s1 =	sshll.u32 s1, $0x11  }
0xbc: {  	s0 =	sor.u32 s1, s0  }
0xbd: {  	s0 =	sadd.s32 $0x8F2B, s0  }
0xbe: {  	[sflag:s0] =	ssyncadd.remote.s32 $0x1  }
0xbf: {  	_ =	sfence.sel $0xFFFF  }
0xc0: {  	[dreg:$0x0] =	wrdreg $0xFFFFFFFF;
	(pc) =	sbr.abs _section_cstart, $3  }
0xc1: {  	[dreg:$0x1] =	wrdreg $0xFFFFFFFF  }
0xc2: {  	_ =	task.clear_ibuf [dreg:s7], $0x2FFFF;
	_ =	strace $0x9FFFFFFF  }
0xc3: {  	(tm) =	ssettm $0x7FFFFFFF  }
tec
execute0_lowered:
.L_overlay_start_1:
0x0: {  	(tag) =	ssettag $0x1  }
0x1: {  	s2 =	rddreg [dreg:$0x0]  }
0x2: {  	s0 =	srdreg.scid;
	s7 =	rddreg [dreg:$0x1]  }
0x3: {  	s26 =	stileid.u32;
	s3 =	rddreg [dreg:$0x2];
	s4 =	simm.s32 $0x0  }
0x4: {  	s15 =	simm.s32 $0x2800;
	s16 =	simm.s32 $0x5;
	s17 =	simm.s32 $0x80  }
0x5: {  	s18 =	simm.s32 $0x6800;
	s19 =	simm.s32 $0x1;
	s20 =	simm.s32 $0x2  }
0x6: {  	s21 =	simm.s32 $0x3;
	s22 =	simm.s32 $0x4;
	s23 =	simm.s32 $0x2700  }
0x7: {  	s24 =	simm.s32 $0x2680;
	s28 =	simm.s32 $0x0;
	s9 =	smul.u32 $0x13C00, s26  }
0x8: {  	s6 =	sand.u32 $0x1, s0;
	[smem:$0x7FF] =	sst s4;
	s10 =	smul.u32 $0x4F000, s26  }
0x9: {  	s25 =	sshll.u32 s26, $0x6;
	s1 =	sshll.u32 s6, $0x4;
	s8 =	smul.u32 $0x13C000, s6  }
0xa: {  	_ =	strace $0x8000004D;
	s29 =	ssub.s32 $0x2, s6;
	s25 =	sor.u32 $0x1C05, s25  }
0xb: {  	s1 =	sor.u32 s26, s1;
	s30 =	sshrl.u32 s10, $0x2;
	s31 =	sshrl.u32 s29, $0x1  }
0xc: {  	s26 =	simm.s32 $0x2780;
	s5 =	smul.u32 $0x5000, s1;
	s8 =	sadd.s32 s9, s8  }
0xd: {  	s6 =	sadd.s32 s30, s3;
	s12 =	ssub.s32 s29, s31;
	s8 =	sshrl.u32 s8, $0x3  }
0xe: {  	s9 =	sadd.s32 $0xC000, s6;
	s10 =	sadd.s32 $0x10000, s6;
	s12 =	smax.u32 s12, $0x1  }
0xf: {  	s5 =	sshrl.u32 s5, $0x3;
	s11 =	sadd.s32 s8, s7;
	s8 =	sadd.s32 $0x8000, s6  }
0x10: {  	s14 =	sadd.s32 s5, s7;
	s5 =	sadd.s32 $0x3800, s7;
	s7 =	sadd.s32 $0x4000, s6  }
0x11: {  	s11 =	sadd.s32 $0x67800, s11;
	s13 =	sadd.s32 $0x53800, s14;
	s14 =	sadd.s32 $0x53D00, s14  }
.LBB2_1:
0x12: {  	[tilespmem:s15], [sflag:$0x5] =	stream.linear.gather [hbm4b:s5+s4], $0x4000, $0x38;
	[tilespmem:$0x1E400] =	vst v63  }
0x13: {  	_ =	swait.ge [sflag:s16], $0x4000  }
0x14: {  	[sflag:s16] =	ssyncset.done $0x0  }
0x15: {  	[sflag:s16] =	ssyncadd.s32 $0xFFFFC000  }
0x16: {  	[spmem:s6] =	stream.linear.scatter [tilespmem:s15], [sflag:$0x5], $0x4000, $0x38;
	[tilespmem:$0x1E400] =	vst v63  }
0x17: {  	_ =	swait.ge [sflag:s16], $0x4000  }
0x18: {  	[sflag:s16] =	ssyncset.done $0x0  }
0x19: {  	[sflag:s16] =	ssyncadd.s32 $0xFFFFC000  }
0x1a: {  	[spmem:s7] =	stream.linear.scatter [tilespmem:s15], [sflag:$0x5], $0x4000, $0x38;
	[tilespmem:$0x1E400] =	vst v63  }
0x1b: {  	_ =	swait.ge [sflag:s16], $0x4000  }
0x1c: {  	[sflag:s16] =	ssyncset.done $0x0  }
0x1d: {  	[sflag:s16] =	ssyncadd.s32 $0xFFFFC000  }
0x1e: {  	[spmem:s8] =	stream.linear.scatter [tilespmem:s15], [sflag:$0x5], $0x4000, $0x38;
	[tilespmem:$0x1E400] =	vst v63  }
0x1f: {  	_ =	swait.ge [sflag:s16], $0x4000  }
0x20: {  	[sflag:s16] =	ssyncset.done $0x0  }
0x21: {  	[sflag:s16] =	ssyncadd.s32 $0xFFFFC000  }
0x22: {  	[spmem:s9] =	stream.linear.scatter [tilespmem:s15], [sflag:$0x5], $0x4000, $0x38;
	[tilespmem:$0x1E400] =	vst v63  }
0x23: {  	_ =	swait.ge [sflag:s16], $0x4000  }
0x24: {  	[sflag:s16] =	ssyncset.done $0x0  }
0x25: {  	[sflag:s16] =	ssyncadd.s32 $0xFFFFC000  }
0x26: {  	[spmem:s10] =	stream.linear.scatter [tilespmem:s15], [sflag:$0x5], $0x3C00, $0x38;
	[tilespmem:$0x1E400] =	vst v63  }
0x27: {  	_ =	swait.ge [sflag:s16], $0x3C00  }
0x28: {  	[sflag:s16] =	ssyncset.done $0x0  }
0x29: {  	[sflag:s16] =	ssyncadd.s32 $0xFFFFC400  }
0x2a: {  	[bflag:$0x0] =	sbarrier.arrive $0xFFFF  }
0x2b: {  	[tilespmem:s4], [sflag:$0x5] =	stream.linear.gather [hbm4b:s13+s4], $0x2800, $0x38;
	[tilespmem:$0x1E400] =	vst v63  }
0x2c: {  	_ =	swait.ge [sflag:s16], $0x2800  }
0x2d: {  	[sflag:s16] =	ssyncset.done $0x0  }
0x2e: {  	[sflag:s16] =	ssyncadd.s32 $0xFFFFD800  }
0x2f: {  	[tilespmem:s15], [sflag:$0x1] =	stream.indirect.gather [hbm4b:s2+s17], $0x80, s4, s17, $0xb8;
	[tilespmem:$0x1E400] =	vst v63  }
0x30: {  	s29 =	simm.s32 $0x100  }
0x31: {  	[tilespmem:s18], [sflag:$0x2] =	stream.indirect.gather [hbm4b:s2+s17], $0x80, s29, s17, $0xb8;
	[tilespmem:$0x1E400] =	vst v63  }
0x32: {  	_ =	swait.ge [sflag:s19], $0x4000  }
0x33: {  	[sflag:s19] =	ssyncset.done $0x0  }
0x34: {  	s29 =	simm.s32 $0x80;
	[sflag:s19] =	ssyncadd.s32 $0xFFFFC000  }
0x35: {  	[spmem:s3] =	stream.indirect.scatter.add.f32 [tilespmem:s15], [sflag:$0x3], $0x80, s29, s17, $0xb8;
	[tilespmem:$0x1E400] =	vst v63  }
0x36: {  	_ =	swait.ge [sflag:s20], $0x4000  }
0x37: {  	[sflag:s20] =	ssyncset.done $0x0  }
0x38: {  	s29 =	simm.s32 $0x180;
	[sflag:s20] =	ssyncadd.s32 $0xFFFFC000  }
0x39: {  	[spmem:s3] =	stream.indirect.scatter.add.f32 [tilespmem:s18], [sflag:$0x4], $0x80, s29, s17, $0xb8;
	[tilespmem:$0x1E400] =	vst v63  }
0x3a: {  	_ =	swait.ge [sflag:s21], $0x4000  }
0x3b: {  	[sflag:s21] =	ssyncset.done $0x0  }
0x3c: {  	s29 =	simm.s32 $0x200;
	[sflag:s21] =	ssyncadd.s32 $0xFFFFC000  }
0x3d: {  	[tilespmem:s15], [sflag:$0x1] =	stream.indirect.gather [hbm4b:s2+s17], $0x80, s29, s17, $0xb8;
	[tilespmem:$0x1E400] =	vst v63  }
0x3e: {  	_ =	swait.ge [sflag:s22], $0x4000  }
0x3f: {  	s30 =	simm.s32 $0xFFFF7800;
	s29 =	simm.s32 $0xFFFFDC00;
	[sflag:s22] =	ssyncset.done $0x0  }
.LBB2_2:
0x40: {  	s31 =	sadd.s32 $0x2700, s29  }
0x41: {  	[sflag:s22] =	ssyncadd.s32 $0xFFFFC000;
	s1 =	smov.u32 s30;
	s0 =	sadd.s32 $0x800, s30  }
0x42: {  	[tilespmem:s18], [sflag:$0x2] =	stream.indirect.gather [hbm4b:s2+s17], $0x80, s31, s17, $0xb8;
	[tilespmem:$0x1E400] =	vst v63  }
0x43: {  	p0 =	sne.s32 s30, $0xFFFFF800;
	_ =	swait.ge [sflag:s19], $0x4000  }
0x44: {  	[sflag:s19] =	ssyncset.done $0x0  }
0x45: {  	s30 =	sadd.s32 $0x2680, s29;
	[sflag:s19] =	ssyncadd.s32 $0xFFFFC000  }
0x46: {  	[spmem:s3] =	stream.indirect.scatter.add.f32 [tilespmem:s15], [sflag:$0x3], $0x80, s30, s17, $0xb8;
	[tilespmem:$0x1E400] =	vst v63  }
0x47: {  	_ =	swait.ge [sflag:s20], $0x4000  }
0x48: {  	[sflag:s20] =	ssyncset.done $0x0  }
0x49: {  	s30 =	sadd.s32 $0x2780, s29;
	[sflag:s20] =	ssyncadd.s32 $0xFFFFC000  }
0x4a: {  	[spmem:s3] =	stream.indirect.scatter.add.f32 [tilespmem:s18], [sflag:$0x4], $0x80, s30, s17, $0xb8;
	[tilespmem:$0x1E400] =	vst v63  }
0x4b: {  	_ =	swait.ge [sflag:s21], $0x4000  }
.Ltmp0:
0x4c: {  	[sflag:s21] =	ssyncset.done $0x0;
	(pc) =	sbr.rel @p0 .LBB2_2-.Ltmp0, $4  }
0x4d: {  	s29 =	sadd.s32 $0x2800, s29;
	[sflag:s21] =	ssyncadd.s32 $0xFFFFC000  }
0x4e: {  	[tilespmem:s15], [sflag:$0x1] =	stream.indirect.gather [hbm4b:s2+s17], $0x80, s29, s17, $0xb8;
	[tilespmem:$0x1E400] =	vst v63  }
0x4f: {  	_ =	swait.ge [sflag:s22], $0x4000  }
0x50: {  	s30 =	smov.u32 s0;
	s29 =	sshra.s32 s1, $0x2;
	[sflag:s22] =	ssyncset.done $0x0  }
0x51: {  	s0 =	sadd.s32 $0x2700, s29;
	[sflag:s22] =	ssyncadd.s32 $0xFFFFC000  }
0x52: {  	[tilespmem:s18], [sflag:$0x2] =	stream.indirect.gather [hbm4b:s2+s17], $0x80, s0, s17, $0xb8;
	[tilespmem:$0x1E400] =	vst v63  }
0x53: {  	_ =	swait.ge [sflag:s19], $0x4000  }
0x54: {  	[sflag:s19] =	ssyncset.done $0x0  }
0x55: {  	s31 =	sadd.s32 $0x2680, s29;
	[sflag:s19] =	ssyncadd.s32 $0xFFFFC000  }
0x56: {  	[spmem:s3] =	stream.indirect.scatter.add.f32 [tilespmem:s15], [sflag:$0x3], $0x80, s31, s17, $0xb8;
	[tilespmem:$0x1E400] =	vst v63  }
0x57: {  	_ =	swait.ge [sflag:s20], $0x4000  }
0x58: {  	[sflag:s20] =	ssyncset.done $0x0  }
0x59: {  	s1 =	sadd.s32 $0x2780, s29;
	[sflag:s20] =	ssyncadd.s32 $0xFFFFC000  }
0x5a: {  	[spmem:s3] =	stream.indirect.scatter.add.f32 [tilespmem:s18], [sflag:$0x4], $0x80, s1, s17, $0xb8;
	[tilespmem:$0x1E400] =	vst v63  }
0x5b: {  	_ =	swait.ge [sflag:s21], $0x4000  }
0x5c: {  	[sflag:s21] =	ssyncset.done $0x0  }
0x5d: {  	s31 =	sadd.s32 $0x2800, s29;
	[sflag:s21] =	ssyncadd.s32 $0xFFFFC000  }
0x5e: {  	[tilespmem:s15], [sflag:$0x1] =	stream.indirect.gather [hbm4b:s2+s17], $0x80, s31, s17, $0xb8;
	[tilespmem:$0x1E400] =	vst v63  }
0x5f: {  	_ =	swait.ge [sflag:s22], $0x4000  }
0x60: {  	[sflag:s22] =	ssyncset.done $0x0  }
0x61: {  	[sflag:s22] =	ssyncadd.s32 $0xFFFFC000  }
0x62: {  	[tilespmem:s18], [sflag:$0x2] =	stream.indirect.gather [hbm4b:s2+s17], $0x80, s23, s17, $0xb8;
	[tilespmem:$0x1E400] =	vst v63  }
0x63: {  	_ =	swait.ge [sflag:s19], $0x4000  }
0x64: {  	[sflag:s19] =	ssyncset.done $0x0  }
0x65: {  	[sflag:s19] =	ssyncadd.s32 $0xFFFFC000  }
0x66: {  	[spmem:s3] =	stream.indirect.scatter.add.f32 [tilespmem:s15], [sflag:$0x3], $0x80, s24, s17, $0xb8;
	[tilespmem:$0x1E400] =	vst v63  }
0x67: {  	_ =	swait.ge [sflag:s20], $0x4000  }
0x68: {  	[sflag:s20] =	ssyncset.done $0x0  }
0x69: {  	[sflag:s20] =	ssyncadd.s32 $0xFFFFC000  }
0x6a: {  	[spmem:s3] =	stream.indirect.scatter.add.f32 [tilespmem:s18], [sflag:$0x4], $0x80, s26, s17, $0xb8;
	[tilespmem:$0x1E400] =	vst v63  }
0x6b: {  	_ =	swait.ge [sflag:s21], $0x4000  }
0x6c: {  	[sflag:s21] =	ssyncset.done $0x0  }
0x6d: {  	[sflag:s21] =	ssyncadd.s32 $0xFFFFC000  }
0x6e: {  	_ =	swait.ge [sflag:s22], $0x4000  }
0x6f: {  	[sflag:s22] =	ssyncset.done $0x0  }
0x70: {  	[sflag:s22] =	ssyncadd.s32 $0xFFFFC000  }
0x71: {  	[tilespmem:s4], [sflag:$0x5] =	stream.linear.gather [hbm4b:s14+s4], $0x2800, $0x38;
	[tilespmem:$0x1E400] =	vst v63  }
0x72: {  	_ =	swait.ge [sflag:s16], $0x2800  }
0x73: {  	[sflag:s16] =	ssyncset.done $0x0  }
0x74: {  	[sflag:s16] =	ssyncadd.s32 $0xFFFFD800  }
0x75: {  	[tilespmem:s15], [sflag:$0x1] =	stream.indirect.gather [hbm4b:s2+s17], $0x80, s4, s17, $0xb8;
	[tilespmem:$0x1E400] =	vst v63  }
0x76: {  	s1 =	simm.s32 $0x100  }
0x77: {  	[tilespmem:s18], [sflag:$0x2] =	stream.indirect.gather [hbm4b:s2+s17], $0x80, s1, s17, $0xb8;
	[tilespmem:$0x1E400] =	vst v63  }
0x78: {  	_ =	swait.ge [sflag:s19], $0x4000  }
0x79: {  	[sflag:s19] =	ssyncset.done $0x0  }
0x7a: {  	s31 =	simm.s32 $0x80;
	[sflag:s19] =	ssyncadd.s32 $0xFFFFC000  }
0x7b: {  	[spmem:s3] =	stream.indirect.scatter.add.f32 [tilespmem:s15], [sflag:$0x3], $0x80, s31, s17, $0xb8;
	[tilespmem:$0x1E400] =	vst v63  }
0x7c: {  	_ =	swait.ge [sflag:s20], $0x4000  }
0x7d: {  	[sflag:s20] =	ssyncset.done $0x0  }
0x7e: {  	s1 =	simm.s32 $0x180;
	[sflag:s20] =	ssyncadd.s32 $0xFFFFC000  }
0x7f: {  	[spmem:s3] =	stream.indirect.scatter.add.f32 [tilespmem:s18], [sflag:$0x4], $0x80, s1, s17, $0xb8;
	[tilespmem:$0x1E400] =	vst v63  }
0x80: {  	_ =	swait.ge [sflag:s21], $0x4000  }
0x81: {  	[sflag:s21] =	ssyncset.done $0x0  }
0x82: {  	s31 =	simm.s32 $0x200;
	[sflag:s21] =	ssyncadd.s32 $0xFFFFC000  }
0x83: {  	[tilespmem:s15], [sflag:$0x1] =	stream.indirect.gather [hbm4b:s2+s17], $0x80, s31, s17, $0xb8;
	[tilespmem:$0x1E400] =	vst v63  }
0x84: {  	_ =	swait.ge [sflag:s22], $0x4000  }
0x85: {  	s30 =	simm.s32 $0xFFFF7800;
	s29 =	simm.s32 $0xFFFFDC00;
	[sflag:s22] =	ssyncset.done $0x0  }
.LBB2_4:
0x86: {  	s0 =	sadd.s32 $0x2700, s29  }
0x87: {  	[sflag:s22] =	ssyncadd.s32 $0xFFFFC000;
	s1 =	smov.u32 s30;
	s31 =	sadd.s32 $0x800, s30  }
0x88: {  	[tilespmem:s18], [sflag:$0x2] =	stream.indirect.gather [hbm4b:s2+s17], $0x80, s0, s17, $0xb8;
	[tilespmem:$0x1E400] =	vst v63  }
0x89: {  	p0 =	sne.s32 s30, $0xFFFFF800;
	_ =	swait.ge [sflag:s19], $0x4000  }
0x8a: {  	[sflag:s19] =	ssyncset.done $0x0  }
0x8b: {  	s0 =	sadd.s32 $0x2680, s29;
	[sflag:s19] =	ssyncadd.s32 $0xFFFFC000  }
0x8c: {  	[spmem:s3] =	stream.indirect.scatter.add.f32 [tilespmem:s15], [sflag:$0x3], $0x80, s0, s17, $0xb8;
	[tilespmem:$0x1E400] =	vst v63  }
0x8d: {  	_ =	swait.ge [sflag:s20], $0x4000  }
0x8e: {  	[sflag:s20] =	ssyncset.done $0x0  }
0x8f: {  	s0 =	sadd.s32 $0x2780, s29;
	[sflag:s20] =	ssyncadd.s32 $0xFFFFC000  }
0x90: {  	[spmem:s3] =	stream.indirect.scatter.add.f32 [tilespmem:s18], [sflag:$0x4], $0x80, s0, s17, $0xb8;
	[tilespmem:$0x1E400] =	vst v63  }
0x91: {  	_ =	swait.ge [sflag:s21], $0x4000  }
.Ltmp1:
0x92: {  	[sflag:s21] =	ssyncset.done $0x0;
	(pc) =	sbr.rel @p0 .LBB2_4-.Ltmp1, $4  }
0x93: {  	s0 =	sadd.s32 $0x2800, s29;
	[sflag:s21] =	ssyncadd.s32 $0xFFFFC000  }
0x94: {  	[tilespmem:s15], [sflag:$0x1] =	stream.indirect.gather [hbm4b:s2+s17], $0x80, s0, s17, $0xb8;
	[tilespmem:$0x1E400] =	vst v63  }
0x95: {  	_ =	swait.ge [sflag:s22], $0x4000  }
0x96: {  	s30 =	smov.u32 s31;
	s29 =	sshra.s32 s1, $0x2;
	[sflag:s22] =	ssyncset.done $0x0  }
0x97: {  	s0 =	sadd.s32 $0x2700, s29;
	[sflag:s22] =	ssyncadd.s32 $0xFFFFC000  }
0x98: {  	[tilespmem:s18], [sflag:$0x2] =	stream.indirect.gather [hbm4b:s2+s17], $0x80, s0, s17, $0xb8;
	[tilespmem:$0x1E400] =	vst v63  }
0x99: {  	_ =	swait.ge [sflag:s19], $0x4000  }
0x9a: {  	[sflag:s19] =	ssyncset.done $0x0  }
0x9b: {  	s31 =	sadd.s32 $0x2680, s29;
	[sflag:s19] =	ssyncadd.s32 $0xFFFFC000  }
0x9c: {  	[spmem:s3] =	stream.indirect.scatter.add.f32 [tilespmem:s15], [sflag:$0x3], $0x80, s31, s17, $0xb8;
	[tilespmem:$0x1E400] =	vst v63  }
0x9d: {  	_ =	swait.ge [sflag:s20], $0x4000  }
0x9e: {  	[sflag:s20] =	ssyncset.done $0x0  }
0x9f: {  	s1 =	sadd.s32 $0x2780, s29;
	[sflag:s20] =	ssyncadd.s32 $0xFFFFC000  }
0xa0: {  	[spmem:s3] =	stream.indirect.scatter.add.f32 [tilespmem:s18], [sflag:$0x4], $0x80, s1, s17, $0xb8;
	[tilespmem:$0x1E400] =	vst v63  }
0xa1: {  	_ =	swait.ge [sflag:s21], $0x4000  }
0xa2: {  	[sflag:s21] =	ssyncset.done $0x0  }
0xa3: {  	s30 =	sadd.s32 $0x2800, s29;
	[sflag:s21] =	ssyncadd.s32 $0xFFFFC000  }
0xa4: {  	[tilespmem:s15], [sflag:$0x1] =	stream.indirect.gather [hbm4b:s2+s17], $0x80, s30, s17, $0xb8;
	[tilespmem:$0x1E400] =	vst v63  }
0xa5: {  	_ =	swait.ge [sflag:s22], $0x4000  }
0xa6: {  	[sflag:s22] =	ssyncset.done $0x0  }
0xa7: {  	[sflag:s22] =	ssyncadd.s32 $0xFFFFC000  }
0xa8: {  	[tilespmem:s18], [sflag:$0x2] =	stream.indirect.gather [hbm4b:s2+s17], $0x80, s23, s17, $0xb8;
	[tilespmem:$0x1E400] =	vst v63  }
0xa9: {  	_ =	swait.ge [sflag:s19], $0x4000  }
0xaa: {  	[sflag:s19] =	ssyncset.done $0x0  }
0xab: {  	[sflag:s19] =	ssyncadd.s32 $0xFFFFC000  }
0xac: {  	[spmem:s3] =	stream.indirect.scatter.add.f32 [tilespmem:s15], [sflag:$0x3], $0x80, s24, s17, $0xb8;
	[tilespmem:$0x1E400] =	vst v63  }
0xad: {  	_ =	swait.ge [sflag:s20], $0x4000  }
0xae: {  	[sflag:s20] =	ssyncset.done $0x0  }
0xaf: {  	[sflag:s20] =	ssyncadd.s32 $0xFFFFC000  }
0xb0: {  	[spmem:s3] =	stream.indirect.scatter.add.f32 [tilespmem:s18], [sflag:$0x4], $0x80, s26, s17, $0xb8;
	[tilespmem:$0x1E400] =	vst v63  }
0xb1: {  	_ =	swait.ge [sflag:s21], $0x4000  }
0xb2: {  	[sflag:s21] =	ssyncset.done $0x0  }
0xb3: {  	[sflag:s21] =	ssyncadd.s32 $0xFFFFC000  }
0xb4: {  	_ =	swait.ge [sflag:s22], $0x4000  }
0xb5: {  	s28 =	sadd.s32 $0x1, s28;
	[sflag:s22] =	ssyncset.done $0x0  }
0xb6: {  	p0 =	sne.s32 s28, s12;
	[sflag:s22] =	ssyncadd.s32 $0xFFFFC000  }
.Ltmp2:
0xb7: {  	s31 =	sshrl.u32 s6, $0x3;
	[bflag:$0x0] =	sbarrier.arrive $0xFFFF;
	(pc) =	sbr.rel @p0 .LBB2_1-.Ltmp2, $4  }
0xb8: {  	[hbm:s11], [sflag:s25] =	dma.local [spmem:s31], $0x2780  }
0xb9: {  	_ =	swait.ge [sflag:s16], $0x2780  }
0xba: {  	[sflag:s16] =	ssyncset.done $0x0  }
0xbb: {  	[sflag:s16] =	ssyncadd.s32 $0xFFFFD880  }
0xbc: {  	_ =	sfence.sel $0x180000  }
0xbd: {  	[bflag:$0x0] =	sbarrier.arrive $0xFFFF  }
0xbe: {  	_ =	strace $0x9000004D  }
0xbf: {  	s0 =	stileid.u32;
	[bflag:$0x2] =	sbarrier.arrive $0xFFFF  }
0xc0: {  	p0 =	sne.s32 s0, $0x0;
	s0 =	rddreg [dreg:$0x3]  }
0xc1: {  	s0 =	sadd.s32 @!p0 $0x100000, s0  }
0xc2: {  	[sflag:s0] =	ssyncadd.tile.s32 @!p0 $0x1;
	_ =	shalt  }
.Lfunc_end2:
_tile_overlayer_lowered:
.L_overlay_start_2:
0xc3: {  	(tag) =	ssettag $0x2  }
0xc4: {  	s0 =	rddreg [dreg:$0x0];
	s2 =	stileid.u32  }
0xc5: {  	s1 =	rddreg [dreg:$0x1];
	p0 =	sne.s32 s2, $0x0  }
0xc6: {  	s3 =	rddreg [dreg:$0x2];
	[bflag:$0x3] =	sbarrier.arrive $0xFFFF;
	s2 =	simm.s32 @!p0 $0x1C05  }
0xc7: {  	[timem:s3], [sflag:s2] =	dma.local @!p0 [hbm:s0], s1  }
0xc8: {  	s0 =	simm.s32 @!p0 $0x5  }
0xc9: {  	_ =	swait.ge @!p0 [sflag:s0], s1  }
0xca: {  	s1 =	ssub.s32 @!p0 $0x0, s1;
	[sflag:s0] =	ssyncset.done @!p0 $0x0  }
0xcb: {  	[sflag:s0] =	ssyncadd.s32 @!p0 s1  }
0xcc: {  	[bflag:$0x3] =	sbarrier.arrive $0xFFFF  }
0xcd: {  	_ =	shalt  }

// kernel: kernel.19.cloned.1.call-start
scs
__scs_entry_jumppad:
0x0: {  	(pc) =	sbr.rel $0x88, $3  }
0x1: {  	(tag) =	ssettag $0x0;
	lr =	simm.s32 $0x1  }
0x2: {  	[smem:$0x3F99] =	sst lr;
	_ =	strace $0xD0000000  }
0x3: {  	_ = 	snop  }
0x4: {  	_ = 	snop  }
0x5: {  	_ = 	snop  }
0x6: {  	_ = 	snop  }
0x7: {  	_ = 	snop  }
__scs_overlays_trampoline_lowered:
0x8: {  	[smem:$0x3FA8] =	sst s0  }
0x9: {  	[smem:$0x3FA9] =	sst s1  }
0xa: {  	[smem:$0x3FAA] =	sst s2  }
0xb: {  	[smem:$0x3FAB] =	sst s3  }
0xc: {  	[smem:$0x3FAC] =	sst s4  }
0xd: {  	[smem:$0x3FAD] =	sst s5  }
0xe: {  	[smem:$0x3FAE] =	sst s6  }
0xf: {  	[smem:$0x3FAF] =	sst s7  }
0x10: {  	[smem:$0x3FB0] =	sst s8  }
0x11: {  	[smem:$0x3FB1] =	sst s9;
	s0 =	simm.s32 @!p0 $0x0  }
0x12: {  	s1 =	sld [smem:$0x3F97];
	s0 =	simm.s32 @p0 $0x1  }
0x13: {  	[smem:$0x3FB2] =	sst s0;
	s0 =	simm.s32 @!p1 $0x0  }
0x14: {  	s2 =	sld [smem:$0x3F96];
	s0 =	simm.s32 @p1 $0x1  }
0x15: {  	[smem:$0x3FB3] =	sst s0;
	s0 =	simm.s32 @!p2 $0x0  }
0x16: {  	s3 =	sld [smem:$0x3FDB];
	s0 =	simm.s32 @p2 $0x1  }
0x17: {  	s4 =	simm.s32 $0x1BF5;
	[smem:$0x3FB5] =	sst s0  }
0x18: {  	s0 =	sld [smem:$0x3F98];
	_ =	swait.ge [sflag:s4], $0x0  }
0x19: {  	s7 =	sld [smem:$0x3F99]  }
0x1a: {  	s8 =	sadd.s32 $0xFFFFE003, lr  }
0x1b: {  	s9 =	sadd.s32 $0xFFFFFEF7, lr;
	s5 =	simm.s32 $0xFFFFFFFF;
	p2 =	slt.u32 s8, $0xFFFFF086  }
0x1c: {  	p1 =	slt.u32 s9, $0xF7A;
	s5 =	simm.s32 @!p2 $0x0  }
0x1d: {  	s5 =	simm.s32 @p1 $0x1;
	p0 =	seq.s32 s7, s2  }
0x1e: {  	s7 =	smul.u32 @!p0 $0xF7A, s2;
	p2 =	seq.s32 @!p0 s5, $0x0  }
0x1f: {  	s9 =	smul.u32 $0xF7A, s1;
	s8 =	simm.s32 @!p0 $0x1BF5;
	p2 =	por !p2, p0  }
0x20: {  	[sflag:s8] =	ssyncset.s32 @!p0 $0xFFFFF086;
	s6 =	sadd.s32 @!p0 s3, s7;
	s7 =	simm.s32 @!p0 $0x108  }
0x21: {  	s3 =	sadd.s32 s3, s9;
	s6 =	sadd.s32 @!p0 $0x88, s6;
	s7 =	simm.s32 @p2 $0x1082  }
0x22: {  	[simem:s7], [sflag:s8] =	dma.local @!p0 [hbm:s6], $0xF7A  }
0x23: {  	s9 =	sor.u32 $0xD0000000, s2;
	s6 =	simm.s32 $0x108;
	_ =	swait.ge @!p0 [sflag:s8], $0x0  }
0x24: {  	s3 =	sadd.s32 $0x88, s3;
	s6 =	simm.s32 @!p1 $0x1082;
	[sflag:s4] =	ssyncset.s32 $0xFFFFF086  }
0x25: {  	[simem:s6], [sflag:s4] =	dma.local [hbm:s3], $0xF7A  }
0x26: {  	[smem:$0x3F99] =	sst s1;
	(tag) =	ssettag s2;
	_ =	strace s9  }
0x27: {  	s1 =	sld [smem:$0x3FA9]  }
0x28: {  	s2 =	sld [smem:$0x3FAA]  }
0x29: {  	s4 =	sld [smem:$0x3FAC]  }
0x2a: {  	p0 =	seq.s32 s5, $0x0;
	s5 =	sld [smem:$0x3FAD]  }
0x2b: {  	s6 =	sld [smem:$0x3FAE]  }
0x2c: {  	s7 =	sld [smem:$0x3FAF]  }
0x2d: {  	s3 =	simm.s32 $0x108;
	s8 =	sld [smem:$0x3FB0]  }
0x2e: {  	s3 =	simm.s32 @!p0 $0x1082;
	s9 =	sld [smem:$0x3FB1]  }
0x2f: {  	lr =	sadd.s32 s0, s3;
	s0 =	sld [smem:$0x3FA8]  }
0x30: {  	s3 =	sld [smem:$0x3FAB]  }
0x31: {  	[smem:$0x3FB4] =	sst s10  }
0x32: {  	s10 =	sld [smem:$0x3FB2];
	_ =	sdelay $0x3  }
0x33: {  	p0 =	seq.s32 s10, $0x1;
	s10 =	sld [smem:$0x3FB4];
	_ =	sdelay $0x3  }
0x34: {  	[smem:$0x3FB4] =	sst s10  }
0x35: {  	s10 =	sld [smem:$0x3FB3];
	_ =	sdelay $0x3  }
0x36: {  	p1 =	seq.s32 s10, $0x1;
	s10 =	sld [smem:$0x3FB4];
	_ =	sdelay $0x3  }
0x37: {  	[smem:$0x3FB4] =	sst s10  }
0x38: {  	s10 =	sld [smem:$0x3FB5]  }
0x39: {  	_ = 	snop;
	(pc) =	sbr.ind lr, $3  }
0x3a: {  	_ = 	snop  }
0x3b: {  	_ = 	snop  }
0x3c: {  	p2 =	seq.s32 s10, $0x1;
	s10 =	sld [smem:$0x3FB4]  }
0x3d: {  	_ =	shalt  }
0x3e: {  	_ =	shalt  }
0x3f: {  	_ =	shalt  }
0x40: {  	_ =	shalt  }
0x41: {  	_ =	shalt  }
0x42: {  	_ =	shalt  }
0x43: {  	_ =	shalt  }
0x44: {  	_ =	shalt  }
0x45: {  	_ =	shalt  }
0x46: {  	_ =	shalt  }
0x47: {  	_ =	shalt  }
0x48: {  	_ =	shalt  }
0x49: {  	_ =	shalt  }
0x4a: {  	_ =	shalt  }
0x4b: {  	_ =	shalt  }
0x4c: {  	_ =	shalt  }
0x4d: {  	_ =	shalt  }
0x4e: {  	_ =	shalt  }
0x4f: {  	_ =	shalt  }
0x50: {  	_ =	shalt  }
0x51: {  	_ =	shalt  }
0x52: {  	_ =	shalt  }
0x53: {  	_ =	shalt  }
0x54: {  	_ =	shalt  }
0x55: {  	_ =	shalt  }
0x56: {  	_ =	shalt  }
0x57: {  	_ =	shalt  }
0x58: {  	_ =	shalt  }
0x59: {  	_ =	shalt  }
0x5a: {  	_ =	shalt  }
0x5b: {  	_ =	shalt  }
0x5c: {  	_ =	shalt  }
0x5d: {  	_ =	shalt  }
0x5e: {  	_ =	shalt  }
0x5f: {  	_ =	shalt  }
0x60: {  	_ =	shalt  }
0x61: {  	_ =	shalt  }
0x62: {  	_ =	shalt  }
0x63: {  	_ =	shalt  }
0x64: {  	_ =	shalt  }
0x65: {  	_ =	shalt  }
0x66: {  	_ =	shalt  }
0x67: {  	_ =	shalt  }
0x68: {  	_ =	shalt  }
0x69: {  	_ =	shalt  }
0x6a: {  	_ =	shalt  }
0x6b: {  	_ =	shalt  }
0x6c: {  	_ =	shalt  }
0x6d: {  	_ =	shalt  }
0x6e: {  	_ =	shalt  }
0x6f: {  	_ =	shalt  }
0x70: {  	_ =	shalt  }
0x71: {  	_ =	shalt  }
0x72: {  	_ =	shalt  }
0x73: {  	_ =	shalt  }
0x74: {  	_ =	shalt  }
0x75: {  	_ =	shalt  }
0x76: {  	_ =	shalt  }
0x77: {  	_ =	shalt  }
0x78: {  	_ =	shalt  }
0x79: {  	_ =	shalt  }
0x7a: {  	_ =	shalt  }
0x7b: {  	_ =	shalt  }
0x7c: {  	_ =	shalt  }
0x7d: {  	_ =	shalt  }
0x7e: {  	_ =	shalt  }
0x7f: {  	_ =	shalt  }
0x80: {  	_ =	shalt  }
0x81: {  	_ =	shalt  }
0x82: {  	_ =	shalt  }
0x83: {  	_ =	shalt  }
0x84: {  	_ =	shalt  }
0x85: {  	_ =	shalt  }
0x86: {  	_ =	shalt  }
0x87: {  	_ =	shalt  }
.Lfunc_end0:
.L_simem_size_0:
called_computation.3_lowered:
.L_overlay_start_0:
0x88: {  	s2 =	sld [smem:$0x3FD9]  }
0x89: {  	s3 =	sld [smem:$0x3FFE];
	_ =	sdelay $0x1  }
0x8a: {  	s1 =	srdreg.scid  }
0x8b: {  	s0 =	sand.u32 $0x1, s1  }
0x8c: {  	s17 =	sshll.u32 s0, $0xA;
	s2 =	sadd.s32 s3, s2  }
0x8d: {  	s2 =	sadd.s32 s2, s17  }
0x8e: {  	[smem:$0x3FC0] =	sst s2  }
0x8f: {  	_ = 	snop  }
0x90: {  	s2 =	sld [smem:$0x3FD0];
	(tm) =	ssettm $0x1  }
0x91: {  	s18 =	sld [smem:$0x3FFB];
	_ =	sdelay $0x3  }
0x92: {  	_ =	strace s18  }
0x93: {  	s3 =	sld [smem:$0x3FFC];
	_ =	sdelay $0x3  }
0x94: {  	_ =	strace s3  }
0x95: {  	s3 =	sld [smem:$0x3FFD];
	_ =	sdelay $0x3  }
0x96: {  	_ =	strace s3  }
0x97: {  	_ =	strace $0x8FFFFFFF  }
0x98: {  	s19 =	sld [smem:$0x3FDB];
	_ =	sdelay $0x1  }
0x99: {  	s4 =	simm.s32 $_scs_section_size  }
0x9a: {  	s5 =	simm.s32 $_size__tile_overlayer_lowered;
	s6 =	simm.s32 $_tile_overlayer_lowered  }
0x9b: {  	s22 =	simm.s32 $0x1BFF;
	s21 =	sshll.u32 s6, $0x1;
	s3 =	sadd.s32 s4, s19  }
0x9c: {  	s7 =	simm.s32 $0x0;
	s20 =	sshll.u32 s5, $0x1;
	s5 =	sadd.s32 s21, s3  }
0x9d: {  	[timem:s7], [sflag:s22] =	dma.local [hbm:s5], s20  }
0x9e: {  	_ =	swait.ge [sflag:s22], s20  }
0x9f: {  	s4 =	ssub.s32 $0x0, s20;
	[sflag:s22] =	ssyncset.done $0x0  }
0xa0: {  	[sflag:s22] =	ssyncadd.s32 s4;
	_ =	sdelay $0x1  }
0xa1: {  	s23 =	simm.s32 $0x1B8B  }
0xa2: {  	_ =	swait.ge [sflag:s23], $0x1  }
0xa3: {  	[sflag:s23] =	ssyncset.done $0x0  }
0xa4: {  	s25 =	simm.s32 $0x1B8E;
	s24 =	sld [smem:$0x3FFE];
	[sflag:s23] =	ssyncadd.s32 $0xFFFFFFFF  }
0xa5: {  	s26 =	simm.s32 $execute0_lowered;
	[smem:$0x3FD2] =	sst s25  }
0xa6: {  	s5 =	sshll.u32 s26, $0x1;
	_ =	strace $0x8000004F;
	[dreg:$0x1] =	wrdreg $0xFFFFFFFF  }
0xa7: {  	s28 =	simm.s32 $_size_execute0_lowered;
	s3 =	sadd.s32 s3, s5;
	[dreg:$0x0] =	wrdreg $0x0  }
0xa8: {  	s5 =	sshll.u32 s28, $0x1;
	[dreg:$0x2] =	wrdreg s3  }
0xa9: {  	[dreg:$0x3] =	wrdreg s5  }
0xaa: {  	[dreg:$0x4] =	wrdreg $0xC0  }
0xab: {  	_ =	task [dreg:s7], $0x5FFFF  }
0xac: {  	[dreg:$0x1] =	wrdreg $0xFFFFFFFF  }
0xad: {  	[dreg:$0x0] =	wrdreg $0x60  }
0xae: {  	[dreg:$0x2] =	wrdreg s2  }
0xaf: {  	[dreg:$0x3] =	wrdreg s24  }
0xb0: {  	[dreg:$0x4] =	wrdreg $0xA8000  }
0xb1: {  	[dreg:$0x5] =	wrdreg $0x9  }
0xb2: {  	_ =	task.clear_ibuf [dreg:s7], $0x6FFFF;
	_ =	strace $0x9000004F  }
0xb3: {  	s29 =	simm.s32 $0x9;
	_ =	strace $0x80000051  }
0xb4: {  	_ =	swait.ge [sflag:s29], $0x1  }
0xb5: {  	[sflag:s29] =	ssyncadd.s32 $0xFFFFFFFF  }
0xb6: {  	_ =	strace $0x90000051  }
0xb7: {  	_ =	sfence  }
0xb8: {  	s30 =	sld [smem:$0x0];
	_ =	sdelay $0x2  }
0xb9: {  	s31 =	sshll.u32 s1, $0xD;
	s1 =	sshrl.u32 s1, $0x2  }
0xba: {  	s3 =	sand.u32 $0x4000, s31;
	s1 =	sadd.s32 s1, s30  }
0xbb: {  	s0 =	sor.u32 s3, s0;
	s1 =	sshll.u32 s1, $0x11  }
0xbc: {  	s0 =	sor.u32 s1, s0  }
0xbd: {  	s0 =	sadd.s32 $0x8F2B, s0  }
0xbe: {  	[sflag:s0] =	ssyncadd.remote.s32 $0x1  }
0xbf: {  	_ =	sfence.sel $0xFFFF  }
0xc0: {  	[dreg:$0x0] =	wrdreg $0xFFFFFFFF;
	(pc) =	sbr.abs _section_cstart, $3  }
0xc1: {  	[dreg:$0x1] =	wrdreg $0xFFFFFFFF  }
0xc2: {  	_ =	task.clear_ibuf [dreg:s7], $0x2FFFF;
	_ =	strace $0x9FFFFFFF  }
0xc3: {  	(tm) =	ssettm $0x7FFFFFFF  }
tec
execute0_lowered:
.L_overlay_start_1:
0x0: {  	(tag) =	ssettag $0x1  }
0x1: {  	s2 =	rddreg [dreg:$0x0]  }
0x2: {  	s0 =	srdreg.scid;
	s7 =	rddreg [dreg:$0x1]  }
0x3: {  	s26 =	stileid.u32;
	s3 =	rddreg [dreg:$0x2];
	s4 =	simm.s32 $0x0  }
0x4: {  	s15 =	simm.s32 $0x2800;
	s16 =	simm.s32 $0x5;
	s17 =	simm.s32 $0x80  }
0x5: {  	s18 =	simm.s32 $0x6800;
	s19 =	simm.s32 $0x1;
	s20 =	simm.s32 $0x2  }
0x6: {  	s21 =	simm.s32 $0x3;
	s22 =	simm.s32 $0x4;
	s23 =	simm.s32 $0x2700  }
0x7: {  	s24 =	simm.s32 $0x2680;
	s28 =	simm.s32 $0x0;
	s9 =	smul.u32 $0x13C00, s26  }
0x8: {  	s6 =	sand.u32 $0x1, s0;
	[smem:$0x7FF] =	sst s4;
	s10 =	smul.u32 $0x4F000, s26  }
0x9: {  	s25 =	sshll.u32 s26, $0x6;
	s1 =	sshll.u32 s6, $0x4;
	s8 =	smul.u32 $0x13C000, s6  }
0xa: {  	_ =	strace $0x80000050;
	s29 =	ssub.s32 $0x2, s6;
	s25 =	sor.u32 $0x1C05, s25  }
0xb: {  	s1 =	sor.u32 s26, s1;
	s30 =	sshrl.u32 s10, $0x2;
	s31 =	sshrl.u32 s29, $0x1  }
0xc: {  	s26 =	simm.s32 $0x2780;
	s5 =	smul.u32 $0x5000, s1;
	s8 =	sadd.s32 s9, s8  }
0xd: {  	s6 =	sadd.s32 s30, s3;
	s12 =	ssub.s32 s29, s31;
	s8 =	sshrl.u32 s8, $0x3  }
0xe: {  	s9 =	sadd.s32 $0xC000, s6;
	s10 =	sadd.s32 $0x10000, s6;
	s12 =	smax.u32 s12, $0x1  }
0xf: {  	s5 =	sshrl.u32 s5, $0x3;
	s11 =	sadd.s32 s8, s7;
	s8 =	sadd.s32 $0x8000, s6  }
0x10: {  	s14 =	sadd.s32 s5, s7;
	s5 =	sadd.s32 $0x3800, s7;
	s7 =	sadd.s32 $0x4000, s6  }
0x11: {  	s11 =	sadd.s32 $0x67800, s11;
	s13 =	sadd.s32 $0x53800, s14;
	s14 =	sadd.s32 $0x53D00, s14  }
.LBB2_1:
0x12: {  	[tilespmem:s15], [sflag:$0x5] =	stream.linear.gather [hbm4b:s5+s4], $0x4000, $0x38;
	[tilespmem:$0x1E400] =	vst v63  }
0x13: {  	_ =	swait.ge [sflag:s16], $0x4000  }
0x14: {  	[sflag:s16] =	ssyncset.done $0x0  }
0x15: {  	[sflag:s16] =	ssyncadd.s32 $0xFFFFC000  }
0x16: {  	[spmem:s6] =	stream.linear.scatter [tilespmem:s15], [sflag:$0x5], $0x4000, $0x38;
	[tilespmem:$0x1E400] =	vst v63  }
0x17: {  	_ =	swait.ge [sflag:s16], $0x4000  }
0x18: {  	[sflag:s16] =	ssyncset.done $0x0  }
0x19: {  	[sflag:s16] =	ssyncadd.s32 $0xFFFFC000  }
0x1a: {  	[spmem:s7] =	stream.linear.scatter [tilespmem:s15], [sflag:$0x5], $0x4000, $0x38;
	[tilespmem:$0x1E400] =	vst v63  }
0x1b: {  	_ =	swait.ge [sflag:s16], $0x4000  }
0x1c: {  	[sflag:s16] =	ssyncset.done $0x0  }
0x1d: {  	[sflag:s16] =	ssyncadd.s32 $0xFFFFC000  }
0x1e: {  	[spmem:s8] =	stream.linear.scatter [tilespmem:s15], [sflag:$0x5], $0x4000, $0x38;
	[tilespmem:$0x1E400] =	vst v63  }
0x1f: {  	_ =	swait.ge [sflag:s16], $0x4000  }
0x20: {  	[sflag:s16] =	ssyncset.done $0x0  }
0x21: {  	[sflag:s16] =	ssyncadd.s32 $0xFFFFC000  }
0x22: {  	[spmem:s9] =	stream.linear.scatter [tilespmem:s15], [sflag:$0x5], $0x4000, $0x38;
	[tilespmem:$0x1E400] =	vst v63  }
0x23: {  	_ =	swait.ge [sflag:s16], $0x4000  }
0x24: {  	[sflag:s16] =	ssyncset.done $0x0  }
0x25: {  	[sflag:s16] =	ssyncadd.s32 $0xFFFFC000  }
0x26: {  	[spmem:s10] =	stream.linear.scatter [tilespmem:s15], [sflag:$0x5], $0x3C00, $0x38;
	[tilespmem:$0x1E400] =	vst v63  }
0x27: {  	_ =	swait.ge [sflag:s16], $0x3C00  }
0x28: {  	[sflag:s16] =	ssyncset.done $0x0  }
0x29: {  	[sflag:s16] =	ssyncadd.s32 $0xFFFFC400  }
0x2a: {  	[bflag:$0x0] =	sbarrier.arrive $0xFFFF  }
0x2b: {  	[tilespmem:s4], [sflag:$0x5] =	stream.linear.gather [hbm4b:s13+s4], $0x2800, $0x38;
	[tilespmem:$0x1E400] =	vst v63  }
0x2c: {  	_ =	swait.ge [sflag:s16], $0x2800  }
0x2d: {  	[sflag:s16] =	ssyncset.done $0x0  }
0x2e: {  	[sflag:s16] =	ssyncadd.s32 $0xFFFFD800  }
0x2f: {  	[tilespmem:s15], [sflag:$0x1] =	stream.indirect.gather [hbm4b:s2+s17], $0x80, s4, s17, $0xb8;
	[tilespmem:$0x1E400] =	vst v63  }
0x30: {  	s29 =	simm.s32 $0x100  }
0x31: {  	[tilespmem:s18], [sflag:$0x2] =	stream.indirect.gather [hbm4b:s2+s17], $0x80, s29, s17, $0xb8;
	[tilespmem:$0x1E400] =	vst v63  }
0x32: {  	_ =	swait.ge [sflag:s19], $0x4000  }
0x33: {  	[sflag:s19] =	ssyncset.done $0x0  }
0x34: {  	s29 =	simm.s32 $0x80;
	[sflag:s19] =	ssyncadd.s32 $0xFFFFC000  }
0x35: {  	[spmem:s3] =	stream.indirect.scatter.add.f32 [tilespmem:s15], [sflag:$0x3], $0x80, s29, s17, $0xb8;
	[tilespmem:$0x1E400] =	vst v63  }
0x36: {  	_ =	swait.ge [sflag:s20], $0x4000  }
0x37: {  	[sflag:s20] =	ssyncset.done $0x0  }
0x38: {  	s29 =	simm.s32 $0x180;
	[sflag:s20] =	ssyncadd.s32 $0xFFFFC000  }
0x39: {  	[spmem:s3] =	stream.indirect.scatter.add.f32 [tilespmem:s18], [sflag:$0x4], $0x80, s29, s17, $0xb8;
	[tilespmem:$0x1E400] =	vst v63  }
0x3a: {  	_ =	swait.ge [sflag:s21], $0x4000  }
0x3b: {  	[sflag:s21] =	ssyncset.done $0x0  }
0x3c: {  	s29 =	simm.s32 $0x200;
	[sflag:s21] =	ssyncadd.s32 $0xFFFFC000  }
0x3d: {  	[tilespmem:s15], [sflag:$0x1] =	stream.indirect.gather [hbm4b:s2+s17], $0x80, s29, s17, $0xb8;
	[tilespmem:$0x1E400] =	vst v63  }
0x3e: {  	_ =	swait.ge [sflag:s22], $0x4000  }
0x3f: {  	s30 =	simm.s32 $0xFFFF7800;
	s29 =	simm.s32 $0xFFFFDC00;
	[sflag:s22] =	ssyncset.done $0x0  }
.LBB2_2:
0x40: {  	s31 =	sadd.s32 $0x2700, s29  }
0x41: {  	[sflag:s22] =	ssyncadd.s32 $0xFFFFC000;
	s1 =	smov.u32 s30;
	s0 =	sadd.s32 $0x800, s30  }
0x42: {  	[tilespmem:s18], [sflag:$0x2] =	stream.indirect.gather [hbm4b:s2+s17], $0x80, s31, s17, $0xb8;
	[tilespmem:$0x1E400] =	vst v63  }
0x43: {  	p0 =	sne.s32 s30, $0xFFFFF800;
	_ =	swait.ge [sflag:s19], $0x4000  }
0x44: {  	[sflag:s19] =	ssyncset.done $0x0  }
0x45: {  	s30 =	sadd.s32 $0x2680, s29;
	[sflag:s19] =	ssyncadd.s32 $0xFFFFC000  }
0x46: {  	[spmem:s3] =	stream.indirect.scatter.add.f32 [tilespmem:s15], [sflag:$0x3], $0x80, s30, s17, $0xb8;
	[tilespmem:$0x1E400] =	vst v63  }
0x47: {  	_ =	swait.ge [sflag:s20], $0x4000  }
0x48: {  	[sflag:s20] =	ssyncset.done $0x0  }
0x49: {  	s30 =	sadd.s32 $0x2780, s29;
	[sflag:s20] =	ssyncadd.s32 $0xFFFFC000  }
0x4a: {  	[spmem:s3] =	stream.indirect.scatter.add.f32 [tilespmem:s18], [sflag:$0x4], $0x80, s30, s17, $0xb8;
	[tilespmem:$0x1E400] =	vst v63  }
0x4b: {  	_ =	swait.ge [sflag:s21], $0x4000  }
.Ltmp0:
0x4c: {  	[sflag:s21] =	ssyncset.done $0x0;
	(pc) =	sbr.rel @p0 .LBB2_2-.Ltmp0, $4  }
0x4d: {  	s29 =	sadd.s32 $0x2800, s29;
	[sflag:s21] =	ssyncadd.s32 $0xFFFFC000  }
0x4e: {  	[tilespmem:s15], [sflag:$0x1] =	stream.indirect.gather [hbm4b:s2+s17], $0x80, s29, s17, $0xb8;
	[tilespmem:$0x1E400] =	vst v63  }
0x4f: {  	_ =	swait.ge [sflag:s22], $0x4000  }
0x50: {  	s30 =	smov.u32 s0;
	s29 =	sshra.s32 s1, $0x2;
	[sflag:s22] =	ssyncset.done $0x0  }
0x51: {  	s0 =	sadd.s32 $0x2700, s29;
	[sflag:s22] =	ssyncadd.s32 $0xFFFFC000  }
0x52: {  	[tilespmem:s18], [sflag:$0x2] =	stream.indirect.gather [hbm4b:s2+s17], $0x80, s0, s17, $0xb8;
	[tilespmem:$0x1E400] =	vst v63  }
0x53: {  	_ =	swait.ge [sflag:s19], $0x4000  }
0x54: {  	[sflag:s19] =	ssyncset.done $0x0  }
0x55: {  	s31 =	sadd.s32 $0x2680, s29;
	[sflag:s19] =	ssyncadd.s32 $0xFFFFC000  }
0x56: {  	[spmem:s3] =	stream.indirect.scatter.add.f32 [tilespmem:s15], [sflag:$0x3], $0x80, s31, s17, $0xb8;
	[tilespmem:$0x1E400] =	vst v63  }
0x57: {  	_ =	swait.ge [sflag:s20], $0x4000  }
0x58: {  	[sflag:s20] =	ssyncset.done $0x0  }
0x59: {  	s1 =	sadd.s32 $0x2780, s29;
	[sflag:s20] =	ssyncadd.s32 $0xFFFFC000  }
0x5a: {  	[spmem:s3] =	stream.indirect.scatter.add.f32 [tilespmem:s18], [sflag:$0x4], $0x80, s1, s17, $0xb8;
	[tilespmem:$0x1E400] =	vst v63  }
0x5b: {  	_ =	swait.ge [sflag:s21], $0x4000  }
0x5c: {  	[sflag:s21] =	ssyncset.done $0x0  }
0x5d: {  	s31 =	sadd.s32 $0x2800, s29;
	[sflag:s21] =	ssyncadd.s32 $0xFFFFC000  }
0x5e: {  	[tilespmem:s15], [sflag:$0x1] =	stream.indirect.gather [hbm4b:s2+s17], $0x80, s31, s17, $0xb8;
	[tilespmem:$0x1E400] =	vst v63  }
0x5f: {  	_ =	swait.ge [sflag:s22], $0x4000  }
0x60: {  	[sflag:s22] =	ssyncset.done $0x0  }
0x61: {  	[sflag:s22] =	ssyncadd.s32 $0xFFFFC000  }
0x62: {  	[tilespmem:s18], [sflag:$0x2] =	stream.indirect.gather [hbm4b:s2+s17], $0x80, s23, s17, $0xb8;
	[tilespmem:$0x1E400] =	vst v63  }
0x63: {  	_ =	swait.ge [sflag:s19], $0x4000  }
0x64: {  	[sflag:s19] =	ssyncset.done $0x0  }
0x65: {  	[sflag:s19] =	ssyncadd.s32 $0xFFFFC000  }
0x66: {  	[spmem:s3] =	stream.indirect.scatter.add.f32 [tilespmem:s15], [sflag:$0x3], $0x80, s24, s17, $0xb8;
	[tilespmem:$0x1E400] =	vst v63  }
0x67: {  	_ =	swait.ge [sflag:s20], $0x4000  }
0x68: {  	[sflag:s20] =	ssyncset.done $0x0  }
0x69: {  	[sflag:s20] =	ssyncadd.s32 $0xFFFFC000  }
0x6a: {  	[spmem:s3] =	stream.indirect.scatter.add.f32 [tilespmem:s18], [sflag:$0x4], $0x80, s26, s17, $0xb8;
	[tilespmem:$0x1E400] =	vst v63  }
0x6b: {  	_ =	swait.ge [sflag:s21], $0x4000  }
0x6c: {  	[sflag:s21] =	ssyncset.done $0x0  }
0x6d: {  	[sflag:s21] =	ssyncadd.s32 $0xFFFFC000  }
0x6e: {  	_ =	swait.ge [sflag:s22], $0x4000  }
0x6f: {  	[sflag:s22] =	ssyncset.done $0x0  }
0x70: {  	[sflag:s22] =	ssyncadd.s32 $0xFFFFC000  }
0x71: {  	[tilespmem:s4], [sflag:$0x5] =	stream.linear.gather [hbm4b:s14+s4], $0x2800, $0x38;
	[tilespmem:$0x1E400] =	vst v63  }
0x72: {  	_ =	swait.ge [sflag:s16], $0x2800  }
0x73: {  	[sflag:s16] =	ssyncset.done $0x0  }
0x74: {  	[sflag:s16] =	ssyncadd.s32 $0xFFFFD800  }
0x75: {  	[tilespmem:s15], [sflag:$0x1] =	stream.indirect.gather [hbm4b:s2+s17], $0x80, s4, s17, $0xb8;
	[tilespmem:$0x1E400] =	vst v63  }
0x76: {  	s1 =	simm.s32 $0x100  }
0x77: {  	[tilespmem:s18], [sflag:$0x2] =	stream.indirect.gather [hbm4b:s2+s17], $0x80, s1, s17, $0xb8;
	[tilespmem:$0x1E400] =	vst v63  }
0x78: {  	_ =	swait.ge [sflag:s19], $0x4000  }
0x79: {  	[sflag:s19] =	ssyncset.done $0x0  }
0x7a: {  	s31 =	simm.s32 $0x80;
	[sflag:s19] =	ssyncadd.s32 $0xFFFFC000  }
0x7b: {  	[spmem:s3] =	stream.indirect.scatter.add.f32 [tilespmem:s15], [sflag:$0x3], $0x80, s31, s17, $0xb8;
	[tilespmem:$0x1E400] =	vst v63  }
0x7c: {  	_ =	swait.ge [sflag:s20], $0x4000  }
0x7d: {  	[sflag:s20] =	ssyncset.done $0x0  }
0x7e: {  	s1 =	simm.s32 $0x180;
	[sflag:s20] =	ssyncadd.s32 $0xFFFFC000  }
0x7f: {  	[spmem:s3] =	stream.indirect.scatter.add.f32 [tilespmem:s18], [sflag:$0x4], $0x80, s1, s17, $0xb8;
	[tilespmem:$0x1E400] =	vst v63  }
0x80: {  	_ =	swait.ge [sflag:s21], $0x4000  }
0x81: {  	[sflag:s21] =	ssyncset.done $0x0  }
0x82: {  	s31 =	simm.s32 $0x200;
	[sflag:s21] =	ssyncadd.s32 $0xFFFFC000  }
0x83: {  	[tilespmem:s15], [sflag:$0x1] =	stream.indirect.gather [hbm4b:s2+s17], $0x80, s31, s17, $0xb8;
	[tilespmem:$0x1E400] =	vst v63  }
0x84: {  	_ =	swait.ge [sflag:s22], $0x4000  }
0x85: {  	s30 =	simm.s32 $0xFFFF7800;
	s29 =	simm.s32 $0xFFFFDC00;
	[sflag:s22] =	ssyncset.done $0x0  }
.LBB2_4:
0x86: {  	s0 =	sadd.s32 $0x2700, s29  }
0x87: {  	[sflag:s22] =	ssyncadd.s32 $0xFFFFC000;
	s1 =	smov.u32 s30;
	s31 =	sadd.s32 $0x800, s30  }
0x88: {  	[tilespmem:s18], [sflag:$0x2] =	stream.indirect.gather [hbm4b:s2+s17], $0x80, s0, s17, $0xb8;
	[tilespmem:$0x1E400] =	vst v63  }
0x89: {  	p0 =	sne.s32 s30, $0xFFFFF800;
	_ =	swait.ge [sflag:s19], $0x4000  }
0x8a: {  	[sflag:s19] =	ssyncset.done $0x0  }
0x8b: {  	s0 =	sadd.s32 $0x2680, s29;
	[sflag:s19] =	ssyncadd.s32 $0xFFFFC000  }
0x8c: {  	[spmem:s3] =	stream.indirect.scatter.add.f32 [tilespmem:s15], [sflag:$0x3], $0x80, s0, s17, $0xb8;
	[tilespmem:$0x1E400] =	vst v63  }
0x8d: {  	_ =	swait.ge [sflag:s20], $0x4000  }
0x8e: {  	[sflag:s20] =	ssyncset.done $0x0  }
0x8f: {  	s0 =	sadd.s32 $0x2780, s29;
	[sflag:s20] =	ssyncadd.s32 $0xFFFFC000  }
0x90: {  	[spmem:s3] =	stream.indirect.scatter.add.f32 [tilespmem:s18], [sflag:$0x4], $0x80, s0, s17, $0xb8;
	[tilespmem:$0x1E400] =	vst v63  }
0x91: {  	_ =	swait.ge [sflag:s21], $0x4000  }
.Ltmp1:
0x92: {  	[sflag:s21] =	ssyncset.done $0x0;
	(pc) =	sbr.rel @p0 .LBB2_4-.Ltmp1, $4  }
0x93: {  	s0 =	sadd.s32 $0x2800, s29;
	[sflag:s21] =	ssyncadd.s32 $0xFFFFC000  }
0x94: {  	[tilespmem:s15], [sflag:$0x1] =	stream.indirect.gather [hbm4b:s2+s17], $0x80, s0, s17, $0xb8;
	[tilespmem:$0x1E400] =	vst v63  }
0x95: {  	_ =	swait.ge [sflag:s22], $0x4000  }
0x96: {  	s30 =	smov.u32 s31;
	s29 =	sshra.s32 s1, $0x2;
	[sflag:s22] =	ssyncset.done $0x0  }
0x97: {  	s0 =	sadd.s32 $0x2700, s29;
	[sflag:s22] =	ssyncadd.s32 $0xFFFFC000  }
0x98: {  	[tilespmem:s18], [sflag:$0x2] =	stream.indirect.gather [hbm4b:s2+s17], $0x80, s0, s17, $0xb8;
	[tilespmem:$0x1E400] =	vst v63  }
0x99: {  	_ =	swait.ge [sflag:s19], $0x4000  }
0x9a: {  	[sflag:s19] =	ssyncset.done $0x0  }
0x9b: {  	s31 =	sadd.s32 $0x2680, s29;
	[sflag:s19] =	ssyncadd.s32 $0xFFFFC000  }
0x9c: {  	[spmem:s3] =	stream.indirect.scatter.add.f32 [tilespmem:s15], [sflag:$0x3], $0x80, s31, s17, $0xb8;
	[tilespmem:$0x1E400] =	vst v63  }
0x9d: {  	_ =	swait.ge [sflag:s20], $0x4000  }
0x9e: {  	[sflag:s20] =	ssyncset.done $0x0  }
0x9f: {  	s1 =	sadd.s32 $0x2780, s29;
	[sflag:s20] =	ssyncadd.s32 $0xFFFFC000  }
0xa0: {  	[spmem:s3] =	stream.indirect.scatter.add.f32 [tilespmem:s18], [sflag:$0x4], $0x80, s1, s17, $0xb8;
	[tilespmem:$0x1E400] =	vst v63  }
0xa1: {  	_ =	swait.ge [sflag:s21], $0x4000  }
0xa2: {  	[sflag:s21] =	ssyncset.done $0x0  }
0xa3: {  	s30 =	sadd.s32 $0x2800, s29;
	[sflag:s21] =	ssyncadd.s32 $0xFFFFC000  }
0xa4: {  	[tilespmem:s15], [sflag:$0x1] =	stream.indirect.gather [hbm4b:s2+s17], $0x80, s30, s17, $0xb8;
	[tilespmem:$0x1E400] =	vst v63  }
0xa5: {  	_ =	swait.ge [sflag:s22], $0x4000  }
0xa6: {  	[sflag:s22] =	ssyncset.done $0x0  }
0xa7: {  	[sflag:s22] =	ssyncadd.s32 $0xFFFFC000  }
0xa8: {  	[tilespmem:s18], [sflag:$0x2] =	stream.indirect.gather [hbm4b:s2+s17], $0x80, s23, s17, $0xb8;
	[tilespmem:$0x1E400] =	vst v63  }
0xa9: {  	_ =	swait.ge [sflag:s19], $0x4000  }
0xaa: {  	[sflag:s19] =	ssyncset.done $0x0  }
0xab: {  	[sflag:s19] =	ssyncadd.s32 $0xFFFFC000  }
0xac: {  	[spmem:s3] =	stream.indirect.scatter.add.f32 [tilespmem:s15], [sflag:$0x3], $0x80, s24, s17, $0xb8;
	[tilespmem:$0x1E400] =	vst v63  }
0xad: {  	_ =	swait.ge [sflag:s20], $0x4000  }
0xae: {  	[sflag:s20] =	ssyncset.done $0x0  }
0xaf: {  	[sflag:s20] =	ssyncadd.s32 $0xFFFFC000  }
0xb0: {  	[spmem:s3] =	stream.indirect.scatter.add.f32 [tilespmem:s18], [sflag:$0x4], $0x80, s26, s17, $0xb8;
	[tilespmem:$0x1E400] =	vst v63  }
0xb1: {  	_ =	swait.ge [sflag:s21], $0x4000  }
0xb2: {  	[sflag:s21] =	ssyncset.done $0x0  }
0xb3: {  	[sflag:s21] =	ssyncadd.s32 $0xFFFFC000  }
0xb4: {  	_ =	swait.ge [sflag:s22], $0x4000  }
0xb5: {  	s28 =	sadd.s32 $0x1, s28;
	[sflag:s22] =	ssyncset.done $0x0  }
0xb6: {  	p0 =	sne.s32 s28, s12;
	[sflag:s22] =	ssyncadd.s32 $0xFFFFC000  }
.Ltmp2:
0xb7: {  	s31 =	sshrl.u32 s6, $0x3;
	[bflag:$0x0] =	sbarrier.arrive $0xFFFF;
	(pc) =	sbr.rel @p0 .LBB2_1-.Ltmp2, $4  }
0xb8: {  	[hbm:s11], [sflag:s25] =	dma.local [spmem:s31], $0x2780  }
0xb9: {  	_ =	swait.ge [sflag:s16], $0x2780  }
0xba: {  	[sflag:s16] =	ssyncset.done $0x0  }
0xbb: {  	[sflag:s16] =	ssyncadd.s32 $0xFFFFD880  }
0xbc: {  	_ =	sfence.sel $0x180000  }
0xbd: {  	[bflag:$0x0] =	sbarrier.arrive $0xFFFF  }
0xbe: {  	_ =	strace $0x90000050  }
0xbf: {  	s0 =	stileid.u32;
	[bflag:$0x2] =	sbarrier.arrive $0xFFFF  }
0xc0: {  	p0 =	sne.s32 s0, $0x0;
	s0 =	rddreg [dreg:$0x3]  }
0xc1: {  	s0 =	sadd.s32 @!p0 $0x100000, s0  }
0xc2: {  	[sflag:s0] =	ssyncadd.tile.s32 @!p0 $0x1;
	_ =	shalt  }
.Lfunc_end2:
_tile_overlayer_lowered:
.L_overlay_start_2:
0xc3: {  	(tag) =	ssettag $0x2  }
0xc4: {  	s0 =	rddreg [dreg:$0x0];
	s2 =	stileid.u32  }
0xc5: {  	s1 =	rddreg [dreg:$0x1];
	p0 =	sne.s32 s2, $0x0  }
0xc6: {  	s3 =	rddreg [dreg:$0x2];
	[bflag:$0x3] =	sbarrier.arrive $0xFFFF;
	s2 =	simm.s32 @!p0 $0x1C05  }
0xc7: {  	[timem:s3], [sflag:s2] =	dma.local @!p0 [hbm:s0], s1  }
0xc8: {  	s0 =	simm.s32 @!p0 $0x5  }
0xc9: {  	_ =	swait.ge @!p0 [sflag:s0], s1  }
0xca: {  	s1 =	ssub.s32 @!p0 $0x0, s1;
	[sflag:s0] =	ssyncset.done @!p0 $0x0  }
0xcb: {  	[sflag:s0] =	ssyncadd.s32 @!p0 s1  }
0xcc: {  	[bflag:$0x3] =	sbarrier.arrive $0xFFFF  }
0xcd: {  	_ =	shalt  }

</sc_bundles>
